<compile_context>
chip_gen: v7x
topology: tpu7x:2x2x1
jax: 0.10.2.dev20260603
libtpu: 0.0.44.dev20260713+nightly
codegen_flags: <defaults>
</compile_context>

<pallas_src>
import functools

import jax
import jax.numpy as jnp
from jax import lax
from jax.experimental import pallas as pl
from jax.experimental.pallas import tpu as pltpu
from jax.experimental.pallas import tpu_sc as plsc

D = 64
EPS = 1e-5

GV = 128
GPC = 4
CHUNK = GV * GPC


def _relayout_sc(tt, v):
    vp = ((v + 127) // 128) * 128
    n_tiles = vp // 128
    info = plsc.get_sparse_core_info()
    nc, ns = info.num_cores, info.num_subcores
    nw = nc * ns

    mesh = plsc.VectorSubcoreMesh(core_axis_name="c", subcore_axis_name="s")

    @functools.partial(
        pl.kernel,
        mesh=mesh,
        out_type=jax.ShapeDtypeStruct((vp // 2, 2 * D), jnp.float32),
        compiler_params=pltpu.CompilerParams(needs_layout_passes=False),
        scratch_types=[
            pltpu.VMEM((4, D, 128), jnp.float32),
            pltpu.VMEM((4, D, 128), jnp.float32),
            pltpu.SemaphoreType.DMA((4,)),
            pltpu.SemaphoreType.DMA((4,)),
        ],
    )
    def k(tt_hbm, out_hbm, buf, obuf, isem, osem):
        wid = lax.axis_index("s") * nc + lax.axis_index("c")
        t0 = (n_tiles * wid) // nw
        t1 = (n_tiles * (wid + 1)) // nw
        lanes = lax.iota(jnp.int32, 16)
        ones = jnp.ones((16,), jnp.int32)

        def load_desc(t, b):
            return pltpu.make_async_copy(
                tt_hbm.at[:, pl.ds(pl.multiple_of(t * 128, 128), 128)],
                buf.at[b],
                isem.at[b],
            )

        def store_desc(t, b):
            return pltpu.make_async_copy(
                obuf.at[b],
                out_hbm.at[pl.ds(pl.multiple_of(t * 64, 8), D)],
                osem.at[b],
            )

        def transpose_tile(b):
            def jbody(j, col):
                c = (col + lanes) & 127
                q = c >> 1
                cbase = (c & 1) * D
                for g in range(4):
                    d = lanes + 16 * g
                    vals = plsc.load_gather(buf.at[b], [d, c])
                    plsc.store_scatter(obuf.at[b], [q, cbase + d], vals)
                return col + ones

            plsc.parallel_loop(
                0, 128, step=1, unroll=8, carry=jnp.zeros((16,), jnp.int32)
            )(jbody)

        nbuf = 4

        def group_body(i, carry):
            for b in range(nbuf):
                t = t0 + nbuf * i + b

                @pl.when(t < t1)
                def _():
                    @pl.when(t + nbuf - 1 < t1)
                    def _():
                        load_desc(t + nbuf - 1, (b + nbuf - 1) % nbuf).start()

                    load_desc(t, b).wait()

                    @pl.when(t - nbuf >= t0)
                    def _():
                        store_desc(t - nbuf, b).wait()

                    transpose_tile(b)
                    store_desc(t, b).start()

            return carry

        n_groups = ((n_tiles + nw - 1) // nw + nbuf) // nbuf
        for b in range(nbuf - 1):
            @pl.when(t0 + b < t1)
            def _():
                load_desc(t0 + b, b).start()

        lax.fori_loop(0, n_groups, group_body, 0)
        m = t1 - t0

        for b in range(nbuf):
            @pl.when(m >= b + 1)
            def _():
                store_desc(t0 + b, b).wait()

    return k(tt)


def _gather_sc(table_rows, idx):
    n = idx.shape[0]
    info = plsc.get_sparse_core_info()
    nc, ns = info.num_cores, info.num_subcores
    nw = nc * ns
    n_per_w = n // nw
    n_chunks = n_per_w // CHUNK
    assert n_per_w % CHUNK == 0

    mesh = plsc.VectorSubcoreMesh(core_axis_name="c", subcore_axis_name="s")

    @functools.partial(
        pl.kernel,
        mesh=mesh,
        out_type=jax.ShapeDtypeStruct((n, D), jnp.float32),
        compiler_params=pltpu.CompilerParams(use_tc_tiling_on_sc=False),
        scratch_types=[
            pltpu.VMEM((2, CHUNK), jnp.int32),
            pltpu.VMEM((2, CHUNK, D), jnp.float32),
            pltpu.SemaphoreType.DMA((2,)),
            pltpu.SemaphoreType.DMA((2,)),
        ],
    )
    def k(table_hbm, idx_hbm, out_hbm, idx_v, rows_v, gsem, osem):
        wid = lax.axis_index("s") * nc + lax.axis_index("c")
        row_base = wid * n_per_w

        def fire(i, b):
            off = pl.multiple_of(row_base + i * CHUNK, CHUNK)
            pltpu.sync_copy(idx_hbm.at[pl.ds(off, CHUNK)], idx_v.at[b])
            for j in range(GPC):
                pltpu.async_copy(
                    table_hbm.at[idx_v.at[b, pl.ds(j * GV, GV)]],
                    rows_v.at[b, pl.ds(j * GV, GV)],
                    gsem.at[b],
                )

        def drain(i, b):
            for j in range(GPC):
                pltpu.make_async_copy(
                    table_hbm.at[idx_v.at[b, pl.ds(j * GV, GV)]],
                    rows_v.at[b, pl.ds(j * GV, GV)],
                    gsem.at[b],
                ).wait()

        def store_desc(i, b):
            off = pl.multiple_of(row_base + i * CHUNK, CHUNK)
            return pltpu.make_async_copy(
                rows_v.at[b],
                out_hbm.at[pl.ds(off, CHUNK)],
                osem.at[b],
            )

        def pair_body(p, carry):
            for b in (0, 1):
                i = 2 * p + b

                @pl.when(i < n_chunks)
                def _():
                    @pl.when(i + 1 < n_chunks)
                    def _():
                        @pl.when(i - 1 >= 0)
                        def _():
                            store_desc(i - 1, 1 - b).wait()

                        fire(i + 1, 1 - b)

                    drain(i, b)
                    store_desc(i, b).start()

            return carry

        fire(0, 0)
        lax.fori_loop(0, (n_chunks + 2) // 2, pair_body, 0)
        store_desc(0, (n_chunks - 2) % 2).wait()
        store_desc(0, (n_chunks - 1) % 2).wait()

    return k(table_rows, idx)


def _ln_tc(rows2, gamma_t, beta_t, s, b):
    h = b // 2

    def body(r_ref, g_ref, b_ref, o_ref):
        w = jnp.transpose(r_ref[...])
        u = jnp.concatenate([w[:D, :], w[D:, :]], axis=1)
        mean = jnp.mean(u, axis=0, keepdims=True)
        c = u - mean
        var = jnp.mean(c * c, axis=0, keepdims=True)
        o_ref[...] = (c * lax.rsqrt(var + EPS) * g_ref[...] + b_ref[...])[None]

    return pl.pallas_call(
        body,
        grid=(s,),
        in_specs=[
            pl.BlockSpec((h, 2 * D), lambda i: (i, 0)),
            pl.BlockSpec((D, 1), lambda i: (0, 0)),
            pl.BlockSpec((D, 1), lambda i: (0, 0)),
        ],
        out_specs=pl.BlockSpec((1, D, b), lambda i: (i, 0, 0)),
        out_shape=jax.ShapeDtypeStruct((s, D, b), jnp.float32),
    )(rows2, gamma_t, beta_t)


def kernel(x, table, gamma, beta):
    b, s = x.shape
    v = table.shape[0]
    tt = jnp.transpose(table)
    t2 = _relayout_sc(tt, v)
    table_rows = t2.reshape(t2.shape[0] * 2, D)
    xt3 = jnp.transpose(x).reshape(s, 2, b // 2)
    idx = jnp.transpose(xt3, (0, 2, 1)).reshape(-1).astype(jnp.int32)
    rows = _gather_sc(table_rows, idx)
    rows2 = rows.reshape((b * s) // 2, 2 * D)
    y = _ln_tc(rows2, gamma.reshape(D, 1), beta.reshape(D, 1), s, b)
    return jnp.transpose(y, (2, 0, 1))

# --- scband reference (transcript-rebuilt; emitter-appended) ---
"""Pipeline reference for scband-embedding-layer-12584254177933 (READ-ONLY COPY).

The authoritative reference and input builder live on the scoring server;
editing this copy changes nothing except your own understanding.
"""

import jax, jax.numpy as jnp
import numpy as np

VOCAB = 1000000
EMBED_DIM = 64
BATCH = 4096
SEQ = 200
EPS = 1e-5

def setup_inputs(seed: int = 0) -> dict:
    key = jax.random.key(seed)
    k1, k2 = jax.random.split(key)
    x = jax.random.randint(k1, (BATCH, SEQ), 0, VOCAB, dtype=jnp.int64 if jax.config.jax_enable_x64 else jnp.int32)
    # xavier_uniform init for embedding table
    bound = float(np.sqrt(6.0 / (VOCAB + EMBED_DIM)))
    table = jax.random.uniform(k2, (VOCAB, EMBED_DIM), dtype=jnp.float32, minval=-bound, maxval=bound)
    table = table.at[0].set(0.0)  # padding_idx zeroed
    gamma = jnp.ones((EMBED_DIM,), dtype=jnp.float32)
    beta = jnp.zeros((EMBED_DIM,), dtype=jnp.float32)
    return {"x": x, "table": table, "gamma": gamma, "beta": beta}

def reference(x, table, gamma, beta):
    # embedding gather
    embedded = jnp.take(table, x, axis=0)  # [B, S, D]
    # LayerNorm over last dim (eps=1e-5, matching torch default)
    mean = jnp.mean(embedded, axis=-1, keepdims=True)
    var = jnp.mean(jnp.square(embedded - mean), axis=-1, keepdims=True)
    normed = (embedded - mean) / jnp.sqrt(var + EPS)
    out = normed * gamma + beta
    # dropout is identity in eval mode
    return out

if __name__ == "__main__":
    import jax
    _d = setup_inputs()
    print(jax.jit(kernel)(*tuple(_d.values())))

</pallas_src>

<mosaic_0001>
#map = affine_map<(d0, d1) -> (0, 0)>
module attributes {stable_mosaic.version = 14 : i64} {
  func.func @k(%arg0: i32, %arg1: i32, %arg2: memref<64x1000000xf32, #tpu.memory_space<hbm>>, %arg3: memref<500032x128xf32, #tpu.memory_space<hbm>>, %arg4: memref<4x64x128xf32, #tpu.memory_space<vmem>>, %arg5: memref<4x64x128xf32, #tpu.memory_space<vmem>>, %arg6: memref<4x!tpu.dma_semaphore, #tpu.memory_space<semaphore_mem>>, %arg7: memref<4x!tpu.dma_semaphore, #tpu.memory_space<semaphore_mem>>) attributes {dimension_semantics = [#tpu.dimension_semantics<core_parallel>, #tpu.dimension_semantics<subcore_parallel>], iteration_bounds = array<i64: 2, 16>, scalar_prefetch = 0 : i64, scratch_operands = 4 : i64, tpu.core_type = #tpu.core_type<sc_vector_subcore>, window_params = [{transform_indices = #map}, {transform_indices = #map}]} {
    %mul3A = arith.constant 2 : i32
    %mul3A_0 = arith.muli %arg1, %mul3A : i32
    %add3A = arith.addi %mul3A_0, %arg0 : i32
    %mul3A_1 = arith.constant 7813 : i32
    %mul3A_2 = arith.muli %mul3A_1, %add3A : i32
    %jit3A = arith.constant 32 : i32
    %div3A = arith.divsi %mul3A_2, %jit3A : i32
    %sign3A = arith.constant 0 : i32
    %sign3A_3 = arith.cmpi sgt, %mul3A_2, %sign3A : i32
    %sign3A_4 = arith.extui %sign3A_3 : i1 to i32
    %sign3A_5 = arith.constant 0 : i32
    %sign3A_6 = arith.cmpi slt, %mul3A_2, %sign3A_5 : i32
    %sign3A_7 = arith.extui %sign3A_6 : i1 to i32
    %sign3A_8 = arith.subi %sign3A_4, %sign3A_7 : i32
    %sign3A_9 = arith.constant 0 : i32
    %sign3A_10 = arith.cmpi sgt, %jit3A, %sign3A_9 : i32
    %sign3A_11 = arith.extui %sign3A_10 : i1 to i32
    %sign3A_12 = arith.constant 0 : i32
    %sign3A_13 = arith.cmpi slt, %jit3A, %sign3A_12 : i32
    %sign3A_14 = arith.extui %sign3A_13 : i1 to i32
    %sign3A_15 = arith.subi %sign3A_11, %sign3A_14 : i32
    %ne3A = arith.cmpi ne, %sign3A_8, %sign3A_15 : i32
    %rem3A = arith.remsi %mul3A_2, %jit3A : i32
    %ne3A_16 = arith.constant 0 : i32
    %ne3A_17 = arith.cmpi ne, %rem3A, %ne3A_16 : i32
    %and3A = arith.andi %ne3A, %ne3A_17 : i1
    %sub3A = arith.constant 1 : i32
    %sub3A_18 = arith.subi %div3A, %sub3A : i32
    %select_n3A = arith.select %and3A, %sub3A_18, %div3A : i32
    %add3A_19 = arith.constant 1 : i32
    %add3A_20 = arith.addi %add3A, %add3A_19 : i32
    %mul3A_21 = arith.constant 7813 : i32
    %mul3A_22 = arith.muli %mul3A_21, %add3A_20 : i32
    %jit3A_23 = arith.constant 32 : i32
    %div3A_24 = arith.divsi %mul3A_22, %jit3A_23 : i32
    %sign3A_25 = arith.constant 0 : i32
    %sign3A_26 = arith.cmpi sgt, %mul3A_22, %sign3A_25 : i32
    %sign3A_27 = arith.extui %sign3A_26 : i1 to i32
    %sign3A_28 = arith.constant 0 : i32
    %sign3A_29 = arith.cmpi slt, %mul3A_22, %sign3A_28 : i32
    %sign3A_30 = arith.extui %sign3A_29 : i1 to i32
    %sign3A_31 = arith.subi %sign3A_27, %sign3A_30 : i32
    %sign3A_32 = arith.constant 0 : i32
    %sign3A_33 = arith.cmpi sgt, %jit3A_23, %sign3A_32 : i32
    %sign3A_34 = arith.extui %sign3A_33 : i1 to i32
    %sign3A_35 = arith.constant 0 : i32
    %sign3A_36 = arith.cmpi slt, %jit3A_23, %sign3A_35 : i32
    %sign3A_37 = arith.extui %sign3A_36 : i1 to i32
    %sign3A_38 = arith.subi %sign3A_34, %sign3A_37 : i32
    %ne3A_39 = arith.cmpi ne, %sign3A_31, %sign3A_38 : i32
    %rem3A_40 = arith.remsi %mul3A_22, %jit3A_23 : i32
    %ne3A_41 = arith.constant 0 : i32
    %ne3A_42 = arith.cmpi ne, %rem3A_40, %ne3A_41 : i32
    %and3A_43 = arith.andi %ne3A_39, %ne3A_42 : i1
    %sub3A_44 = arith.constant 1 : i32
    %sub3A_45 = arith.subi %div3A_24, %sub3A_44 : i32
    %select_n3A_46 = arith.select %and3A_43, %sub3A_45, %div3A_24 : i32
    %iota3A = tpu.iota {dimensions = array<i32: 0>} : vector<16xi32>
    %broadcast_in_dim3A = arith.constant 1 : i32
    %broadcast_in_dim3A_47 = vector.broadcast %broadcast_in_dim3A : i32 to vector<16xi32>
    %add3A_48 = arith.constant 0 : i32
    %add3A_49 = arith.addi %select_n3A, %add3A_48 : i32
    %lt3A = arith.cmpi slt, %add3A_49, %select_n3A_46 : i32
    %convert_element_type3A = arith.extui %lt3A : i1 to i32
    %cond3A = arith.constant 0 : i32
    %cond3A_50 = arith.cmpi ne, %convert_element_type3A, %cond3A : i32
    scf.if %cond3A_50 {
      %add3A_88 = arith.constant 0 : i32
      %add3A_89 = arith.addi %select_n3A, %add3A_88 : i32
      %mul3A_90 = arith.constant 128 : i32
      %mul3A_91 = arith.muli %add3A_89, %mul3A_90 : i32
      %multiple_of3A = tpu.assume_multiple %mul3A_91, 128 : i32
      %dma_start3A = arith.constant 0 : i32
      %dma_start3A_92 = arith.constant 0 : i32
      %dma_start3A_93 = arith.constant 0 : i32
      %dma_start3A_94 = arith.constant 0 : i32
      %dma_start3A_95 = tpu.memref_slice %arg4[%dma_start3A, %dma_start3A_93, %dma_start3A_94] : memref<4x64x128xf32, #tpu.memory_space<vmem>> -> memref<1x64x128xf32, #tpu.memory_space<vmem>>
      %dma_start3A_96 = tpu.memref_squeeze %dma_start3A_95 : memref<1x64x128xf32, #tpu.memory_space<vmem>> -> memref<64x128xf32, #tpu.memory_space<vmem>>
      %dma_start3A_97 = arith.constant 0 : i32
      %dma_start3A_98 = tpu.memref_slice %arg2[%dma_start3A_97, %multiple_of3A] : memref<64x1000000xf32, #tpu.memory_space<hbm>> -> memref<64x128xf32, #tpu.memory_space<hbm>>
      %dma_start3A_99 = tpu.memref_slice %arg6[%dma_start3A_92] : memref<4x!tpu.dma_semaphore, #tpu.memory_space<semaphore_mem>> -> memref<1x!tpu.dma_semaphore, #tpu.memory_space<semaphore_mem>>
      %dma_start3A_100 = tpu.memref_squeeze %dma_start3A_99 : memref<1x!tpu.dma_semaphore, #tpu.memory_space<semaphore_mem>> -> memref<!tpu.dma_semaphore, #tpu.memory_space<semaphore_mem>>
      %dma_start3A_101 = arith.constant 0 : i32
      %dma_start3A_102 = arith.constant 0 : i32
      %dma_start3A_103 = tpu.memref_slice %arg4[%dma_start3A, %dma_start3A_101, %dma_start3A_102] : memref<4x64x128xf32, #tpu.memory_space<vmem>> -> memref<1x64x128xf32, #tpu.memory_space<vmem>>
      %dma_start3A_104 = tpu.memref_squeeze %dma_start3A_103 : memref<1x64x128xf32, #tpu.memory_space<vmem>> -> memref<64x128xf32, #tpu.memory_space<vmem>>
      %dma_start3A_105 = arith.constant 0 : i32
      %dma_start3A_106 = tpu.memref_slice %arg2[%dma_start3A_105, %multiple_of3A] : memref<64x1000000xf32, #tpu.memory_space<hbm>> -> memref<64x128xf32, #tpu.memory_space<hbm>>
      tpu.enqueue_dma source(%dma_start3A_106 : memref<64x128xf32, #tpu.memory_space<hbm>>) target(%dma_start3A_104 : memref<64x128xf32, #tpu.memory_space<vmem>>) target_semaphore(%dma_start3A_100 : memref<!tpu.dma_semaphore, #tpu.memory_space<semaphore_mem>>)
    } else {
    }
    %add3A_51 = arith.constant 1 : i32
    %add3A_52 = arith.addi %select_n3A, %add3A_51 : i32
    %lt3A_53 = arith.cmpi slt, %add3A_52, %select_n3A_46 : i32
    %convert_element_type3A_54 = arith.extui %lt3A_53 : i1 to i32
    %cond3A_55 = arith.constant 0 : i32
    %cond3A_56 = arith.cmpi ne, %convert_element_type3A_54, %cond3A_55 : i32
    scf.if %cond3A_56 {
      %add3A_88 = arith.constant 1 : i32
      %add3A_89 = arith.addi %select_n3A, %add3A_88 : i32
      %mul3A_90 = arith.constant 128 : i32
      %mul3A_91 = arith.muli %add3A_89, %mul3A_90 : i32
      %multiple_of3A = tpu.assume_multiple %mul3A_91, 128 : i32
      %dma_start3A = arith.constant 1 : i32
      %dma_start3A_92 = arith.constant 1 : i32
      %dma_start3A_93 = arith.constant 0 : i32
      %dma_start3A_94 = arith.constant 0 : i32
      %dma_start3A_95 = tpu.memref_slice %arg4[%dma_start3A, %dma_start3A_93, %dma_start3A_94] : memref<4x64x128xf32, #tpu.memory_space<vmem>> -> memref<1x64x128xf32, #tpu.memory_space<vmem>>
      %dma_start3A_96 = tpu.memref_squeeze %dma_start3A_95 : memref<1x64x128xf32, #tpu.memory_space<vmem>> -> memref<64x128xf32, #tpu.memory_space<vmem>>
      %dma_start3A_97 = arith.constant 0 : i32
      %dma_start3A_98 = tpu.memref_slice %arg2[%dma_start3A_97, %multiple_of3A] : memref<64x1000000xf32, #tpu.memory_space<hbm>> -> memref<64x128xf32, #tpu.memory_space<hbm>>
      %dma_start3A_99 = tpu.memref_slice %arg6[%dma_start3A_92] : memref<4x!tpu.dma_semaphore, #tpu.memory_space<semaphore_mem>> -> memref<1x!tpu.dma_semaphore, #tpu.memory_space<semaphore_mem>>
      %dma_start3A_100 = tpu.memref_squeeze %dma_start3A_99 : memref<1x!tpu.dma_semaphore, #tpu.memory_space<semaphore_mem>> -> memref<!tpu.dma_semaphore, #tpu.memory_space<semaphore_mem>>
      %dma_start3A_101 = arith.constant 0 : i32
      %dma_start3A_102 = arith.constant 0 : i32
      %dma_start3A_103 = tpu.memref_slice %arg4[%dma_start3A, %dma_start3A_101, %dma_start3A_102] : memref<4x64x128xf32, #tpu.memory_space<vmem>> -> memref<1x64x128xf32, #tpu.memory_space<vmem>>
      %dma_start3A_104 = tpu.memref_squeeze %dma_start3A_103 : memref<1x64x128xf32, #tpu.memory_space<vmem>> -> memref<64x128xf32, #tpu.memory_space<vmem>>
      %dma_start3A_105 = arith.constant 0 : i32
      %dma_start3A_106 = tpu.memref_slice %arg2[%dma_start3A_105, %multiple_of3A] : memref<64x1000000xf32, #tpu.memory_space<hbm>> -> memref<64x128xf32, #tpu.memory_space<hbm>>
      tpu.enqueue_dma source(%dma_start3A_106 : memref<64x128xf32, #tpu.memory_space<hbm>>) target(%dma_start3A_104 : memref<64x128xf32, #tpu.memory_space<vmem>>) target_semaphore(%dma_start3A_100 : memref<!tpu.dma_semaphore, #tpu.memory_space<semaphore_mem>>)
    } else {
    }
    %add3A_57 = arith.constant 2 : i32
    %add3A_58 = arith.addi %select_n3A, %add3A_57 : i32
    %lt3A_59 = arith.cmpi slt, %add3A_58, %select_n3A_46 : i32
    %convert_element_type3A_60 = arith.extui %lt3A_59 : i1 to i32
    %cond3A_61 = arith.constant 0 : i32
    %cond3A_62 = arith.cmpi ne, %convert_element_type3A_60, %cond3A_61 : i32
    scf.if %cond3A_62 {
      %add3A_88 = arith.constant 2 : i32
      %add3A_89 = arith.addi %select_n3A, %add3A_88 : i32
      %mul3A_90 = arith.constant 128 : i32
      %mul3A_91 = arith.muli %add3A_89, %mul3A_90 : i32
      %multiple_of3A = tpu.assume_multiple %mul3A_91, 128 : i32
      %dma_start3A = arith.constant 2 : i32
      %dma_start3A_92 = arith.constant 2 : i32
      %dma_start3A_93 = arith.constant 0 : i32
      %dma_start3A_94 = arith.constant 0 : i32
      %dma_start3A_95 = tpu.memref_slice %arg4[%dma_start3A, %dma_start3A_93, %dma_start3A_94] : memref<4x64x128xf32, #tpu.memory_space<vmem>> -> memref<1x64x128xf32, #tpu.memory_space<vmem>>
      %dma_start3A_96 = tpu.memref_squeeze %dma_start3A_95 : memref<1x64x128xf32, #tpu.memory_space<vmem>> -> memref<64x128xf32, #tpu.memory_space<vmem>>
      %dma_start3A_97 = arith.constant 0 : i32
      %dma_start3A_98 = tpu.memref_slice %arg2[%dma_start3A_97, %multiple_of3A] : memref<64x1000000xf32, #tpu.memory_space<hbm>> -> memref<64x128xf32, #tpu.memory_space<hbm>>
      %dma_start3A_99 = tpu.memref_slice %arg6[%dma_start3A_92] : memref<4x!tpu.dma_semaphore, #tpu.memory_space<semaphore_mem>> -> memref<1x!tpu.dma_semaphore, #tpu.memory_space<semaphore_mem>>
      %dma_start3A_100 = tpu.memref_squeeze %dma_start3A_99 : memref<1x!tpu.dma_semaphore, #tpu.memory_space<semaphore_mem>> -> memref<!tpu.dma_semaphore, #tpu.memory_space<semaphore_mem>>
      %dma_start3A_101 = arith.constant 0 : i32
      %dma_start3A_102 = arith.constant 0 : i32
      %dma_start3A_103 = tpu.memref_slice %arg4[%dma_start3A, %dma_start3A_101, %dma_start3A_102] : memref<4x64x128xf32, #tpu.memory_space<vmem>> -> memref<1x64x128xf32, #tpu.memory_space<vmem>>
      %dma_start3A_104 = tpu.memref_squeeze %dma_start3A_103 : memref<1x64x128xf32, #tpu.memory_space<vmem>> -> memref<64x128xf32, #tpu.memory_space<vmem>>
      %dma_start3A_105 = arith.constant 0 : i32
      %dma_start3A_106 = tpu.memref_slice %arg2[%dma_start3A_105, %multiple_of3A] : memref<64x1000000xf32, #tpu.memory_space<hbm>> -> memref<64x128xf32, #tpu.memory_space<hbm>>
      tpu.enqueue_dma source(%dma_start3A_106 : memref<64x128xf32, #tpu.memory_space<hbm>>) target(%dma_start3A_104 : memref<64x128xf32, #tpu.memory_space<vmem>>) target_semaphore(%dma_start3A_100 : memref<!tpu.dma_semaphore, #tpu.memory_space<semaphore_mem>>)
    } else {
    }
    %scan3A = arith.constant 0 : i32
    %scan3A_63 = arith.constant 0 : i32
    %scan3A_64 = arith.constant 62 : i32
    %scan3A_65 = arith.addi %scan3A_63, %scan3A_64 : i32
    %scan3A_66 = arith.constant 1 : i32
    scf.for %scan3A_88 = %scan3A_63 to %scan3A_65 step %scan3A_66  : i32 {
      %mul3A_89 = arith.constant 4 : i32
      %mul3A_90 = arith.muli %mul3A_89, %scan3A_88 : i32
      %add3A_91 = arith.addi %select_n3A, %mul3A_90 : i32
      %add3A_92 = arith.constant 0 : i32
      %add3A_93 = arith.addi %add3A_91, %add3A_92 : i32
      %lt3A_94 = arith.cmpi slt, %add3A_93, %select_n3A_46 : i32
      %convert_element_type3A_95 = arith.extui %lt3A_94 : i1 to i32
      %cond3A_96 = arith.constant 0 : i32
      %cond3A_97 = arith.cmpi ne, %convert_element_type3A_95, %cond3A_96 : i32
      scf.if %cond3A_97 {
        %add3A_125 = arith.constant 4 : i32
        %add3A_126 = arith.addi %add3A_93, %add3A_125 : i32
        %sub3A_127 = arith.constant 1 : i32
        %sub3A_128 = arith.subi %add3A_126, %sub3A_127 : i32
        %lt3A_129 = arith.cmpi slt, %sub3A_128, %select_n3A_46 : i32
        %convert_element_type3A_130 = arith.extui %lt3A_129 : i1 to i32
        %cond3A_131 = arith.constant 0 : i32
        %cond3A_132 = arith.cmpi ne, %convert_element_type3A_130, %cond3A_131 : i32
        scf.if %cond3A_132 {
          %add3A_179 = arith.constant 4 : i32
          %add3A_180 = arith.addi %add3A_93, %add3A_179 : i32
          %sub3A_181 = arith.constant 1 : i32
          %sub3A_182 = arith.subi %add3A_180, %sub3A_181 : i32
          %mul3A_183 = arith.constant 128 : i32
          %mul3A_184 = arith.muli %sub3A_182, %mul3A_183 : i32
          %multiple_of3A_185 = tpu.assume_multiple %mul3A_184, 128 : i32
          %dma_start3A_186 = arith.constant 3 : i32
          %dma_start3A_187 = arith.constant 3 : i32
          %dma_start3A_188 = arith.constant 0 : i32
          %dma_start3A_189 = arith.constant 0 : i32
          %dma_start3A_190 = tpu.memref_slice %arg4[%dma_start3A_186, %dma_start3A_188, %dma_start3A_189] : memref<4x64x128xf32, #tpu.memory_space<vmem>> -> memref<1x64x128xf32, #tpu.memory_space<vmem>>
          %dma_start3A_191 = tpu.memref_squeeze %dma_start3A_190 : memref<1x64x128xf32, #tpu.memory_space<vmem>> -> memref<64x128xf32, #tpu.memory_space<vmem>>
          %dma_start3A_192 = arith.constant 0 : i32
          %dma_start3A_193 = tpu.memref_slice %arg2[%dma_start3A_192, %multiple_of3A_185] : memref<64x1000000xf32, #tpu.memory_space<hbm>> -> memref<64x128xf32, #tpu.memory_space<hbm>>
          %dma_start3A_194 = tpu.memref_slice %arg6[%dma_start3A_187] : memref<4x!tpu.dma_semaphore, #tpu.memory_space<semaphore_mem>> -> memref<1x!tpu.dma_semaphore, #tpu.memory_space<semaphore_mem>>
          %dma_start3A_195 = tpu.memref_squeeze %dma_start3A_194 : memref<1x!tpu.dma_semaphore, #tpu.memory_space<semaphore_mem>> -> memref<!tpu.dma_semaphore, #tpu.memory_space<semaphore_mem>>
          %dma_start3A_196 = arith.constant 0 : i32
          %dma_start3A_197 = arith.constant 0 : i32
          %dma_start3A_198 = tpu.memref_slice %arg4[%dma_start3A_186, %dma_start3A_196, %dma_start3A_197] : memref<4x64x128xf32, #tpu.memory_space<vmem>> -> memref<1x64x128xf32, #tpu.memory_space<vmem>>
          %dma_start3A_199 = tpu.memref_squeeze %dma_start3A_198 : memref<1x64x128xf32, #tpu.memory_space<vmem>> -> memref<64x128xf32, #tpu.memory_space<vmem>>
          %dma_start3A_200 = arith.constant 0 : i32
          %dma_start3A_201 = tpu.memref_slice %arg2[%dma_start3A_200, %multiple_of3A_185] : memref<64x1000000xf32, #tpu.memory_space<hbm>> -> memref<64x128xf32, #tpu.memory_space<hbm>>
          tpu.enqueue_dma source(%dma_start3A_201 : memref<64x128xf32, #tpu.memory_space<hbm>>) target(%dma_start3A_199 : memref<64x128xf32, #tpu.memory_space<vmem>>) target_semaphore(%dma_start3A_195 : memref<!tpu.dma_semaphore, #tpu.memory_space<semaphore_mem>>)
        } else {
        }
        %mul3A_133 = arith.constant 128 : i32
        %mul3A_134 = arith.muli %add3A_93, %mul3A_133 : i32
        %multiple_of3A = tpu.assume_multiple %mul3A_134, 128 : i32
        %dma_wait3A = arith.constant 0 : i32
        %dma_wait3A_135 = arith.constant 0 : i32
        %dma_wait3A_136 = arith.constant 0 : i32
        %dma_wait3A_137 = arith.constant 0 : i32
        %dma_wait3A_138 = tpu.memref_slice %arg4[%dma_wait3A, %dma_wait3A_136, %dma_wait3A_137] : memref<4x64x128xf32, #tpu.memory_space<vmem>> -> memref<1x64x128xf32, #tpu.memory_space<vmem>>
        %dma_wait3A_139 = tpu.memref_squeeze %dma_wait3A_138 : memref<1x64x128xf32, #tpu.memory_space<vmem>> -> memref<64x128xf32, #tpu.memory_space<vmem>>
        %dma_wait3A_140 = arith.constant 0 : i32
        %dma_wait3A_141 = tpu.memref_slice %arg2[%dma_wait3A_140, %multiple_of3A] : memref<64x1000000xf32, #tpu.memory_space<hbm>> -> memref<64x128xf32, #tpu.memory_space<hbm>>
        %dma_wait3A_142 = tpu.memref_slice %arg6[%dma_wait3A_135] : memref<4x!tpu.dma_semaphore, #tpu.memory_space<semaphore_mem>> -> memref<1x!tpu.dma_semaphore, #tpu.memory_space<semaphore_mem>>
        %dma_wait3A_143 = tpu.memref_squeeze %dma_wait3A_142 : memref<1x!tpu.dma_semaphore, #tpu.memory_space<semaphore_mem>> -> memref<!tpu.dma_semaphore, #tpu.memory_space<semaphore_mem>>
        %dma_wait3A_144 = arith.constant 0 : i32
        %dma_wait3A_145 = arith.constant 0 : i32
        %dma_wait3A_146 = tpu.memref_slice %arg4[%dma_wait3A, %dma_wait3A_144, %dma_wait3A_145] : memref<4x64x128xf32, #tpu.memory_space<vmem>> -> memref<1x64x128xf32, #tpu.memory_space<vmem>>
        %dma_wait3A_147 = tpu.memref_squeeze %dma_wait3A_146 : memref<1x64x128xf32, #tpu.memory_space<vmem>> -> memref<64x128xf32, #tpu.memory_space<vmem>>
        %dma_wait3A_148 = arith.constant 0 : i32
        %dma_wait3A_149 = tpu.memref_slice %arg2[%dma_wait3A_148, %multiple_of3A] : memref<64x1000000xf32, #tpu.memory_space<hbm>> -> memref<64x128xf32, #tpu.memory_space<hbm>>
        tpu.wait_dma2 semaphore(%dma_wait3A_143 : memref<!tpu.dma_semaphore, #tpu.memory_space<semaphore_mem>>) src(%dma_wait3A_149 : memref<64x128xf32, #tpu.memory_space<hbm>>) dst(%dma_wait3A_147 : memref<64x128xf32, #tpu.memory_space<vmem>>)
        %sub3A_150 = arith.constant 4 : i32
        %sub3A_151 = arith.subi %add3A_93, %sub3A_150 : i32
        %ge3A_152 = arith.cmpi sge, %sub3A_151, %select_n3A : i32
        %convert_element_type3A_153 = arith.extui %ge3A_152 : i1 to i32
        %cond3A_154 = arith.constant 0 : i32
        %cond3A_155 = arith.cmpi ne, %convert_element_type3A_153, %cond3A_154 : i32
        scf.if %cond3A_155 {
          %sub3A_179 = arith.constant 4 : i32
          %sub3A_180 = arith.subi %add3A_93, %sub3A_179 : i32
          %mul3A_181 = arith.constant 64 : i32
          %mul3A_182 = arith.muli %sub3A_180, %mul3A_181 : i32
          %multiple_of3A_183 = tpu.assume_multiple %mul3A_182, 8 : i32
          %dma_wait3A_184 = arith.constant 0 : i32
          %dma_wait3A_185 = arith.constant 0 : i32
          %dma_wait3A_186 = arith.constant 0 : i32
          %dma_wait3A_187 = arith.constant 0 : i32
          %dma_wait3A_188 = tpu.memref_slice %arg5[%dma_wait3A_184, %dma_wait3A_186, %dma_wait3A_187] : memref<4x64x128xf32, #tpu.memory_space<vmem>> -> memref<1x64x128xf32, #tpu.memory_space<vmem>>
          %dma_wait3A_189 = tpu.memref_squeeze %dma_wait3A_188 : memref<1x64x128xf32, #tpu.memory_space<vmem>> -> memref<64x128xf32, #tpu.memory_space<vmem>>
          %dma_wait3A_190 = arith.constant 0 : i32
          %dma_wait3A_191 = tpu.memref_slice %arg3[%multiple_of3A_183, %dma_wait3A_190] : memref<500032x128xf32, #tpu.memory_space<hbm>> -> memref<64x128xf32, #tpu.memory_space<hbm>>
          %dma_wait3A_192 = tpu.memref_slice %arg7[%dma_wait3A_185] : memref<4x!tpu.dma_semaphore, #tpu.memory_space<semaphore_mem>> -> memref<1x!tpu.dma_semaphore, #tpu.memory_space<semaphore_mem>>
          %dma_wait3A_193 = tpu.memref_squeeze %dma_wait3A_192 : memref<1x!tpu.dma_semaphore, #tpu.memory_space<semaphore_mem>> -> memref<!tpu.dma_semaphore, #tpu.memory_space<semaphore_mem>>
          %dma_wait3A_194 = arith.constant 0 : i32
          %dma_wait3A_195 = tpu.memref_slice %arg3[%multiple_of3A_183, %dma_wait3A_194] : memref<500032x128xf32, #tpu.memory_space<hbm>> -> memref<64x128xf32, #tpu.memory_space<hbm>>
          %dma_wait3A_196 = arith.constant 0 : i32
          %dma_wait3A_197 = arith.constant 0 : i32
          %dma_wait3A_198 = tpu.memref_slice %arg5[%dma_wait3A_184, %dma_wait3A_196, %dma_wait3A_197] : memref<4x64x128xf32, #tpu.memory_space<vmem>> -> memref<1x64x128xf32, #tpu.memory_space<vmem>>
          %dma_wait3A_199 = tpu.memref_squeeze %dma_wait3A_198 : memref<1x64x128xf32, #tpu.memory_space<vmem>> -> memref<64x128xf32, #tpu.memory_space<vmem>>
          tpu.wait_dma2 semaphore(%dma_wait3A_193 : memref<!tpu.dma_semaphore, #tpu.memory_space<semaphore_mem>>) src(%dma_wait3A_199 : memref<64x128xf32, #tpu.memory_space<vmem>>) dst(%dma_wait3A_195 : memref<64x128xf32, #tpu.memory_space<hbm>>)
        } else {
        }
        %broadcast_in_dim3A_156 = arith.constant 0 : i32
        %broadcast_in_dim3A_157 = vector.broadcast %broadcast_in_dim3A_156 : i32 to vector<16xi32>
        %parallel_loop3A = arith.constant 0 : i32
        %parallel_loop3A_158 = arith.constant 128 : i32
        %parallel_loop3A_159 = arith.constant 1 : i32
        %parallel_loop3A_160 = scf.for %parallel_loop3A_179 = %parallel_loop3A to %parallel_loop3A_158 step %parallel_loop3A_159 iter_args(%parallel_loop3A_180 = %broadcast_in_dim3A_157) -> (vector<16xi32>)  : i32 {
          %parallel_loop3A_181 = arith.addi %parallel_loop3A_180, %iota3A : vector<16xi32>
          %parallel_loop3A_182 = arith.constant 127 : i32
          %parallel_loop3A_183 = vector.broadcast %parallel_loop3A_182 : i32 to vector<16xi32>
          %parallel_loop3A_184 = arith.andi %parallel_loop3A_181, %parallel_loop3A_183 : vector<16xi32>
          %parallel_loop3A_185 = arith.constant 1 : i32
          %parallel_loop3A_186 = vector.broadcast %parallel_loop3A_185 : i32 to vector<16xi32>
          %parallel_loop3A_187 = arith.shrsi %parallel_loop3A_184, %parallel_loop3A_186 : vector<16xi32>
          %parallel_loop3A_188 = arith.constant 1 : i32
          %parallel_loop3A_189 = vector.broadcast %parallel_loop3A_188 : i32 to vector<16xi32>
          %parallel_loop3A_190 = arith.andi %parallel_loop3A_184, %parallel_loop3A_189 : vector<16xi32>
          %parallel_loop3A_191 = arith.constant 64 : i32
          %parallel_loop3A_192 = vector.broadcast %parallel_loop3A_191 : i32 to vector<16xi32>
          %parallel_loop3A_193 = arith.muli %parallel_loop3A_190, %parallel_loop3A_192 : vector<16xi32>
          %parallel_loop3A_194 = arith.constant 0 : i32
          %parallel_loop3A_195 = vector.broadcast %parallel_loop3A_194 : i32 to vector<16xi32>
          %parallel_loop3A_196 = arith.addi %iota3A, %parallel_loop3A_195 : vector<16xi32>
          %parallel_loop3A_197 = arith.constant 0 : i32
          %parallel_loop3A_198 = arith.constant 0 : i32
          %parallel_loop3A_199 = arith.constant 0 : i32
          %parallel_loop3A_200 = tpu.memref_slice %arg4[%parallel_loop3A_197, %parallel_loop3A_198, %parallel_loop3A_199] : memref<4x64x128xf32, #tpu.memory_space<vmem>> -> memref<1x64x128xf32, #tpu.memory_space<vmem>>
          %parallel_loop3A_201 = tpu.memref_squeeze %parallel_loop3A_200 : memref<1x64x128xf32, #tpu.memory_space<vmem>> -> memref<64x128xf32, #tpu.memory_space<vmem>>
          %parallel_loop3A_202 = tpu.vector_load_idx %parallel_loop3A_201[%parallel_loop3A_196, %parallel_loop3A_184] : memref<64x128xf32, #tpu.memory_space<vmem>>[vector<16xi32>, vector<16xi32>], vector<16xf32>,
          %parallel_loop3A_203 = arith.addi %parallel_loop3A_193, %parallel_loop3A_196 : vector<16xi32>
          %parallel_loop3A_204 = arith.constant 0 : i32
          %parallel_loop3A_205 = arith.constant 0 : i32
          %parallel_loop3A_206 = arith.constant 0 : i32
          %parallel_loop3A_207 = tpu.memref_slice %arg5[%parallel_loop3A_204, %parallel_loop3A_205, %parallel_loop3A_206] : memref<4x64x128xf32, #tpu.memory_space<vmem>> -> memref<1x64x128xf32, #tpu.memory_space<vmem>>
          %parallel_loop3A_208 = tpu.memref_squeeze %parallel_loop3A_207 : memref<1x64x128xf32, #tpu.memory_space<vmem>> -> memref<64x128xf32, #tpu.memory_space<vmem>>
          tpu.vector_store_idx %parallel_loop3A_208[%parallel_loop3A_187, %parallel_loop3A_203], %parallel_loop3A_202 : memref<64x128xf32, #tpu.memory_space<vmem>>[vector<16xi32>, vector<16xi32>], vector<16xf32>,
          %parallel_loop3A_209 = arith.constant 16 : i32
          %parallel_loop3A_210 = vector.broadcast %parallel_loop3A_209 : i32 to vector<16xi32>
          %parallel_loop3A_211 = arith.addi %iota3A, %parallel_loop3A_210 : vector<16xi32>
          %parallel_loop3A_212 = arith.constant 0 : i32
          %parallel_loop3A_213 = arith.constant 0 : i32
          %parallel_loop3A_214 = arith.constant 0 : i32
          %parallel_loop3A_215 = tpu.memref_slice %arg4[%parallel_loop3A_212, %parallel_loop3A_213, %parallel_loop3A_214] : memref<4x64x128xf32, #tpu.memory_space<vmem>> -> memref<1x64x128xf32, #tpu.memory_space<vmem>>
          %parallel_loop3A_216 = tpu.memref_squeeze %parallel_loop3A_215 : memref<1x64x128xf32, #tpu.memory_space<vmem>> -> memref<64x128xf32, #tpu.memory_space<vmem>>
          %parallel_loop3A_217 = tpu.vector_load_idx %parallel_loop3A_216[%parallel_loop3A_211, %parallel_loop3A_184] : memref<64x128xf32, #tpu.memory_space<vmem>>[vector<16xi32>, vector<16xi32>], vector<16xf32>,
          %parallel_loop3A_218 = arith.addi %parallel_loop3A_193, %parallel_loop3A_211 : vector<16xi32>
          %parallel_loop3A_219 = arith.constant 0 : i32
          %parallel_loop3A_220 = arith.constant 0 : i32
          %parallel_loop3A_221 = arith.constant 0 : i32
          %parallel_loop3A_222 = tpu.memref_slice %arg5[%parallel_loop3A_219, %parallel_loop3A_220, %parallel_loop3A_221] : memref<4x64x128xf32, #tpu.memory_space<vmem>> -> memref<1x64x128xf32, #tpu.memory_space<vmem>>
          %parallel_loop3A_223 = tpu.memref_squeeze %parallel_loop3A_222 : memref<1x64x128xf32, #tpu.memory_space<vmem>> -> memref<64x128xf32, #tpu.memory_space<vmem>>
          tpu.vector_store_idx %parallel_loop3A_223[%parallel_loop3A_187, %parallel_loop3A_218], %parallel_loop3A_217 : memref<64x128xf32, #tpu.memory_space<vmem>>[vector<16xi32>, vector<16xi32>], vector<16xf32>,
          %parallel_loop3A_224 = arith.constant 32 : i32
          %parallel_loop3A_225 = vector.broadcast %parallel_loop3A_224 : i32 to vector<16xi32>
          %parallel_loop3A_226 = arith.addi %iota3A, %parallel_loop3A_225 : vector<16xi32>
          %parallel_loop3A_227 = arith.constant 0 : i32
          %parallel_loop3A_228 = arith.constant 0 : i32
          %parallel_loop3A_229 = arith.constant 0 : i32
          %parallel_loop3A_230 = tpu.memref_slice %arg4[%parallel_loop3A_227, %parallel_loop3A_228, %parallel_loop3A_229] : memref<4x64x128xf32, #tpu.memory_space<vmem>> -> memref<1x64x128xf32, #tpu.memory_space<vmem>>
          %parallel_loop3A_231 = tpu.memref_squeeze %parallel_loop3A_230 : memref<1x64x128xf32, #tpu.memory_space<vmem>> -> memref<64x128xf32, #tpu.memory_space<vmem>>
          %parallel_loop3A_232 = tpu.vector_load_idx %parallel_loop3A_231[%parallel_loop3A_226, %parallel_loop3A_184] : memref<64x128xf32, #tpu.memory_space<vmem>>[vector<16xi32>, vector<16xi32>], vector<16xf32>,
          %parallel_loop3A_233 = arith.addi %parallel_loop3A_193, %parallel_loop3A_226 : vector<16xi32>
          %parallel_loop3A_234 = arith.constant 0 : i32
          %parallel_loop3A_235 = arith.constant 0 : i32
          %parallel_loop3A_236 = arith.constant 0 : i32
          %parallel_loop3A_237 = tpu.memref_slice %arg5[%parallel_loop3A_234, %parallel_loop3A_235, %parallel_loop3A_236] : memref<4x64x128xf32, #tpu.memory_space<vmem>> -> memref<1x64x128xf32, #tpu.memory_space<vmem>>
          %parallel_loop3A_238 = tpu.memref_squeeze %parallel_loop3A_237 : memref<1x64x128xf32, #tpu.memory_space<vmem>> -> memref<64x128xf32, #tpu.memory_space<vmem>>
          tpu.vector_store_idx %parallel_loop3A_238[%parallel_loop3A_187, %parallel_loop3A_233], %parallel_loop3A_232 : memref<64x128xf32, #tpu.memory_space<vmem>>[vector<16xi32>, vector<16xi32>], vector<16xf32>,
          %parallel_loop3A_239 = arith.constant 48 : i32
          %parallel_loop3A_240 = vector.broadcast %parallel_loop3A_239 : i32 to vector<16xi32>
          %parallel_loop3A_241 = arith.addi %iota3A, %parallel_loop3A_240 : vector<16xi32>
          %parallel_loop3A_242 = arith.constant 0 : i32
          %parallel_loop3A_243 = arith.constant 0 : i32
          %parallel_loop3A_244 = arith.constant 0 : i32
          %parallel_loop3A_245 = tpu.memref_slice %arg4[%parallel_loop3A_242, %parallel_loop3A_243, %parallel_loop3A_244] : memref<4x64x128xf32, #tpu.memory_space<vmem>> -> memref<1x64x128xf32, #tpu.memory_space<vmem>>
          %parallel_loop3A_246 = tpu.memref_squeeze %parallel_loop3A_245 : memref<1x64x128xf32, #tpu.memory_space<vmem>> -> memref<64x128xf32, #tpu.memory_space<vmem>>
          %parallel_loop3A_247 = tpu.vector_load_idx %parallel_loop3A_246[%parallel_loop3A_241, %parallel_loop3A_184] : memref<64x128xf32, #tpu.memory_space<vmem>>[vector<16xi32>, vector<16xi32>], vector<16xf32>,
          %parallel_loop3A_248 = arith.addi %parallel_loop3A_193, %parallel_loop3A_241 : vector<16xi32>
          %parallel_loop3A_249 = arith.constant 0 : i32
          %parallel_loop3A_250 = arith.constant 0 : i32
          %parallel_loop3A_251 = arith.constant 0 : i32
          %parallel_loop3A_252 = tpu.memref_slice %arg5[%parallel_loop3A_249, %parallel_loop3A_250, %parallel_loop3A_251] : memref<4x64x128xf32, #tpu.memory_space<vmem>> -> memref<1x64x128xf32, #tpu.memory_space<vmem>>
          %parallel_loop3A_253 = tpu.memref_squeeze %parallel_loop3A_252 : memref<1x64x128xf32, #tpu.memory_space<vmem>> -> memref<64x128xf32, #tpu.memory_space<vmem>>
          tpu.vector_store_idx %parallel_loop3A_253[%parallel_loop3A_187, %parallel_loop3A_248], %parallel_loop3A_247 : memref<64x128xf32, #tpu.memory_space<vmem>>[vector<16xi32>, vector<16xi32>], vector<16xf32>,
          %parallel_loop3A_254 = arith.addi %parallel_loop3A_180, %broadcast_in_dim3A_47 : vector<16xi32>
          scf.yield %parallel_loop3A_254 : vector<16xi32>
        } {sc.loop_unroll_factor = 8 : i64, sc.parallel_access}
        %mul3A_161 = arith.constant 64 : i32
        %mul3A_162 = arith.muli %add3A_93, %mul3A_161 : i32
        %multiple_of3A_163 = tpu.assume_multiple %mul3A_162, 8 : i32
        %dma_start3A = arith.constant 0 : i32
        %dma_start3A_164 = arith.constant 0 : i32
        %dma_start3A_165 = arith.constant 0 : i32
        %dma_start3A_166 = arith.constant 0 : i32
        %dma_start3A_167 = tpu.memref_slice %arg5[%dma_start3A, %dma_start3A_165, %dma_start3A_166] : memref<4x64x128xf32, #tpu.memory_space<vmem>> -> memref<1x64x128xf32, #tpu.memory_space<vmem>>
        %dma_start3A_168 = tpu.memref_squeeze %dma_start3A_167 : memref<1x64x128xf32, #tpu.memory_space<vmem>> -> memref<64x128xf32, #tpu.memory_space<vmem>>
        %dma_start3A_169 = arith.constant 0 : i32
        %dma_start3A_170 = tpu.memref_slice %arg3[%multiple_of3A_163, %dma_start3A_169] : memref<500032x128xf32, #tpu.memory_space<hbm>> -> memref<64x128xf32, #tpu.memory_space<hbm>>
        %dma_start3A_171 = tpu.memref_slice %arg7[%dma_start3A_164] : memref<4x!tpu.dma_semaphore, #tpu.memory_space<semaphore_mem>> -> memref<1x!tpu.dma_semaphore, #tpu.memory_space<semaphore_mem>>
        %dma_start3A_172 = tpu.memref_squeeze %dma_start3A_171 : memref<1x!tpu.dma_semaphore, #tpu.memory_space<semaphore_mem>> -> memref<!tpu.dma_semaphore, #tpu.memory_space<semaphore_mem>>
        %dma_start3A_173 = arith.constant 0 : i32
        %dma_start3A_174 = tpu.memref_slice %arg3[%multiple_of3A_163, %dma_start3A_173] : memref<500032x128xf32, #tpu.memory_space<hbm>> -> memref<64x128xf32, #tpu.memory_space<hbm>>
        %dma_start3A_175 = arith.constant 0 : i32
        %dma_start3A_176 = arith.constant 0 : i32
        %dma_start3A_177 = tpu.memref_slice %arg5[%dma_start3A, %dma_start3A_175, %dma_start3A_176] : memref<4x64x128xf32, #tpu.memory_space<vmem>> -> memref<1x64x128xf32, #tpu.memory_space<vmem>>
        %dma_start3A_178 = tpu.memref_squeeze %dma_start3A_177 : memref<1x64x128xf32, #tpu.memory_space<vmem>> -> memref<64x128xf32, #tpu.memory_space<vmem>>
        tpu.enqueue_dma source(%dma_start3A_178 : memref<64x128xf32, #tpu.memory_space<vmem>>) target(%dma_start3A_174 : memref<64x128xf32, #tpu.memory_space<hbm>>) target_semaphore(%dma_start3A_172 : memref<!tpu.dma_semaphore, #tpu.memory_space<semaphore_mem>>)
      } else {
      }
      %mul3A_98 = arith.constant 4 : i32
      %mul3A_99 = arith.muli %mul3A_98, %scan3A_88 : i32
      %add3A_100 = arith.addi %select_n3A, %mul3A_99 : i32
      %add3A_101 = arith.constant 1 : i32
      %add3A_102 = arith.addi %add3A_100, %add3A_101 : i32
      %lt3A_103 = arith.cmpi slt, %add3A_102, %select_n3A_46 : i32
      %convert_element_type3A_104 = arith.extui %lt3A_103 : i1 to i32
      %cond3A_105 = arith.constant 0 : i32
      %cond3A_106 = arith.cmpi ne, %convert_element_type3A_104, %cond3A_105 : i32
      scf.if %cond3A_106 {
        %add3A_125 = arith.constant 4 : i32
        %add3A_126 = arith.addi %add3A_102, %add3A_125 : i32
        %sub3A_127 = arith.constant 1 : i32
        %sub3A_128 = arith.subi %add3A_126, %sub3A_127 : i32
        %lt3A_129 = arith.cmpi slt, %sub3A_128, %select_n3A_46 : i32
        %convert_element_type3A_130 = arith.extui %lt3A_129 : i1 to i32
        %cond3A_131 = arith.constant 0 : i32
        %cond3A_132 = arith.cmpi ne, %convert_element_type3A_130, %cond3A_131 : i32
        scf.if %cond3A_132 {
          %add3A_179 = arith.constant 4 : i32
          %add3A_180 = arith.addi %add3A_102, %add3A_179 : i32
          %sub3A_181 = arith.constant 1 : i32
          %sub3A_182 = arith.subi %add3A_180, %sub3A_181 : i32
          %mul3A_183 = arith.constant 128 : i32
          %mul3A_184 = arith.muli %sub3A_182, %mul3A_183 : i32
          %multiple_of3A_185 = tpu.assume_multiple %mul3A_184, 128 : i32
          %dma_start3A_186 = arith.constant 0 : i32
          %dma_start3A_187 = arith.constant 0 : i32
          %dma_start3A_188 = arith.constant 0 : i32
          %dma_start3A_189 = arith.constant 0 : i32
          %dma_start3A_190 = tpu.memref_slice %arg4[%dma_start3A_186, %dma_start3A_188, %dma_start3A_189] : memref<4x64x128xf32, #tpu.memory_space<vmem>> -> memref<1x64x128xf32, #tpu.memory_space<vmem>>
          %dma_start3A_191 = tpu.memref_squeeze %dma_start3A_190 : memref<1x64x128xf32, #tpu.memory_space<vmem>> -> memref<64x128xf32, #tpu.memory_space<vmem>>
          %dma_start3A_192 = arith.constant 0 : i32
          %dma_start3A_193 = tpu.memref_slice %arg2[%dma_start3A_192, %multiple_of3A_185] : memref<64x1000000xf32, #tpu.memory_space<hbm>> -> memref<64x128xf32, #tpu.memory_space<hbm>>
          %dma_start3A_194 = tpu.memref_slice %arg6[%dma_start3A_187] : memref<4x!tpu.dma_semaphore, #tpu.memory_space<semaphore_mem>> -> memref<1x!tpu.dma_semaphore, #tpu.memory_space<semaphore_mem>>
          %dma_start3A_195 = tpu.memref_squeeze %dma_start3A_194 : memref<1x!tpu.dma_semaphore, #tpu.memory_space<semaphore_mem>> -> memref<!tpu.dma_semaphore, #tpu.memory_space<semaphore_mem>>
          %dma_start3A_196 = arith.constant 0 : i32
          %dma_start3A_197 = arith.constant 0 : i32
          %dma_start3A_198 = tpu.memref_slice %arg4[%dma_start3A_186, %dma_start3A_196, %dma_start3A_197] : memref<4x64x128xf32, #tpu.memory_space<vmem>> -> memref<1x64x128xf32, #tpu.memory_space<vmem>>
          %dma_start3A_199 = tpu.memref_squeeze %dma_start3A_198 : memref<1x64x128xf32, #tpu.memory_space<vmem>> -> memref<64x128xf32, #tpu.memory_space<vmem>>
          %dma_start3A_200 = arith.constant 0 : i32
          %dma_start3A_201 = tpu.memref_slice %arg2[%dma_start3A_200, %multiple_of3A_185] : memref<64x1000000xf32, #tpu.memory_space<hbm>> -> memref<64x128xf32, #tpu.memory_space<hbm>>
          tpu.enqueue_dma source(%dma_start3A_201 : memref<64x128xf32, #tpu.memory_space<hbm>>) target(%dma_start3A_199 : memref<64x128xf32, #tpu.memory_space<vmem>>) target_semaphore(%dma_start3A_195 : memref<!tpu.dma_semaphore, #tpu.memory_space<semaphore_mem>>)
        } else {
        }
        %mul3A_133 = arith.constant 128 : i32
        %mul3A_134 = arith.muli %add3A_102, %mul3A_133 : i32
        %multiple_of3A = tpu.assume_multiple %mul3A_134, 128 : i32
        %dma_wait3A = arith.constant 1 : i32
        %dma_wait3A_135 = arith.constant 1 : i32
        %dma_wait3A_136 = arith.constant 0 : i32
        %dma_wait3A_137 = arith.constant 0 : i32
        %dma_wait3A_138 = tpu.memref_slice %arg4[%dma_wait3A, %dma_wait3A_136, %dma_wait3A_137] : memref<4x64x128xf32, #tpu.memory_space<vmem>> -> memref<1x64x128xf32, #tpu.memory_space<vmem>>
        %dma_wait3A_139 = tpu.memref_squeeze %dma_wait3A_138 : memref<1x64x128xf32, #tpu.memory_space<vmem>> -> memref<64x128xf32, #tpu.memory_space<vmem>>
        %dma_wait3A_140 = arith.constant 0 : i32
        %dma_wait3A_141 = tpu.memref_slice %arg2[%dma_wait3A_140, %multiple_of3A] : memref<64x1000000xf32, #tpu.memory_space<hbm>> -> memref<64x128xf32, #tpu.memory_space<hbm>>
        %dma_wait3A_142 = tpu.memref_slice %arg6[%dma_wait3A_135] : memref<4x!tpu.dma_semaphore, #tpu.memory_space<semaphore_mem>> -> memref<1x!tpu.dma_semaphore, #tpu.memory_space<semaphore_mem>>
        %dma_wait3A_143 = tpu.memref_squeeze %dma_wait3A_142 : memref<1x!tpu.dma_semaphore, #tpu.memory_space<semaphore_mem>> -> memref<!tpu.dma_semaphore, #tpu.memory_space<semaphore_mem>>
        %dma_wait3A_144 = arith.constant 0 : i32
        %dma_wait3A_145 = arith.constant 0 : i32
        %dma_wait3A_146 = tpu.memref_slice %arg4[%dma_wait3A, %dma_wait3A_144, %dma_wait3A_145] : memref<4x64x128xf32, #tpu.memory_space<vmem>> -> memref<1x64x128xf32, #tpu.memory_space<vmem>>
        %dma_wait3A_147 = tpu.memref_squeeze %dma_wait3A_146 : memref<1x64x128xf32, #tpu.memory_space<vmem>> -> memref<64x128xf32, #tpu.memory_space<vmem>>
        %dma_wait3A_148 = arith.constant 0 : i32
        %dma_wait3A_149 = tpu.memref_slice %arg2[%dma_wait3A_148, %multiple_of3A] : memref<64x1000000xf32, #tpu.memory_space<hbm>> -> memref<64x128xf32, #tpu.memory_space<hbm>>
        tpu.wait_dma2 semaphore(%dma_wait3A_143 : memref<!tpu.dma_semaphore, #tpu.memory_space<semaphore_mem>>) src(%dma_wait3A_149 : memref<64x128xf32, #tpu.memory_space<hbm>>) dst(%dma_wait3A_147 : memref<64x128xf32, #tpu.memory_space<vmem>>)
        %sub3A_150 = arith.constant 4 : i32
        %sub3A_151 = arith.subi %add3A_102, %sub3A_150 : i32
        %ge3A_152 = arith.cmpi sge, %sub3A_151, %select_n3A : i32
        %convert_element_type3A_153 = arith.extui %ge3A_152 : i1 to i32
        %cond3A_154 = arith.constant 0 : i32
        %cond3A_155 = arith.cmpi ne, %convert_element_type3A_153, %cond3A_154 : i32
        scf.if %cond3A_155 {
          %sub3A_179 = arith.constant 4 : i32
          %sub3A_180 = arith.subi %add3A_102, %sub3A_179 : i32
          %mul3A_181 = arith.constant 64 : i32
          %mul3A_182 = arith.muli %sub3A_180, %mul3A_181 : i32
          %multiple_of3A_183 = tpu.assume_multiple %mul3A_182, 8 : i32
          %dma_wait3A_184 = arith.constant 1 : i32
          %dma_wait3A_185 = arith.constant 1 : i32
          %dma_wait3A_186 = arith.constant 0 : i32
          %dma_wait3A_187 = arith.constant 0 : i32
          %dma_wait3A_188 = tpu.memref_slice %arg5[%dma_wait3A_184, %dma_wait3A_186, %dma_wait3A_187] : memref<4x64x128xf32, #tpu.memory_space<vmem>> -> memref<1x64x128xf32, #tpu.memory_space<vmem>>
          %dma_wait3A_189 = tpu.memref_squeeze %dma_wait3A_188 : memref<1x64x128xf32, #tpu.memory_space<vmem>> -> memref<64x128xf32, #tpu.memory_space<vmem>>
          %dma_wait3A_190 = arith.constant 0 : i32
          %dma_wait3A_191 = tpu.memref_slice %arg3[%multiple_of3A_183, %dma_wait3A_190] : memref<500032x128xf32, #tpu.memory_space<hbm>> -> memref<64x128xf32, #tpu.memory_space<hbm>>
          %dma_wait3A_192 = tpu.memref_slice %arg7[%dma_wait3A_185] : memref<4x!tpu.dma_semaphore, #tpu.memory_space<semaphore_mem>> -> memref<1x!tpu.dma_semaphore, #tpu.memory_space<semaphore_mem>>
          %dma_wait3A_193 = tpu.memref_squeeze %dma_wait3A_192 : memref<1x!tpu.dma_semaphore, #tpu.memory_space<semaphore_mem>> -> memref<!tpu.dma_semaphore, #tpu.memory_space<semaphore_mem>>
          %dma_wait3A_194 = arith.constant 0 : i32
          %dma_wait3A_195 = tpu.memref_slice %arg3[%multiple_of3A_183, %dma_wait3A_194] : memref<500032x128xf32, #tpu.memory_space<hbm>> -> memref<64x128xf32, #tpu.memory_space<hbm>>
          %dma_wait3A_196 = arith.constant 0 : i32
          %dma_wait3A_197 = arith.constant 0 : i32
          %dma_wait3A_198 = tpu.memref_slice %arg5[%dma_wait3A_184, %dma_wait3A_196, %dma_wait3A_197] : memref<4x64x128xf32, #tpu.memory_space<vmem>> -> memref<1x64x128xf32, #tpu.memory_space<vmem>>
          %dma_wait3A_199 = tpu.memref_squeeze %dma_wait3A_198 : memref<1x64x128xf32, #tpu.memory_space<vmem>> -> memref<64x128xf32, #tpu.memory_space<vmem>>
          tpu.wait_dma2 semaphore(%dma_wait3A_193 : memref<!tpu.dma_semaphore, #tpu.memory_space<semaphore_mem>>) src(%dma_wait3A_199 : memref<64x128xf32, #tpu.memory_space<vmem>>) dst(%dma_wait3A_195 : memref<64x128xf32, #tpu.memory_space<hbm>>)
        } else {
        }
        %broadcast_in_dim3A_156 = arith.constant 0 : i32
        %broadcast_in_dim3A_157 = vector.broadcast %broadcast_in_dim3A_156 : i32 to vector<16xi32>
        %parallel_loop3A = arith.constant 0 : i32
        %parallel_loop3A_158 = arith.constant 128 : i32
        %parallel_loop3A_159 = arith.constant 1 : i32
        %parallel_loop3A_160 = scf.for %parallel_loop3A_179 = %parallel_loop3A to %parallel_loop3A_158 step %parallel_loop3A_159 iter_args(%parallel_loop3A_180 = %broadcast_in_dim3A_157) -> (vector<16xi32>)  : i32 {
          %parallel_loop3A_181 = arith.addi %parallel_loop3A_180, %iota3A : vector<16xi32>
          %parallel_loop3A_182 = arith.constant 127 : i32
          %parallel_loop3A_183 = vector.broadcast %parallel_loop3A_182 : i32 to vector<16xi32>
          %parallel_loop3A_184 = arith.andi %parallel_loop3A_181, %parallel_loop3A_183 : vector<16xi32>
          %parallel_loop3A_185 = arith.constant 1 : i32
          %parallel_loop3A_186 = vector.broadcast %parallel_loop3A_185 : i32 to vector<16xi32>
          %parallel_loop3A_187 = arith.shrsi %parallel_loop3A_184, %parallel_loop3A_186 : vector<16xi32>
          %parallel_loop3A_188 = arith.constant 1 : i32
          %parallel_loop3A_189 = vector.broadcast %parallel_loop3A_188 : i32 to vector<16xi32>
          %parallel_loop3A_190 = arith.andi %parallel_loop3A_184, %parallel_loop3A_189 : vector<16xi32>
          %parallel_loop3A_191 = arith.constant 64 : i32
          %parallel_loop3A_192 = vector.broadcast %parallel_loop3A_191 : i32 to vector<16xi32>
          %parallel_loop3A_193 = arith.muli %parallel_loop3A_190, %parallel_loop3A_192 : vector<16xi32>
          %parallel_loop3A_194 = arith.constant 0 : i32
          %parallel_loop3A_195 = vector.broadcast %parallel_loop3A_194 : i32 to vector<16xi32>
          %parallel_loop3A_196 = arith.addi %iota3A, %parallel_loop3A_195 : vector<16xi32>
          %parallel_loop3A_197 = arith.constant 1 : i32
          %parallel_loop3A_198 = arith.constant 0 : i32
          %parallel_loop3A_199 = arith.constant 0 : i32
          %parallel_loop3A_200 = tpu.memref_slice %arg4[%parallel_loop3A_197, %parallel_loop3A_198, %parallel_loop3A_199] : memref<4x64x128xf32, #tpu.memory_space<vmem>> -> memref<1x64x128xf32, #tpu.memory_space<vmem>>
          %parallel_loop3A_201 = tpu.memref_squeeze %parallel_loop3A_200 : memref<1x64x128xf32, #tpu.memory_space<vmem>> -> memref<64x128xf32, #tpu.memory_space<vmem>>
          %parallel_loop3A_202 = tpu.vector_load_idx %parallel_loop3A_201[%parallel_loop3A_196, %parallel_loop3A_184] : memref<64x128xf32, #tpu.memory_space<vmem>>[vector<16xi32>, vector<16xi32>], vector<16xf32>,
          %parallel_loop3A_203 = arith.addi %parallel_loop3A_193, %parallel_loop3A_196 : vector<16xi32>
          %parallel_loop3A_204 = arith.constant 1 : i32
          %parallel_loop3A_205 = arith.constant 0 : i32
          %parallel_loop3A_206 = arith.constant 0 : i32
          %parallel_loop3A_207 = tpu.memref_slice %arg5[%parallel_loop3A_204, %parallel_loop3A_205, %parallel_loop3A_206] : memref<4x64x128xf32, #tpu.memory_space<vmem>> -> memref<1x64x128xf32, #tpu.memory_space<vmem>>
          %parallel_loop3A_208 = tpu.memref_squeeze %parallel_loop3A_207 : memref<1x64x128xf32, #tpu.memory_space<vmem>> -> memref<64x128xf32, #tpu.memory_space<vmem>>
          tpu.vector_store_idx %parallel_loop3A_208[%parallel_loop3A_187, %parallel_loop3A_203], %parallel_loop3A_202 : memref<64x128xf32, #tpu.memory_space<vmem>>[vector<16xi32>, vector<16xi32>], vector<16xf32>,
          %parallel_loop3A_209 = arith.constant 16 : i32
          %parallel_loop3A_210 = vector.broadcast %parallel_loop3A_209 : i32 to vector<16xi32>
          %parallel_loop3A_211 = arith.addi %iota3A, %parallel_loop3A_210 : vector<16xi32>
          %parallel_loop3A_212 = arith.constant 1 : i32
          %parallel_loop3A_213 = arith.constant 0 : i32
          %parallel_loop3A_214 = arith.constant 0 : i32
          %parallel_loop3A_215 = tpu.memref_slice %arg4[%parallel_loop3A_212, %parallel_loop3A_213, %parallel_loop3A_214] : memref<4x64x128xf32, #tpu.memory_space<vmem>> -> memref<1x64x128xf32, #tpu.memory_space<vmem>>
          %parallel_loop3A_216 = tpu.memref_squeeze %parallel_loop3A_215 : memref<1x64x128xf32, #tpu.memory_space<vmem>> -> memref<64x128xf32, #tpu.memory_space<vmem>>
          %parallel_loop3A_217 = tpu.vector_load_idx %parallel_loop3A_216[%parallel_loop3A_211, %parallel_loop3A_184] : memref<64x128xf32, #tpu.memory_space<vmem>>[vector<16xi32>, vector<16xi32>], vector<16xf32>,
          %parallel_loop3A_218 = arith.addi %parallel_loop3A_193, %parallel_loop3A_211 : vector<16xi32>
          %parallel_loop3A_219 = arith.constant 1 : i32
          %parallel_loop3A_220 = arith.constant 0 : i32
          %parallel_loop3A_221 = arith.constant 0 : i32
          %parallel_loop3A_222 = tpu.memref_slice %arg5[%parallel_loop3A_219, %parallel_loop3A_220, %parallel_loop3A_221] : memref<4x64x128xf32, #tpu.memory_space<vmem>> -> memref<1x64x128xf32, #tpu.memory_space<vmem>>
          %parallel_loop3A_223 = tpu.memref_squeeze %parallel_loop3A_222 : memref<1x64x128xf32, #tpu.memory_space<vmem>> -> memref<64x128xf32, #tpu.memory_space<vmem>>
          tpu.vector_store_idx %parallel_loop3A_223[%parallel_loop3A_187, %parallel_loop3A_218], %parallel_loop3A_217 : memref<64x128xf32, #tpu.memory_space<vmem>>[vector<16xi32>, vector<16xi32>], vector<16xf32>,
          %parallel_loop3A_224 = arith.constant 32 : i32
          %parallel_loop3A_225 = vector.broadcast %parallel_loop3A_224 : i32 to vector<16xi32>
          %parallel_loop3A_226 = arith.addi %iota3A, %parallel_loop3A_225 : vector<16xi32>
          %parallel_loop3A_227 = arith.constant 1 : i32
          %parallel_loop3A_228 = arith.constant 0 : i32
          %parallel_loop3A_229 = arith.constant 0 : i32
          %parallel_loop3A_230 = tpu.memref_slice %arg4[%parallel_loop3A_227, %parallel_loop3A_228, %parallel_loop3A_229] : memref<4x64x128xf32, #tpu.memory_space<vmem>> -> memref<1x64x128xf32, #tpu.memory_space<vmem>>
          %parallel_loop3A_231 = tpu.memref_squeeze %parallel_loop3A_230 : memref<1x64x128xf32, #tpu.memory_space<vmem>> -> memref<64x128xf32, #tpu.memory_space<vmem>>
          %parallel_loop3A_232 = tpu.vector_load_idx %parallel_loop3A_231[%parallel_loop3A_226, %parallel_loop3A_184] : memref<64x128xf32, #tpu.memory_space<vmem>>[vector<16xi32>, vector<16xi32>], vector<16xf32>,
          %parallel_loop3A_233 = arith.addi %parallel_loop3A_193, %parallel_loop3A_226 : vector<16xi32>
          %parallel_loop3A_234 = arith.constant 1 : i32
          %parallel_loop3A_235 = arith.constant 0 : i32
          %parallel_loop3A_236 = arith.constant 0 : i32
          %parallel_loop3A_237 = tpu.memref_slice %arg5[%parallel_loop3A_234, %parallel_loop3A_235, %parallel_loop3A_236] : memref<4x64x128xf32, #tpu.memory_space<vmem>> -> memref<1x64x128xf32, #tpu.memory_space<vmem>>
          %parallel_loop3A_238 = tpu.memref_squeeze %parallel_loop3A_237 : memref<1x64x128xf32, #tpu.memory_space<vmem>> -> memref<64x128xf32, #tpu.memory_space<vmem>>
          tpu.vector_store_idx %parallel_loop3A_238[%parallel_loop3A_187, %parallel_loop3A_233], %parallel_loop3A_232 : memref<64x128xf32, #tpu.memory_space<vmem>>[vector<16xi32>, vector<16xi32>], vector<16xf32>,
          %parallel_loop3A_239 = arith.constant 48 : i32
          %parallel_loop3A_240 = vector.broadcast %parallel_loop3A_239 : i32 to vector<16xi32>
          %parallel_loop3A_241 = arith.addi %iota3A, %parallel_loop3A_240 : vector<16xi32>
          %parallel_loop3A_242 = arith.constant 1 : i32
          %parallel_loop3A_243 = arith.constant 0 : i32
          %parallel_loop3A_244 = arith.constant 0 : i32
          %parallel_loop3A_245 = tpu.memref_slice %arg4[%parallel_loop3A_242, %parallel_loop3A_243, %parallel_loop3A_244] : memref<4x64x128xf32, #tpu.memory_space<vmem>> -> memref<1x64x128xf32, #tpu.memory_space<vmem>>
          %parallel_loop3A_246 = tpu.memref_squeeze %parallel_loop3A_245 : memref<1x64x128xf32, #tpu.memory_space<vmem>> -> memref<64x128xf32, #tpu.memory_space<vmem>>
          %parallel_loop3A_247 = tpu.vector_load_idx %parallel_loop3A_246[%parallel_loop3A_241, %parallel_loop3A_184] : memref<64x128xf32, #tpu.memory_space<vmem>>[vector<16xi32>, vector<16xi32>], vector<16xf32>,
          %parallel_loop3A_248 = arith.addi %parallel_loop3A_193, %parallel_loop3A_241 : vector<16xi32>
          %parallel_loop3A_249 = arith.constant 1 : i32
          %parallel_loop3A_250 = arith.constant 0 : i32
          %parallel_loop3A_251 = arith.constant 0 : i32
          %parallel_loop3A_252 = tpu.memref_slice %arg5[%parallel_loop3A_249, %parallel_loop3A_250, %parallel_loop3A_251] : memref<4x64x128xf32, #tpu.memory_space<vmem>> -> memref<1x64x128xf32, #tpu.memory_space<vmem>>
          %parallel_loop3A_253 = tpu.memref_squeeze %parallel_loop3A_252 : memref<1x64x128xf32, #tpu.memory_space<vmem>> -> memref<64x128xf32, #tpu.memory_space<vmem>>
          tpu.vector_store_idx %parallel_loop3A_253[%parallel_loop3A_187, %parallel_loop3A_248], %parallel_loop3A_247 : memref<64x128xf32, #tpu.memory_space<vmem>>[vector<16xi32>, vector<16xi32>], vector<16xf32>,
          %parallel_loop3A_254 = arith.addi %parallel_loop3A_180, %broadcast_in_dim3A_47 : vector<16xi32>
          scf.yield %parallel_loop3A_254 : vector<16xi32>
        } {sc.loop_unroll_factor = 8 : i64, sc.parallel_access}
        %mul3A_161 = arith.constant 64 : i32
        %mul3A_162 = arith.muli %add3A_102, %mul3A_161 : i32
        %multiple_of3A_163 = tpu.assume_multiple %mul3A_162, 8 : i32
        %dma_start3A = arith.constant 1 : i32
        %dma_start3A_164 = arith.constant 1 : i32
        %dma_start3A_165 = arith.constant 0 : i32
        %dma_start3A_166 = arith.constant 0 : i32
        %dma_start3A_167 = tpu.memref_slice %arg5[%dma_start3A, %dma_start3A_165, %dma_start3A_166] : memref<4x64x128xf32, #tpu.memory_space<vmem>> -> memref<1x64x128xf32, #tpu.memory_space<vmem>>
        %dma_start3A_168 = tpu.memref_squeeze %dma_start3A_167 : memref<1x64x128xf32, #tpu.memory_space<vmem>> -> memref<64x128xf32, #tpu.memory_space<vmem>>
        %dma_start3A_169 = arith.constant 0 : i32
        %dma_start3A_170 = tpu.memref_slice %arg3[%multiple_of3A_163, %dma_start3A_169] : memref<500032x128xf32, #tpu.memory_space<hbm>> -> memref<64x128xf32, #tpu.memory_space<hbm>>
        %dma_start3A_171 = tpu.memref_slice %arg7[%dma_start3A_164] : memref<4x!tpu.dma_semaphore, #tpu.memory_space<semaphore_mem>> -> memref<1x!tpu.dma_semaphore, #tpu.memory_space<semaphore_mem>>
        %dma_start3A_172 = tpu.memref_squeeze %dma_start3A_171 : memref<1x!tpu.dma_semaphore, #tpu.memory_space<semaphore_mem>> -> memref<!tpu.dma_semaphore, #tpu.memory_space<semaphore_mem>>
        %dma_start3A_173 = arith.constant 0 : i32
        %dma_start3A_174 = tpu.memref_slice %arg3[%multiple_of3A_163, %dma_start3A_173] : memref<500032x128xf32, #tpu.memory_space<hbm>> -> memref<64x128xf32, #tpu.memory_space<hbm>>
        %dma_start3A_175 = arith.constant 0 : i32
        %dma_start3A_176 = arith.constant 0 : i32
        %dma_start3A_177 = tpu.memref_slice %arg5[%dma_start3A, %dma_start3A_175, %dma_start3A_176] : memref<4x64x128xf32, #tpu.memory_space<vmem>> -> memref<1x64x128xf32, #tpu.memory_space<vmem>>
        %dma_start3A_178 = tpu.memref_squeeze %dma_start3A_177 : memref<1x64x128xf32, #tpu.memory_space<vmem>> -> memref<64x128xf32, #tpu.memory_space<vmem>>
        tpu.enqueue_dma source(%dma_start3A_178 : memref<64x128xf32, #tpu.memory_space<vmem>>) target(%dma_start3A_174 : memref<64x128xf32, #tpu.memory_space<hbm>>) target_semaphore(%dma_start3A_172 : memref<!tpu.dma_semaphore, #tpu.memory_space<semaphore_mem>>)
      } else {
      }
      %mul3A_107 = arith.constant 4 : i32
      %mul3A_108 = arith.muli %mul3A_107, %scan3A_88 : i32
      %add3A_109 = arith.addi %select_n3A, %mul3A_108 : i32
      %add3A_110 = arith.constant 2 : i32
      %add3A_111 = arith.addi %add3A_109, %add3A_110 : i32
      %lt3A_112 = arith.cmpi slt, %add3A_111, %select_n3A_46 : i32
      %convert_element_type3A_113 = arith.extui %lt3A_112 : i1 to i32
      %cond3A_114 = arith.constant 0 : i32
      %cond3A_115 = arith.cmpi ne, %convert_element_type3A_113, %cond3A_114 : i32
      scf.if %cond3A_115 {
        %add3A_125 = arith.constant 4 : i32
        %add3A_126 = arith.addi %add3A_111, %add3A_125 : i32
        %sub3A_127 = arith.constant 1 : i32
        %sub3A_128 = arith.subi %add3A_126, %sub3A_127 : i32
        %lt3A_129 = arith.cmpi slt, %sub3A_128, %select_n3A_46 : i32
        %convert_element_type3A_130 = arith.extui %lt3A_129 : i1 to i32
        %cond3A_131 = arith.constant 0 : i32
        %cond3A_132 = arith.cmpi ne, %convert_element_type3A_130, %cond3A_131 : i32
        scf.if %cond3A_132 {
          %add3A_179 = arith.constant 4 : i32
          %add3A_180 = arith.addi %add3A_111, %add3A_179 : i32
          %sub3A_181 = arith.constant 1 : i32
          %sub3A_182 = arith.subi %add3A_180, %sub3A_181 : i32
          %mul3A_183 = arith.constant 128 : i32
          %mul3A_184 = arith.muli %sub3A_182, %mul3A_183 : i32
          %multiple_of3A_185 = tpu.assume_multiple %mul3A_184, 128 : i32
          %dma_start3A_186 = arith.constant 1 : i32
          %dma_start3A_187 = arith.constant 1 : i32
          %dma_start3A_188 = arith.constant 0 : i32
          %dma_start3A_189 = arith.constant 0 : i32
          %dma_start3A_190 = tpu.memref_slice %arg4[%dma_start3A_186, %dma_start3A_188, %dma_start3A_189] : memref<4x64x128xf32, #tpu.memory_space<vmem>> -> memref<1x64x128xf32, #tpu.memory_space<vmem>>
          %dma_start3A_191 = tpu.memref_squeeze %dma_start3A_190 : memref<1x64x128xf32, #tpu.memory_space<vmem>> -> memref<64x128xf32, #tpu.memory_space<vmem>>
          %dma_start3A_192 = arith.constant 0 : i32
          %dma_start3A_193 = tpu.memref_slice %arg2[%dma_start3A_192, %multiple_of3A_185] : memref<64x1000000xf32, #tpu.memory_space<hbm>> -> memref<64x128xf32, #tpu.memory_space<hbm>>
          %dma_start3A_194 = tpu.memref_slice %arg6[%dma_start3A_187] : memref<4x!tpu.dma_semaphore, #tpu.memory_space<semaphore_mem>> -> memref<1x!tpu.dma_semaphore, #tpu.memory_space<semaphore_mem>>
          %dma_start3A_195 = tpu.memref_squeeze %dma_start3A_194 : memref<1x!tpu.dma_semaphore, #tpu.memory_space<semaphore_mem>> -> memref<!tpu.dma_semaphore, #tpu.memory_space<semaphore_mem>>
          %dma_start3A_196 = arith.constant 0 : i32
          %dma_start3A_197 = arith.constant 0 : i32
          %dma_start3A_198 = tpu.memref_slice %arg4[%dma_start3A_186, %dma_start3A_196, %dma_start3A_197] : memref<4x64x128xf32, #tpu.memory_space<vmem>> -> memref<1x64x128xf32, #tpu.memory_space<vmem>>
          %dma_start3A_199 = tpu.memref_squeeze %dma_start3A_198 : memref<1x64x128xf32, #tpu.memory_space<vmem>> -> memref<64x128xf32, #tpu.memory_space<vmem>>
          %dma_start3A_200 = arith.constant 0 : i32
          %dma_start3A_201 = tpu.memref_slice %arg2[%dma_start3A_200, %multiple_of3A_185] : memref<64x1000000xf32, #tpu.memory_space<hbm>> -> memref<64x128xf32, #tpu.memory_space<hbm>>
          tpu.enqueue_dma source(%dma_start3A_201 : memref<64x128xf32, #tpu.memory_space<hbm>>) target(%dma_start3A_199 : memref<64x128xf32, #tpu.memory_space<vmem>>) target_semaphore(%dma_start3A_195 : memref<!tpu.dma_semaphore, #tpu.memory_space<semaphore_mem>>)
        } else {
        }
        %mul3A_133 = arith.constant 128 : i32
        %mul3A_134 = arith.muli %add3A_111, %mul3A_133 : i32
        %multiple_of3A = tpu.assume_multiple %mul3A_134, 128 : i32
        %dma_wait3A = arith.constant 2 : i32
        %dma_wait3A_135 = arith.constant 2 : i32
        %dma_wait3A_136 = arith.constant 0 : i32
        %dma_wait3A_137 = arith.constant 0 : i32
        %dma_wait3A_138 = tpu.memref_slice %arg4[%dma_wait3A, %dma_wait3A_136, %dma_wait3A_137] : memref<4x64x128xf32, #tpu.memory_space<vmem>> -> memref<1x64x128xf32, #tpu.memory_space<vmem>>
        %dma_wait3A_139 = tpu.memref_squeeze %dma_wait3A_138 : memref<1x64x128xf32, #tpu.memory_space<vmem>> -> memref<64x128xf32, #tpu.memory_space<vmem>>
        %dma_wait3A_140 = arith.constant 0 : i32
        %dma_wait3A_141 = tpu.memref_slice %arg2[%dma_wait3A_140, %multiple_of3A] : memref<64x1000000xf32, #tpu.memory_space<hbm>> -> memref<64x128xf32, #tpu.memory_space<hbm>>
        %dma_wait3A_142 = tpu.memref_slice %arg6[%dma_wait3A_135] : memref<4x!tpu.dma_semaphore, #tpu.memory_space<semaphore_mem>> -> memref<1x!tpu.dma_semaphore, #tpu.memory_space<semaphore_mem>>
        %dma_wait3A_143 = tpu.memref_squeeze %dma_wait3A_142 : memref<1x!tpu.dma_semaphore, #tpu.memory_space<semaphore_mem>> -> memref<!tpu.dma_semaphore, #tpu.memory_space<semaphore_mem>>
        %dma_wait3A_144 = arith.constant 0 : i32
        %dma_wait3A_145 = arith.constant 0 : i32
        %dma_wait3A_146 = tpu.memref_slice %arg4[%dma_wait3A, %dma_wait3A_144, %dma_wait3A_145] : memref<4x64x128xf32, #tpu.memory_space<vmem>> -> memref<1x64x128xf32, #tpu.memory_space<vmem>>
        %dma_wait3A_147 = tpu.memref_squeeze %dma_wait3A_146 : memref<1x64x128xf32, #tpu.memory_space<vmem>> -> memref<64x128xf32, #tpu.memory_space<vmem>>
        %dma_wait3A_148 = arith.constant 0 : i32
        %dma_wait3A_149 = tpu.memref_slice %arg2[%dma_wait3A_148, %multiple_of3A] : memref<64x1000000xf32, #tpu.memory_space<hbm>> -> memref<64x128xf32, #tpu.memory_space<hbm>>
        tpu.wait_dma2 semaphore(%dma_wait3A_143 : memref<!tpu.dma_semaphore, #tpu.memory_space<semaphore_mem>>) src(%dma_wait3A_149 : memref<64x128xf32, #tpu.memory_space<hbm>>) dst(%dma_wait3A_147 : memref<64x128xf32, #tpu.memory_space<vmem>>)
        %sub3A_150 = arith.constant 4 : i32
        %sub3A_151 = arith.subi %add3A_111, %sub3A_150 : i32
        %ge3A_152 = arith.cmpi sge, %sub3A_151, %select_n3A : i32
        %convert_element_type3A_153 = arith.extui %ge3A_152 : i1 to i32
        %cond3A_154 = arith.constant 0 : i32
        %cond3A_155 = arith.cmpi ne, %convert_element_type3A_153, %cond3A_154 : i32
        scf.if %cond3A_155 {
          %sub3A_179 = arith.constant 4 : i32
          %sub3A_180 = arith.subi %add3A_111, %sub3A_179 : i32
          %mul3A_181 = arith.constant 64 : i32
          %mul3A_182 = arith.muli %sub3A_180, %mul3A_181 : i32
          %multiple_of3A_183 = tpu.assume_multiple %mul3A_182, 8 : i32
          %dma_wait3A_184 = arith.constant 2 : i32
          %dma_wait3A_185 = arith.constant 2 : i32
          %dma_wait3A_186 = arith.constant 0 : i32
          %dma_wait3A_187 = arith.constant 0 : i32
          %dma_wait3A_188 = tpu.memref_slice %arg5[%dma_wait3A_184, %dma_wait3A_186, %dma_wait3A_187] : memref<4x64x128xf32, #tpu.memory_space<vmem>> -> memref<1x64x128xf32, #tpu.memory_space<vmem>>
          %dma_wait3A_189 = tpu.memref_squeeze %dma_wait3A_188 : memref<1x64x128xf32, #tpu.memory_space<vmem>> -> memref<64x128xf32, #tpu.memory_space<vmem>>
          %dma_wait3A_190 = arith.constant 0 : i32
          %dma_wait3A_191 = tpu.memref_slice %arg3[%multiple_of3A_183, %dma_wait3A_190] : memref<500032x128xf32, #tpu.memory_space<hbm>> -> memref<64x128xf32, #tpu.memory_space<hbm>>
          %dma_wait3A_192 = tpu.memref_slice %arg7[%dma_wait3A_185] : memref<4x!tpu.dma_semaphore, #tpu.memory_space<semaphore_mem>> -> memref<1x!tpu.dma_semaphore, #tpu.memory_space<semaphore_mem>>
          %dma_wait3A_193 = tpu.memref_squeeze %dma_wait3A_192 : memref<1x!tpu.dma_semaphore, #tpu.memory_space<semaphore_mem>> -> memref<!tpu.dma_semaphore, #tpu.memory_space<semaphore_mem>>
          %dma_wait3A_194 = arith.constant 0 : i32
          %dma_wait3A_195 = tpu.memref_slice %arg3[%multiple_of3A_183, %dma_wait3A_194] : memref<500032x128xf32, #tpu.memory_space<hbm>> -> memref<64x128xf32, #tpu.memory_space<hbm>>
          %dma_wait3A_196 = arith.constant 0 : i32
          %dma_wait3A_197 = arith.constant 0 : i32
          %dma_wait3A_198 = tpu.memref_slice %arg5[%dma_wait3A_184, %dma_wait3A_196, %dma_wait3A_197] : memref<4x64x128xf32, #tpu.memory_space<vmem>> -> memref<1x64x128xf32, #tpu.memory_space<vmem>>
          %dma_wait3A_199 = tpu.memref_squeeze %dma_wait3A_198 : memref<1x64x128xf32, #tpu.memory_space<vmem>> -> memref<64x128xf32, #tpu.memory_space<vmem>>
          tpu.wait_dma2 semaphore(%dma_wait3A_193 : memref<!tpu.dma_semaphore, #tpu.memory_space<semaphore_mem>>) src(%dma_wait3A_199 : memref<64x128xf32, #tpu.memory_space<vmem>>) dst(%dma_wait3A_195 : memref<64x128xf32, #tpu.memory_space<hbm>>)
        } else {
        }
        %broadcast_in_dim3A_156 = arith.constant 0 : i32
        %broadcast_in_dim3A_157 = vector.broadcast %broadcast_in_dim3A_156 : i32 to vector<16xi32>
        %parallel_loop3A = arith.constant 0 : i32
        %parallel_loop3A_158 = arith.constant 128 : i32
        %parallel_loop3A_159 = arith.constant 1 : i32
        %parallel_loop3A_160 = scf.for %parallel_loop3A_179 = %parallel_loop3A to %parallel_loop3A_158 step %parallel_loop3A_159 iter_args(%parallel_loop3A_180 = %broadcast_in_dim3A_157) -> (vector<16xi32>)  : i32 {
          %parallel_loop3A_181 = arith.addi %parallel_loop3A_180, %iota3A : vector<16xi32>
          %parallel_loop3A_182 = arith.constant 127 : i32
          %parallel_loop3A_183 = vector.broadcast %parallel_loop3A_182 : i32 to vector<16xi32>
          %parallel_loop3A_184 = arith.andi %parallel_loop3A_181, %parallel_loop3A_183 : vector<16xi32>
          %parallel_loop3A_185 = arith.constant 1 : i32
          %parallel_loop3A_186 = vector.broadcast %parallel_loop3A_185 : i32 to vector<16xi32>
          %parallel_loop3A_187 = arith.shrsi %parallel_loop3A_184, %parallel_loop3A_186 : vector<16xi32>
          %parallel_loop3A_188 = arith.constant 1 : i32
          %parallel_loop3A_189 = vector.broadcast %parallel_loop3A_188 : i32 to vector<16xi32>
          %parallel_loop3A_190 = arith.andi %parallel_loop3A_184, %parallel_loop3A_189 : vector<16xi32>
          %parallel_loop3A_191 = arith.constant 64 : i32
          %parallel_loop3A_192 = vector.broadcast %parallel_loop3A_191 : i32 to vector<16xi32>
          %parallel_loop3A_193 = arith.muli %parallel_loop3A_190, %parallel_loop3A_192 : vector<16xi32>
          %parallel_loop3A_194 = arith.constant 0 : i32
          %parallel_loop3A_195 = vector.broadcast %parallel_loop3A_194 : i32 to vector<16xi32>
          %parallel_loop3A_196 = arith.addi %iota3A, %parallel_loop3A_195 : vector<16xi32>
          %parallel_loop3A_197 = arith.constant 2 : i32
          %parallel_loop3A_198 = arith.constant 0 : i32
          %parallel_loop3A_199 = arith.constant 0 : i32
          %parallel_loop3A_200 = tpu.memref_slice %arg4[%parallel_loop3A_197, %parallel_loop3A_198, %parallel_loop3A_199] : memref<4x64x128xf32, #tpu.memory_space<vmem>> -> memref<1x64x128xf32, #tpu.memory_space<vmem>>
          %parallel_loop3A_201 = tpu.memref_squeeze %parallel_loop3A_200 : memref<1x64x128xf32, #tpu.memory_space<vmem>> -> memref<64x128xf32, #tpu.memory_space<vmem>>
          %parallel_loop3A_202 = tpu.vector_load_idx %parallel_loop3A_201[%parallel_loop3A_196, %parallel_loop3A_184] : memref<64x128xf32, #tpu.memory_space<vmem>>[vector<16xi32>, vector<16xi32>], vector<16xf32>,
          %parallel_loop3A_203 = arith.addi %parallel_loop3A_193, %parallel_loop3A_196 : vector<16xi32>
          %parallel_loop3A_204 = arith.constant 2 : i32
          %parallel_loop3A_205 = arith.constant 0 : i32
          %parallel_loop3A_206 = arith.constant 0 : i32
          %parallel_loop3A_207 = tpu.memref_slice %arg5[%parallel_loop3A_204, %parallel_loop3A_205, %parallel_loop3A_206] : memref<4x64x128xf32, #tpu.memory_space<vmem>> -> memref<1x64x128xf32, #tpu.memory_space<vmem>>
          %parallel_loop3A_208 = tpu.memref_squeeze %parallel_loop3A_207 : memref<1x64x128xf32, #tpu.memory_space<vmem>> -> memref<64x128xf32, #tpu.memory_space<vmem>>
          tpu.vector_store_idx %parallel_loop3A_208[%parallel_loop3A_187, %parallel_loop3A_203], %parallel_loop3A_202 : memref<64x128xf32, #tpu.memory_space<vmem>>[vector<16xi32>, vector<16xi32>], vector<16xf32>,
          %parallel_loop3A_209 = arith.constant 16 : i32
          %parallel_loop3A_210 = vector.broadcast %parallel_loop3A_209 : i32 to vector<16xi32>
          %parallel_loop3A_211 = arith.addi %iota3A, %parallel_loop3A_210 : vector<16xi32>
          %parallel_loop3A_212 = arith.constant 2 : i32
          %parallel_loop3A_213 = arith.constant 0 : i32
          %parallel_loop3A_214 = arith.constant 0 : i32
          %parallel_loop3A_215 = tpu.memref_slice %arg4[%parallel_loop3A_212, %parallel_loop3A_213, %parallel_loop3A_214] : memref<4x64x128xf32, #tpu.memory_space<vmem>> -> memref<1x64x128xf32, #tpu.memory_space<vmem>>
          %parallel_loop3A_216 = tpu.memref_squeeze %parallel_loop3A_215 : memref<1x64x128xf32, #tpu.memory_space<vmem>> -> memref<64x128xf32, #tpu.memory_space<vmem>>
          %parallel_loop3A_217 = tpu.vector_load_idx %parallel_loop3A_216[%parallel_loop3A_211, %parallel_loop3A_184] : memref<64x128xf32, #tpu.memory_space<vmem>>[vector<16xi32>, vector<16xi32>], vector<16xf32>,
          %parallel_loop3A_218 = arith.addi %parallel_loop3A_193, %parallel_loop3A_211 : vector<16xi32>
          %parallel_loop3A_219 = arith.constant 2 : i32
          %parallel_loop3A_220 = arith.constant 0 : i32
          %parallel_loop3A_221 = arith.constant 0 : i32
          %parallel_loop3A_222 = tpu.memref_slice %arg5[%parallel_loop3A_219, %parallel_loop3A_220, %parallel_loop3A_221] : memref<4x64x128xf32, #tpu.memory_space<vmem>> -> memref<1x64x128xf32, #tpu.memory_space<vmem>>
          %parallel_loop3A_223 = tpu.memref_squeeze %parallel_loop3A_222 : memref<1x64x128xf32, #tpu.memory_space<vmem>> -> memref<64x128xf32, #tpu.memory_space<vmem>>
          tpu.vector_store_idx %parallel_loop3A_223[%parallel_loop3A_187, %parallel_loop3A_218], %parallel_loop3A_217 : memref<64x128xf32, #tpu.memory_space<vmem>>[vector<16xi32>, vector<16xi32>], vector<16xf32>,
          %parallel_loop3A_224 = arith.constant 32 : i32
          %parallel_loop3A_225 = vector.broadcast %parallel_loop3A_224 : i32 to vector<16xi32>
          %parallel_loop3A_226 = arith.addi %iota3A, %parallel_loop3A_225 : vector<16xi32>
          %parallel_loop3A_227 = arith.constant 2 : i32
          %parallel_loop3A_228 = arith.constant 0 : i32
          %parallel_loop3A_229 = arith.constant 0 : i32
          %parallel_loop3A_230 = tpu.memref_slice %arg4[%parallel_loop3A_227, %parallel_loop3A_228, %parallel_loop3A_229] : memref<4x64x128xf32, #tpu.memory_space<vmem>> -> memref<1x64x128xf32, #tpu.memory_space<vmem>>
          %parallel_loop3A_231 = tpu.memref_squeeze %parallel_loop3A_230 : memref<1x64x128xf32, #tpu.memory_space<vmem>> -> memref<64x128xf32, #tpu.memory_space<vmem>>
          %parallel_loop3A_232 = tpu.vector_load_idx %parallel_loop3A_231[%parallel_loop3A_226, %parallel_loop3A_184] : memref<64x128xf32, #tpu.memory_space<vmem>>[vector<16xi32>, vector<16xi32>], vector<16xf32>,
          %parallel_loop3A_233 = arith.addi %parallel_loop3A_193, %parallel_loop3A_226 : vector<16xi32>
          %parallel_loop3A_234 = arith.constant 2 : i32
          %parallel_loop3A_235 = arith.constant 0 : i32
          %parallel_loop3A_236 = arith.constant 0 : i32
          %parallel_loop3A_237 = tpu.memref_slice %arg5[%parallel_loop3A_234, %parallel_loop3A_235, %parallel_loop3A_236] : memref<4x64x128xf32, #tpu.memory_space<vmem>> -> memref<1x64x128xf32, #tpu.memory_space<vmem>>
          %parallel_loop3A_238 = tpu.memref_squeeze %parallel_loop3A_237 : memref<1x64x128xf32, #tpu.memory_space<vmem>> -> memref<64x128xf32, #tpu.memory_space<vmem>>
          tpu.vector_store_idx %parallel_loop3A_238[%parallel_loop3A_187, %parallel_loop3A_233], %parallel_loop3A_232 : memref<64x128xf32, #tpu.memory_space<vmem>>[vector<16xi32>, vector<16xi32>], vector<16xf32>,
          %parallel_loop3A_239 = arith.constant 48 : i32
          %parallel_loop3A_240 = vector.broadcast %parallel_loop3A_239 : i32 to vector<16xi32>
          %parallel_loop3A_241 = arith.addi %iota3A, %parallel_loop3A_240 : vector<16xi32>
          %parallel_loop3A_242 = arith.constant 2 : i32
          %parallel_loop3A_243 = arith.constant 0 : i32
          %parallel_loop3A_244 = arith.constant 0 : i32
          %parallel_loop3A_245 = tpu.memref_slice %arg4[%parallel_loop3A_242, %parallel_loop3A_243, %parallel_loop3A_244] : memref<4x64x128xf32, #tpu.memory_space<vmem>> -> memref<1x64x128xf32, #tpu.memory_space<vmem>>
          %parallel_loop3A_246 = tpu.memref_squeeze %parallel_loop3A_245 : memref<1x64x128xf32, #tpu.memory_space<vmem>> -> memref<64x128xf32, #tpu.memory_space<vmem>>
          %parallel_loop3A_247 = tpu.vector_load_idx %parallel_loop3A_246[%parallel_loop3A_241, %parallel_loop3A_184] : memref<64x128xf32, #tpu.memory_space<vmem>>[vector<16xi32>, vector<16xi32>], vector<16xf32>,
          %parallel_loop3A_248 = arith.addi %parallel_loop3A_193, %parallel_loop3A_241 : vector<16xi32>
          %parallel_loop3A_249 = arith.constant 2 : i32
          %parallel_loop3A_250 = arith.constant 0 : i32
          %parallel_loop3A_251 = arith.constant 0 : i32
          %parallel_loop3A_252 = tpu.memref_slice %arg5[%parallel_loop3A_249, %parallel_loop3A_250, %parallel_loop3A_251] : memref<4x64x128xf32, #tpu.memory_space<vmem>> -> memref<1x64x128xf32, #tpu.memory_space<vmem>>
          %parallel_loop3A_253 = tpu.memref_squeeze %parallel_loop3A_252 : memref<1x64x128xf32, #tpu.memory_space<vmem>> -> memref<64x128xf32, #tpu.memory_space<vmem>>
          tpu.vector_store_idx %parallel_loop3A_253[%parallel_loop3A_187, %parallel_loop3A_248], %parallel_loop3A_247 : memref<64x128xf32, #tpu.memory_space<vmem>>[vector<16xi32>, vector<16xi32>], vector<16xf32>,
          %parallel_loop3A_254 = arith.addi %parallel_loop3A_180, %broadcast_in_dim3A_47 : vector<16xi32>
          scf.yield %parallel_loop3A_254 : vector<16xi32>
        } {sc.loop_unroll_factor = 8 : i64, sc.parallel_access}
        %mul3A_161 = arith.constant 64 : i32
        %mul3A_162 = arith.muli %add3A_111, %mul3A_161 : i32
        %multiple_of3A_163 = tpu.assume_multiple %mul3A_162, 8 : i32
        %dma_start3A = arith.constant 2 : i32
        %dma_start3A_164 = arith.constant 2 : i32
        %dma_start3A_165 = arith.constant 0 : i32
        %dma_start3A_166 = arith.constant 0 : i32
        %dma_start3A_167 = tpu.memref_slice %arg5[%dma_start3A, %dma_start3A_165, %dma_start3A_166] : memref<4x64x128xf32, #tpu.memory_space<vmem>> -> memref<1x64x128xf32, #tpu.memory_space<vmem>>
        %dma_start3A_168 = tpu.memref_squeeze %dma_start3A_167 : memref<1x64x128xf32, #tpu.memory_space<vmem>> -> memref<64x128xf32, #tpu.memory_space<vmem>>
        %dma_start3A_169 = arith.constant 0 : i32
        %dma_start3A_170 = tpu.memref_slice %arg3[%multiple_of3A_163, %dma_start3A_169] : memref<500032x128xf32, #tpu.memory_space<hbm>> -> memref<64x128xf32, #tpu.memory_space<hbm>>
        %dma_start3A_171 = tpu.memref_slice %arg7[%dma_start3A_164] : memref<4x!tpu.dma_semaphore, #tpu.memory_space<semaphore_mem>> -> memref<1x!tpu.dma_semaphore, #tpu.memory_space<semaphore_mem>>
        %dma_start3A_172 = tpu.memref_squeeze %dma_start3A_171 : memref<1x!tpu.dma_semaphore, #tpu.memory_space<semaphore_mem>> -> memref<!tpu.dma_semaphore, #tpu.memory_space<semaphore_mem>>
        %dma_start3A_173 = arith.constant 0 : i32
        %dma_start3A_174 = tpu.memref_slice %arg3[%multiple_of3A_163, %dma_start3A_173] : memref<500032x128xf32, #tpu.memory_space<hbm>> -> memref<64x128xf32, #tpu.memory_space<hbm>>
        %dma_start3A_175 = arith.constant 0 : i32
        %dma_start3A_176 = arith.constant 0 : i32
        %dma_start3A_177 = tpu.memref_slice %arg5[%dma_start3A, %dma_start3A_175, %dma_start3A_176] : memref<4x64x128xf32, #tpu.memory_space<vmem>> -> memref<1x64x128xf32, #tpu.memory_space<vmem>>
        %dma_start3A_178 = tpu.memref_squeeze %dma_start3A_177 : memref<1x64x128xf32, #tpu.memory_space<vmem>> -> memref<64x128xf32, #tpu.memory_space<vmem>>
        tpu.enqueue_dma source(%dma_start3A_178 : memref<64x128xf32, #tpu.memory_space<vmem>>) target(%dma_start3A_174 : memref<64x128xf32, #tpu.memory_space<hbm>>) target_semaphore(%dma_start3A_172 : memref<!tpu.dma_semaphore, #tpu.memory_space<semaphore_mem>>)
      } else {
      }
      %mul3A_116 = arith.constant 4 : i32
      %mul3A_117 = arith.muli %mul3A_116, %scan3A_88 : i32
      %add3A_118 = arith.addi %select_n3A, %mul3A_117 : i32
      %add3A_119 = arith.constant 3 : i32
      %add3A_120 = arith.addi %add3A_118, %add3A_119 : i32
      %lt3A_121 = arith.cmpi slt, %add3A_120, %select_n3A_46 : i32
      %convert_element_type3A_122 = arith.extui %lt3A_121 : i1 to i32
      %cond3A_123 = arith.constant 0 : i32
      %cond3A_124 = arith.cmpi ne, %convert_element_type3A_122, %cond3A_123 : i32
      scf.if %cond3A_124 {
        %add3A_125 = arith.constant 4 : i32
        %add3A_126 = arith.addi %add3A_120, %add3A_125 : i32
        %sub3A_127 = arith.constant 1 : i32
        %sub3A_128 = arith.subi %add3A_126, %sub3A_127 : i32
        %lt3A_129 = arith.cmpi slt, %sub3A_128, %select_n3A_46 : i32
        %convert_element_type3A_130 = arith.extui %lt3A_129 : i1 to i32
        %cond3A_131 = arith.constant 0 : i32
        %cond3A_132 = arith.cmpi ne, %convert_element_type3A_130, %cond3A_131 : i32
        scf.if %cond3A_132 {
          %add3A_179 = arith.constant 4 : i32
          %add3A_180 = arith.addi %add3A_120, %add3A_179 : i32
          %sub3A_181 = arith.constant 1 : i32
          %sub3A_182 = arith.subi %add3A_180, %sub3A_181 : i32
          %mul3A_183 = arith.constant 128 : i32
          %mul3A_184 = arith.muli %sub3A_182, %mul3A_183 : i32
          %multiple_of3A_185 = tpu.assume_multiple %mul3A_184, 128 : i32
          %dma_start3A_186 = arith.constant 2 : i32
          %dma_start3A_187 = arith.constant 2 : i32
          %dma_start3A_188 = arith.constant 0 : i32
          %dma_start3A_189 = arith.constant 0 : i32
          %dma_start3A_190 = tpu.memref_slice %arg4[%dma_start3A_186, %dma_start3A_188, %dma_start3A_189] : memref<4x64x128xf32, #tpu.memory_space<vmem>> -> memref<1x64x128xf32, #tpu.memory_space<vmem>>
          %dma_start3A_191 = tpu.memref_squeeze %dma_start3A_190 : memref<1x64x128xf32, #tpu.memory_space<vmem>> -> memref<64x128xf32, #tpu.memory_space<vmem>>
          %dma_start3A_192 = arith.constant 0 : i32
          %dma_start3A_193 = tpu.memref_slice %arg2[%dma_start3A_192, %multiple_of3A_185] : memref<64x1000000xf32, #tpu.memory_space<hbm>> -> memref<64x128xf32, #tpu.memory_space<hbm>>
          %dma_start3A_194 = tpu.memref_slice %arg6[%dma_start3A_187] : memref<4x!tpu.dma_semaphore, #tpu.memory_space<semaphore_mem>> -> memref<1x!tpu.dma_semaphore, #tpu.memory_space<semaphore_mem>>
          %dma_start3A_195 = tpu.memref_squeeze %dma_start3A_194 : memref<1x!tpu.dma_semaphore, #tpu.memory_space<semaphore_mem>> -> memref<!tpu.dma_semaphore, #tpu.memory_space<semaphore_mem>>
          %dma_start3A_196 = arith.constant 0 : i32
          %dma_start3A_197 = arith.constant 0 : i32
          %dma_start3A_198 = tpu.memref_slice %arg4[%dma_start3A_186, %dma_start3A_196, %dma_start3A_197] : memref<4x64x128xf32, #tpu.memory_space<vmem>> -> memref<1x64x128xf32, #tpu.memory_space<vmem>>
          %dma_start3A_199 = tpu.memref_squeeze %dma_start3A_198 : memref<1x64x128xf32, #tpu.memory_space<vmem>> -> memref<64x128xf32, #tpu.memory_space<vmem>>
          %dma_start3A_200 = arith.constant 0 : i32
          %dma_start3A_201 = tpu.memref_slice %arg2[%dma_start3A_200, %multiple_of3A_185] : memref<64x1000000xf32, #tpu.memory_space<hbm>> -> memref<64x128xf32, #tpu.memory_space<hbm>>
          tpu.enqueue_dma source(%dma_start3A_201 : memref<64x128xf32, #tpu.memory_space<hbm>>) target(%dma_start3A_199 : memref<64x128xf32, #tpu.memory_space<vmem>>) target_semaphore(%dma_start3A_195 : memref<!tpu.dma_semaphore, #tpu.memory_space<semaphore_mem>>)
        } else {
        }
        %mul3A_133 = arith.constant 128 : i32
        %mul3A_134 = arith.muli %add3A_120, %mul3A_133 : i32
        %multiple_of3A = tpu.assume_multiple %mul3A_134, 128 : i32
        %dma_wait3A = arith.constant 3 : i32
        %dma_wait3A_135 = arith.constant 3 : i32
        %dma_wait3A_136 = arith.constant 0 : i32
        %dma_wait3A_137 = arith.constant 0 : i32
        %dma_wait3A_138 = tpu.memref_slice %arg4[%dma_wait3A, %dma_wait3A_136, %dma_wait3A_137] : memref<4x64x128xf32, #tpu.memory_space<vmem>> -> memref<1x64x128xf32, #tpu.memory_space<vmem>>
        %dma_wait3A_139 = tpu.memref_squeeze %dma_wait3A_138 : memref<1x64x128xf32, #tpu.memory_space<vmem>> -> memref<64x128xf32, #tpu.memory_space<vmem>>
        %dma_wait3A_140 = arith.constant 0 : i32
        %dma_wait3A_141 = tpu.memref_slice %arg2[%dma_wait3A_140, %multiple_of3A] : memref<64x1000000xf32, #tpu.memory_space<hbm>> -> memref<64x128xf32, #tpu.memory_space<hbm>>
        %dma_wait3A_142 = tpu.memref_slice %arg6[%dma_wait3A_135] : memref<4x!tpu.dma_semaphore, #tpu.memory_space<semaphore_mem>> -> memref<1x!tpu.dma_semaphore, #tpu.memory_space<semaphore_mem>>
        %dma_wait3A_143 = tpu.memref_squeeze %dma_wait3A_142 : memref<1x!tpu.dma_semaphore, #tpu.memory_space<semaphore_mem>> -> memref<!tpu.dma_semaphore, #tpu.memory_space<semaphore_mem>>
        %dma_wait3A_144 = arith.constant 0 : i32
        %dma_wait3A_145 = arith.constant 0 : i32
        %dma_wait3A_146 = tpu.memref_slice %arg4[%dma_wait3A, %dma_wait3A_144, %dma_wait3A_145] : memref<4x64x128xf32, #tpu.memory_space<vmem>> -> memref<1x64x128xf32, #tpu.memory_space<vmem>>
        %dma_wait3A_147 = tpu.memref_squeeze %dma_wait3A_146 : memref<1x64x128xf32, #tpu.memory_space<vmem>> -> memref<64x128xf32, #tpu.memory_space<vmem>>
        %dma_wait3A_148 = arith.constant 0 : i32
        %dma_wait3A_149 = tpu.memref_slice %arg2[%dma_wait3A_148, %multiple_of3A] : memref<64x1000000xf32, #tpu.memory_space<hbm>> -> memref<64x128xf32, #tpu.memory_space<hbm>>
        tpu.wait_dma2 semaphore(%dma_wait3A_143 : memref<!tpu.dma_semaphore, #tpu.memory_space<semaphore_mem>>) src(%dma_wait3A_149 : memref<64x128xf32, #tpu.memory_space<hbm>>) dst(%dma_wait3A_147 : memref<64x128xf32, #tpu.memory_space<vmem>>)
        %sub3A_150 = arith.constant 4 : i32
        %sub3A_151 = arith.subi %add3A_120, %sub3A_150 : i32
        %ge3A_152 = arith.cmpi sge, %sub3A_151, %select_n3A : i32
        %convert_element_type3A_153 = arith.extui %ge3A_152 : i1 to i32
        %cond3A_154 = arith.constant 0 : i32
        %cond3A_155 = arith.cmpi ne, %convert_element_type3A_153, %cond3A_154 : i32
        scf.if %cond3A_155 {
          %sub3A_179 = arith.constant 4 : i32
          %sub3A_180 = arith.subi %add3A_120, %sub3A_179 : i32
          %mul3A_181 = arith.constant 64 : i32
          %mul3A_182 = arith.muli %sub3A_180, %mul3A_181 : i32
          %multiple_of3A_183 = tpu.assume_multiple %mul3A_182, 8 : i32
          %dma_wait3A_184 = arith.constant 3 : i32
          %dma_wait3A_185 = arith.constant 3 : i32
          %dma_wait3A_186 = arith.constant 0 : i32
          %dma_wait3A_187 = arith.constant 0 : i32
          %dma_wait3A_188 = tpu.memref_slice %arg5[%dma_wait3A_184, %dma_wait3A_186, %dma_wait3A_187] : memref<4x64x128xf32, #tpu.memory_space<vmem>> -> memref<1x64x128xf32, #tpu.memory_space<vmem>>
          %dma_wait3A_189 = tpu.memref_squeeze %dma_wait3A_188 : memref<1x64x128xf32, #tpu.memory_space<vmem>> -> memref<64x128xf32, #tpu.memory_space<vmem>>
          %dma_wait3A_190 = arith.constant 0 : i32
          %dma_wait3A_191 = tpu.memref_slice %arg3[%multiple_of3A_183, %dma_wait3A_190] : memref<500032x128xf32, #tpu.memory_space<hbm>> -> memref<64x128xf32, #tpu.memory_space<hbm>>
          %dma_wait3A_192 = tpu.memref_slice %arg7[%dma_wait3A_185] : memref<4x!tpu.dma_semaphore, #tpu.memory_space<semaphore_mem>> -> memref<1x!tpu.dma_semaphore, #tpu.memory_space<semaphore_mem>>
          %dma_wait3A_193 = tpu.memref_squeeze %dma_wait3A_192 : memref<1x!tpu.dma_semaphore, #tpu.memory_space<semaphore_mem>> -> memref<!tpu.dma_semaphore, #tpu.memory_space<semaphore_mem>>
          %dma_wait3A_194 = arith.constant 0 : i32
          %dma_wait3A_195 = tpu.memref_slice %arg3[%multiple_of3A_183, %dma_wait3A_194] : memref<500032x128xf32, #tpu.memory_space<hbm>> -> memref<64x128xf32, #tpu.memory_space<hbm>>
          %dma_wait3A_196 = arith.constant 0 : i32
          %dma_wait3A_197 = arith.constant 0 : i32
          %dma_wait3A_198 = tpu.memref_slice %arg5[%dma_wait3A_184, %dma_wait3A_196, %dma_wait3A_197] : memref<4x64x128xf32, #tpu.memory_space<vmem>> -> memref<1x64x128xf32, #tpu.memory_space<vmem>>
          %dma_wait3A_199 = tpu.memref_squeeze %dma_wait3A_198 : memref<1x64x128xf32, #tpu.memory_space<vmem>> -> memref<64x128xf32, #tpu.memory_space<vmem>>
          tpu.wait_dma2 semaphore(%dma_wait3A_193 : memref<!tpu.dma_semaphore, #tpu.memory_space<semaphore_mem>>) src(%dma_wait3A_199 : memref<64x128xf32, #tpu.memory_space<vmem>>) dst(%dma_wait3A_195 : memref<64x128xf32, #tpu.memory_space<hbm>>)
        } else {
        }
        %broadcast_in_dim3A_156 = arith.constant 0 : i32
        %broadcast_in_dim3A_157 = vector.broadcast %broadcast_in_dim3A_156 : i32 to vector<16xi32>
        %parallel_loop3A = arith.constant 0 : i32
        %parallel_loop3A_158 = arith.constant 128 : i32
        %parallel_loop3A_159 = arith.constant 1 : i32
        %parallel_loop3A_160 = scf.for %parallel_loop3A_179 = %parallel_loop3A to %parallel_loop3A_158 step %parallel_loop3A_159 iter_args(%parallel_loop3A_180 = %broadcast_in_dim3A_157) -> (vector<16xi32>)  : i32 {
          %parallel_loop3A_181 = arith.addi %parallel_loop3A_180, %iota3A : vector<16xi32>
          %parallel_loop3A_182 = arith.constant 127 : i32
          %parallel_loop3A_183 = vector.broadcast %parallel_loop3A_182 : i32 to vector<16xi32>
          %parallel_loop3A_184 = arith.andi %parallel_loop3A_181, %parallel_loop3A_183 : vector<16xi32>
          %parallel_loop3A_185 = arith.constant 1 : i32
          %parallel_loop3A_186 = vector.broadcast %parallel_loop3A_185 : i32 to vector<16xi32>
          %parallel_loop3A_187 = arith.shrsi %parallel_loop3A_184, %parallel_loop3A_186 : vector<16xi32>
          %parallel_loop3A_188 = arith.constant 1 : i32
          %parallel_loop3A_189 = vector.broadcast %parallel_loop3A_188 : i32 to vector<16xi32>
          %parallel_loop3A_190 = arith.andi %parallel_loop3A_184, %parallel_loop3A_189 : vector<16xi32>
          %parallel_loop3A_191 = arith.constant 64 : i32
          %parallel_loop3A_192 = vector.broadcast %parallel_loop3A_191 : i32 to vector<16xi32>
          %parallel_loop3A_193 = arith.muli %parallel_loop3A_190, %parallel_loop3A_192 : vector<16xi32>
          %parallel_loop3A_194 = arith.constant 0 : i32
          %parallel_loop3A_195 = vector.broadcast %parallel_loop3A_194 : i32 to vector<16xi32>
          %parallel_loop3A_196 = arith.addi %iota3A, %parallel_loop3A_195 : vector<16xi32>
          %parallel_loop3A_197 = arith.constant 3 : i32
          %parallel_loop3A_198 = arith.constant 0 : i32
          %parallel_loop3A_199 = arith.constant 0 : i32
          %parallel_loop3A_200 = tpu.memref_slice %arg4[%parallel_loop3A_197, %parallel_loop3A_198, %parallel_loop3A_199] : memref<4x64x128xf32, #tpu.memory_space<vmem>> -> memref<1x64x128xf32, #tpu.memory_space<vmem>>
          %parallel_loop3A_201 = tpu.memref_squeeze %parallel_loop3A_200 : memref<1x64x128xf32, #tpu.memory_space<vmem>> -> memref<64x128xf32, #tpu.memory_space<vmem>>
          %parallel_loop3A_202 = tpu.vector_load_idx %parallel_loop3A_201[%parallel_loop3A_196, %parallel_loop3A_184] : memref<64x128xf32, #tpu.memory_space<vmem>>[vector<16xi32>, vector<16xi32>], vector<16xf32>,
          %parallel_loop3A_203 = arith.addi %parallel_loop3A_193, %parallel_loop3A_196 : vector<16xi32>
          %parallel_loop3A_204 = arith.constant 3 : i32
          %parallel_loop3A_205 = arith.constant 0 : i32
          %parallel_loop3A_206 = arith.constant 0 : i32
          %parallel_loop3A_207 = tpu.memref_slice %arg5[%parallel_loop3A_204, %parallel_loop3A_205, %parallel_loop3A_206] : memref<4x64x128xf32, #tpu.memory_space<vmem>> -> memref<1x64x128xf32, #tpu.memory_space<vmem>>
          %parallel_loop3A_208 = tpu.memref_squeeze %parallel_loop3A_207 : memref<1x64x128xf32, #tpu.memory_space<vmem>> -> memref<64x128xf32, #tpu.memory_space<vmem>>
          tpu.vector_store_idx %parallel_loop3A_208[%parallel_loop3A_187, %parallel_loop3A_203], %parallel_loop3A_202 : memref<64x128xf32, #tpu.memory_space<vmem>>[vector<16xi32>, vector<16xi32>], vector<16xf32>,
          %parallel_loop3A_209 = arith.constant 16 : i32
          %parallel_loop3A_210 = vector.broadcast %parallel_loop3A_209 : i32 to vector<16xi32>
          %parallel_loop3A_211 = arith.addi %iota3A, %parallel_loop3A_210 : vector<16xi32>
          %parallel_loop3A_212 = arith.constant 3 : i32
          %parallel_loop3A_213 = arith.constant 0 : i32
          %parallel_loop3A_214 = arith.constant 0 : i32
          %parallel_loop3A_215 = tpu.memref_slice %arg4[%parallel_loop3A_212, %parallel_loop3A_213, %parallel_loop3A_214] : memref<4x64x128xf32, #tpu.memory_space<vmem>> -> memref<1x64x128xf32, #tpu.memory_space<vmem>>
          %parallel_loop3A_216 = tpu.memref_squeeze %parallel_loop3A_215 : memref<1x64x128xf32, #tpu.memory_space<vmem>> -> memref<64x128xf32, #tpu.memory_space<vmem>>
          %parallel_loop3A_217 = tpu.vector_load_idx %parallel_loop3A_216[%parallel_loop3A_211, %parallel_loop3A_184] : memref<64x128xf32, #tpu.memory_space<vmem>>[vector<16xi32>, vector<16xi32>], vector<16xf32>,
          %parallel_loop3A_218 = arith.addi %parallel_loop3A_193, %parallel_loop3A_211 : vector<16xi32>
          %parallel_loop3A_219 = arith.constant 3 : i32
          %parallel_loop3A_220 = arith.constant 0 : i32
          %parallel_loop3A_221 = arith.constant 0 : i32
          %parallel_loop3A_222 = tpu.memref_slice %arg5[%parallel_loop3A_219, %parallel_loop3A_220, %parallel_loop3A_221] : memref<4x64x128xf32, #tpu.memory_space<vmem>> -> memref<1x64x128xf32, #tpu.memory_space<vmem>>
          %parallel_loop3A_223 = tpu.memref_squeeze %parallel_loop3A_222 : memref<1x64x128xf32, #tpu.memory_space<vmem>> -> memref<64x128xf32, #tpu.memory_space<vmem>>
          tpu.vector_store_idx %parallel_loop3A_223[%parallel_loop3A_187, %parallel_loop3A_218], %parallel_loop3A_217 : memref<64x128xf32, #tpu.memory_space<vmem>>[vector<16xi32>, vector<16xi32>], vector<16xf32>,
          %parallel_loop3A_224 = arith.constant 32 : i32
          %parallel_loop3A_225 = vector.broadcast %parallel_loop3A_224 : i32 to vector<16xi32>
          %parallel_loop3A_226 = arith.addi %iota3A, %parallel_loop3A_225 : vector<16xi32>
          %parallel_loop3A_227 = arith.constant 3 : i32
          %parallel_loop3A_228 = arith.constant 0 : i32
          %parallel_loop3A_229 = arith.constant 0 : i32
          %parallel_loop3A_230 = tpu.memref_slice %arg4[%parallel_loop3A_227, %parallel_loop3A_228, %parallel_loop3A_229] : memref<4x64x128xf32, #tpu.memory_space<vmem>> -> memref<1x64x128xf32, #tpu.memory_space<vmem>>
          %parallel_loop3A_231 = tpu.memref_squeeze %parallel_loop3A_230 : memref<1x64x128xf32, #tpu.memory_space<vmem>> -> memref<64x128xf32, #tpu.memory_space<vmem>>
          %parallel_loop3A_232 = tpu.vector_load_idx %parallel_loop3A_231[%parallel_loop3A_226, %parallel_loop3A_184] : memref<64x128xf32, #tpu.memory_space<vmem>>[vector<16xi32>, vector<16xi32>], vector<16xf32>,
          %parallel_loop3A_233 = arith.addi %parallel_loop3A_193, %parallel_loop3A_226 : vector<16xi32>
          %parallel_loop3A_234 = arith.constant 3 : i32
          %parallel_loop3A_235 = arith.constant 0 : i32
          %parallel_loop3A_236 = arith.constant 0 : i32
          %parallel_loop3A_237 = tpu.memref_slice %arg5[%parallel_loop3A_234, %parallel_loop3A_235, %parallel_loop3A_236] : memref<4x64x128xf32, #tpu.memory_space<vmem>> -> memref<1x64x128xf32, #tpu.memory_space<vmem>>
          %parallel_loop3A_238 = tpu.memref_squeeze %parallel_loop3A_237 : memref<1x64x128xf32, #tpu.memory_space<vmem>> -> memref<64x128xf32, #tpu.memory_space<vmem>>
          tpu.vector_store_idx %parallel_loop3A_238[%parallel_loop3A_187, %parallel_loop3A_233], %parallel_loop3A_232 : memref<64x128xf32, #tpu.memory_space<vmem>>[vector<16xi32>, vector<16xi32>], vector<16xf32>,
          %parallel_loop3A_239 = arith.constant 48 : i32
          %parallel_loop3A_240 = vector.broadcast %parallel_loop3A_239 : i32 to vector<16xi32>
          %parallel_loop3A_241 = arith.addi %iota3A, %parallel_loop3A_240 : vector<16xi32>
          %parallel_loop3A_242 = arith.constant 3 : i32
          %parallel_loop3A_243 = arith.constant 0 : i32
          %parallel_loop3A_244 = arith.constant 0 : i32
          %parallel_loop3A_245 = tpu.memref_slice %arg4[%parallel_loop3A_242, %parallel_loop3A_243, %parallel_loop3A_244] : memref<4x64x128xf32, #tpu.memory_space<vmem>> -> memref<1x64x128xf32, #tpu.memory_space<vmem>>
          %parallel_loop3A_246 = tpu.memref_squeeze %parallel_loop3A_245 : memref<1x64x128xf32, #tpu.memory_space<vmem>> -> memref<64x128xf32, #tpu.memory_space<vmem>>
          %parallel_loop3A_247 = tpu.vector_load_idx %parallel_loop3A_246[%parallel_loop3A_241, %parallel_loop3A_184] : memref<64x128xf32, #tpu.memory_space<vmem>>[vector<16xi32>, vector<16xi32>], vector<16xf32>,
          %parallel_loop3A_248 = arith.addi %parallel_loop3A_193, %parallel_loop3A_241 : vector<16xi32>
          %parallel_loop3A_249 = arith.constant 3 : i32
          %parallel_loop3A_250 = arith.constant 0 : i32
          %parallel_loop3A_251 = arith.constant 0 : i32
          %parallel_loop3A_252 = tpu.memref_slice %arg5[%parallel_loop3A_249, %parallel_loop3A_250, %parallel_loop3A_251] : memref<4x64x128xf32, #tpu.memory_space<vmem>> -> memref<1x64x128xf32, #tpu.memory_space<vmem>>
          %parallel_loop3A_253 = tpu.memref_squeeze %parallel_loop3A_252 : memref<1x64x128xf32, #tpu.memory_space<vmem>> -> memref<64x128xf32, #tpu.memory_space<vmem>>
          tpu.vector_store_idx %parallel_loop3A_253[%parallel_loop3A_187, %parallel_loop3A_248], %parallel_loop3A_247 : memref<64x128xf32, #tpu.memory_space<vmem>>[vector<16xi32>, vector<16xi32>], vector<16xf32>,
          %parallel_loop3A_254 = arith.addi %parallel_loop3A_180, %broadcast_in_dim3A_47 : vector<16xi32>
          scf.yield %parallel_loop3A_254 : vector<16xi32>
        } {sc.loop_unroll_factor = 8 : i64, sc.parallel_access}
        %mul3A_161 = arith.constant 64 : i32
        %mul3A_162 = arith.muli %add3A_120, %mul3A_161 : i32
        %multiple_of3A_163 = tpu.assume_multiple %mul3A_162, 8 : i32
        %dma_start3A = arith.constant 3 : i32
        %dma_start3A_164 = arith.constant 3 : i32
        %dma_start3A_165 = arith.constant 0 : i32
        %dma_start3A_166 = arith.constant 0 : i32
        %dma_start3A_167 = tpu.memref_slice %arg5[%dma_start3A, %dma_start3A_165, %dma_start3A_166] : memref<4x64x128xf32, #tpu.memory_space<vmem>> -> memref<1x64x128xf32, #tpu.memory_space<vmem>>
        %dma_start3A_168 = tpu.memref_squeeze %dma_start3A_167 : memref<1x64x128xf32, #tpu.memory_space<vmem>> -> memref<64x128xf32, #tpu.memory_space<vmem>>
        %dma_start3A_169 = arith.constant 0 : i32
        %dma_start3A_170 = tpu.memref_slice %arg3[%multiple_of3A_163, %dma_start3A_169] : memref<500032x128xf32, #tpu.memory_space<hbm>> -> memref<64x128xf32, #tpu.memory_space<hbm>>
        %dma_start3A_171 = tpu.memref_slice %arg7[%dma_start3A_164] : memref<4x!tpu.dma_semaphore, #tpu.memory_space<semaphore_mem>> -> memref<1x!tpu.dma_semaphore, #tpu.memory_space<semaphore_mem>>
        %dma_start3A_172 = tpu.memref_squeeze %dma_start3A_171 : memref<1x!tpu.dma_semaphore, #tpu.memory_space<semaphore_mem>> -> memref<!tpu.dma_semaphore, #tpu.memory_space<semaphore_mem>>
        %dma_start3A_173 = arith.constant 0 : i32
        %dma_start3A_174 = tpu.memref_slice %arg3[%multiple_of3A_163, %dma_start3A_173] : memref<500032x128xf32, #tpu.memory_space<hbm>> -> memref<64x128xf32, #tpu.memory_space<hbm>>
        %dma_start3A_175 = arith.constant 0 : i32
        %dma_start3A_176 = arith.constant 0 : i32
        %dma_start3A_177 = tpu.memref_slice %arg5[%dma_start3A, %dma_start3A_175, %dma_start3A_176] : memref<4x64x128xf32, #tpu.memory_space<vmem>> -> memref<1x64x128xf32, #tpu.memory_space<vmem>>
        %dma_start3A_178 = tpu.memref_squeeze %dma_start3A_177 : memref<1x64x128xf32, #tpu.memory_space<vmem>> -> memref<64x128xf32, #tpu.memory_space<vmem>>
        tpu.enqueue_dma source(%dma_start3A_178 : memref<64x128xf32, #tpu.memory_space<vmem>>) target(%dma_start3A_174 : memref<64x128xf32, #tpu.memory_space<hbm>>) target_semaphore(%dma_start3A_172 : memref<!tpu.dma_semaphore, #tpu.memory_space<semaphore_mem>>)
      } else {
      }
    }
    %scan3A_67 = arith.constant 62 : i32
    %sub3A_68 = arith.subi %select_n3A_46, %select_n3A : i32
    %ge3A = arith.constant 1 : i32
    %ge3A_69 = arith.cmpi sge, %sub3A_68, %ge3A : i32
    %convert_element_type3A_70 = arith.extui %ge3A_69 : i1 to i32
    %cond3A_71 = arith.constant 0 : i32
    %cond3A_72 = arith.cmpi ne, %convert_element_type3A_70, %cond3A_71 : i32
    scf.if %cond3A_72 {
      %add3A_88 = arith.constant 0 : i32
      %add3A_89 = arith.addi %select_n3A, %add3A_88 : i32
      %mul3A_90 = arith.constant 64 : i32
      %mul3A_91 = arith.muli %add3A_89, %mul3A_90 : i32
      %multiple_of3A = tpu.assume_multiple %mul3A_91, 8 : i32
      %dma_wait3A = arith.constant 0 : i32
      %dma_wait3A_92 = arith.constant 0 : i32
      %dma_wait3A_93 = arith.constant 0 : i32
      %dma_wait3A_94 = arith.constant 0 : i32
      %dma_wait3A_95 = tpu.memref_slice %arg5[%dma_wait3A, %dma_wait3A_93, %dma_wait3A_94] : memref<4x64x128xf32, #tpu.memory_space<vmem>> -> memref<1x64x128xf32, #tpu.memory_space<vmem>>
      %dma_wait3A_96 = tpu.memref_squeeze %dma_wait3A_95 : memref<1x64x128xf32, #tpu.memory_space<vmem>> -> memref<64x128xf32, #tpu.memory_space<vmem>>
      %dma_wait3A_97 = arith.constant 0 : i32
      %dma_wait3A_98 = tpu.memref_slice %arg3[%multiple_of3A, %dma_wait3A_97] : memref<500032x128xf32, #tpu.memory_space<hbm>> -> memref<64x128xf32, #tpu.memory_space<hbm>>
      %dma_wait3A_99 = tpu.memref_slice %arg7[%dma_wait3A_92] : memref<4x!tpu.dma_semaphore, #tpu.memory_space<semaphore_mem>> -> memref<1x!tpu.dma_semaphore, #tpu.memory_space<semaphore_mem>>
      %dma_wait3A_100 = tpu.memref_squeeze %dma_wait3A_99 : memref<1x!tpu.dma_semaphore, #tpu.memory_space<semaphore_mem>> -> memref<!tpu.dma_semaphore, #tpu.memory_space<semaphore_mem>>
      %dma_wait3A_101 = arith.constant 0 : i32
      %dma_wait3A_102 = tpu.memref_slice %arg3[%multiple_of3A, %dma_wait3A_101] : memref<500032x128xf32, #tpu.memory_space<hbm>> -> memref<64x128xf32, #tpu.memory_space<hbm>>
      %dma_wait3A_103 = arith.constant 0 : i32
      %dma_wait3A_104 = arith.constant 0 : i32
      %dma_wait3A_105 = tpu.memref_slice %arg5[%dma_wait3A, %dma_wait3A_103, %dma_wait3A_104] : memref<4x64x128xf32, #tpu.memory_space<vmem>> -> memref<1x64x128xf32, #tpu.memory_space<vmem>>
      %dma_wait3A_106 = tpu.memref_squeeze %dma_wait3A_105 : memref<1x64x128xf32, #tpu.memory_space<vmem>> -> memref<64x128xf32, #tpu.memory_space<vmem>>
      tpu.wait_dma2 semaphore(%dma_wait3A_100 : memref<!tpu.dma_semaphore, #tpu.memory_space<semaphore_mem>>) src(%dma_wait3A_106 : memref<64x128xf32, #tpu.memory_space<vmem>>) dst(%dma_wait3A_102 : memref<64x128xf32, #tpu.memory_space<hbm>>)
    } else {
    }
    %ge3A_73 = arith.constant 2 : i32
    %ge3A_74 = arith.cmpi sge, %sub3A_68, %ge3A_73 : i32
    %convert_element_type3A_75 = arith.extui %ge3A_74 : i1 to i32
    %cond3A_76 = arith.constant 0 : i32
    %cond3A_77 = arith.cmpi ne, %convert_element_type3A_75, %cond3A_76 : i32
    scf.if %cond3A_77 {
      %add3A_88 = arith.constant 1 : i32
      %add3A_89 = arith.addi %select_n3A, %add3A_88 : i32
      %mul3A_90 = arith.constant 64 : i32
      %mul3A_91 = arith.muli %add3A_89, %mul3A_90 : i32
      %multiple_of3A = tpu.assume_multiple %mul3A_91, 8 : i32
      %dma_wait3A = arith.constant 1 : i32
      %dma_wait3A_92 = arith.constant 1 : i32
      %dma_wait3A_93 = arith.constant 0 : i32
      %dma_wait3A_94 = arith.constant 0 : i32
      %dma_wait3A_95 = tpu.memref_slice %arg5[%dma_wait3A, %dma_wait3A_93, %dma_wait3A_94] : memref<4x64x128xf32, #tpu.memory_space<vmem>> -> memref<1x64x128xf32, #tpu.memory_space<vmem>>
      %dma_wait3A_96 = tpu.memref_squeeze %dma_wait3A_95 : memref<1x64x128xf32, #tpu.memory_space<vmem>> -> memref<64x128xf32, #tpu.memory_space<vmem>>
      %dma_wait3A_97 = arith.constant 0 : i32
      %dma_wait3A_98 = tpu.memref_slice %arg3[%multiple_of3A, %dma_wait3A_97] : memref<500032x128xf32, #tpu.memory_space<hbm>> -> memref<64x128xf32, #tpu.memory_space<hbm>>
      %dma_wait3A_99 = tpu.memref_slice %arg7[%dma_wait3A_92] : memref<4x!tpu.dma_semaphore, #tpu.memory_space<semaphore_mem>> -> memref<1x!tpu.dma_semaphore, #tpu.memory_space<semaphore_mem>>
      %dma_wait3A_100 = tpu.memref_squeeze %dma_wait3A_99 : memref<1x!tpu.dma_semaphore, #tpu.memory_space<semaphore_mem>> -> memref<!tpu.dma_semaphore, #tpu.memory_space<semaphore_mem>>
      %dma_wait3A_101 = arith.constant 0 : i32
      %dma_wait3A_102 = tpu.memref_slice %arg3[%multiple_of3A, %dma_wait3A_101] : memref<500032x128xf32, #tpu.memory_space<hbm>> -> memref<64x128xf32, #tpu.memory_space<hbm>>
      %dma_wait3A_103 = arith.constant 0 : i32
      %dma_wait3A_104 = arith.constant 0 : i32
      %dma_wait3A_105 = tpu.memref_slice %arg5[%dma_wait3A, %dma_wait3A_103, %dma_wait3A_104] : memref<4x64x128xf32, #tpu.memory_space<vmem>> -> memref<1x64x128xf32, #tpu.memory_space<vmem>>
      %dma_wait3A_106 = tpu.memref_squeeze %dma_wait3A_105 : memref<1x64x128xf32, #tpu.memory_space<vmem>> -> memref<64x128xf32, #tpu.memory_space<vmem>>
      tpu.wait_dma2 semaphore(%dma_wait3A_100 : memref<!tpu.dma_semaphore, #tpu.memory_space<semaphore_mem>>) src(%dma_wait3A_106 : memref<64x128xf32, #tpu.memory_space<vmem>>) dst(%dma_wait3A_102 : memref<64x128xf32, #tpu.memory_space<hbm>>)
    } else {
    }
    %ge3A_78 = arith.constant 3 : i32
    %ge3A_79 = arith.cmpi sge, %sub3A_68, %ge3A_78 : i32
    %convert_element_type3A_80 = arith.extui %ge3A_79 : i1 to i32
    %cond3A_81 = arith.constant 0 : i32
    %cond3A_82 = arith.cmpi ne, %convert_element_type3A_80, %cond3A_81 : i32
    scf.if %cond3A_82 {
      %add3A_88 = arith.constant 2 : i32
      %add3A_89 = arith.addi %select_n3A, %add3A_88 : i32
      %mul3A_90 = arith.constant 64 : i32
      %mul3A_91 = arith.muli %add3A_89, %mul3A_90 : i32
      %multiple_of3A = tpu.assume_multiple %mul3A_91, 8 : i32
      %dma_wait3A = arith.constant 2 : i32
      %dma_wait3A_92 = arith.constant 2 : i32
      %dma_wait3A_93 = arith.constant 0 : i32
      %dma_wait3A_94 = arith.constant 0 : i32
      %dma_wait3A_95 = tpu.memref_slice %arg5[%dma_wait3A, %dma_wait3A_93, %dma_wait3A_94] : memref<4x64x128xf32, #tpu.memory_space<vmem>> -> memref<1x64x128xf32, #tpu.memory_space<vmem>>
      %dma_wait3A_96 = tpu.memref_squeeze %dma_wait3A_95 : memref<1x64x128xf32, #tpu.memory_space<vmem>> -> memref<64x128xf32, #tpu.memory_space<vmem>>
      %dma_wait3A_97 = arith.constant 0 : i32
      %dma_wait3A_98 = tpu.memref_slice %arg3[%multiple_of3A, %dma_wait3A_97] : memref<500032x128xf32, #tpu.memory_space<hbm>> -> memref<64x128xf32, #tpu.memory_space<hbm>>
      %dma_wait3A_99 = tpu.memref_slice %arg7[%dma_wait3A_92] : memref<4x!tpu.dma_semaphore, #tpu.memory_space<semaphore_mem>> -> memref<1x!tpu.dma_semaphore, #tpu.memory_space<semaphore_mem>>
      %dma_wait3A_100 = tpu.memref_squeeze %dma_wait3A_99 : memref<1x!tpu.dma_semaphore, #tpu.memory_space<semaphore_mem>> -> memref<!tpu.dma_semaphore, #tpu.memory_space<semaphore_mem>>
      %dma_wait3A_101 = arith.constant 0 : i32
      %dma_wait3A_102 = tpu.memref_slice %arg3[%multiple_of3A, %dma_wait3A_101] : memref<500032x128xf32, #tpu.memory_space<hbm>> -> memref<64x128xf32, #tpu.memory_space<hbm>>
      %dma_wait3A_103 = arith.constant 0 : i32
      %dma_wait3A_104 = arith.constant 0 : i32
      %dma_wait3A_105 = tpu.memref_slice %arg5[%dma_wait3A, %dma_wait3A_103, %dma_wait3A_104] : memref<4x64x128xf32, #tpu.memory_space<vmem>> -> memref<1x64x128xf32, #tpu.memory_space<vmem>>
      %dma_wait3A_106 = tpu.memref_squeeze %dma_wait3A_105 : memref<1x64x128xf32, #tpu.memory_space<vmem>> -> memref<64x128xf32, #tpu.memory_space<vmem>>
      tpu.wait_dma2 semaphore(%dma_wait3A_100 : memref<!tpu.dma_semaphore, #tpu.memory_space<semaphore_mem>>) src(%dma_wait3A_106 : memref<64x128xf32, #tpu.memory_space<vmem>>) dst(%dma_wait3A_102 : memref<64x128xf32, #tpu.memory_space<hbm>>)
    } else {
    }
    %ge3A_83 = arith.constant 4 : i32
    %ge3A_84 = arith.cmpi sge, %sub3A_68, %ge3A_83 : i32
    %convert_element_type3A_85 = arith.extui %ge3A_84 : i1 to i32
    %cond3A_86 = arith.constant 0 : i32
    %cond3A_87 = arith.cmpi ne, %convert_element_type3A_85, %cond3A_86 : i32
    scf.if %cond3A_87 {
      %add3A_88 = arith.constant 3 : i32
      %add3A_89 = arith.addi %select_n3A, %add3A_88 : i32
      %mul3A_90 = arith.constant 64 : i32
      %mul3A_91 = arith.muli %add3A_89, %mul3A_90 : i32
      %multiple_of3A = tpu.assume_multiple %mul3A_91, 8 : i32
      %dma_wait3A = arith.constant 3 : i32
      %dma_wait3A_92 = arith.constant 3 : i32
      %dma_wait3A_93 = arith.constant 0 : i32
      %dma_wait3A_94 = arith.constant 0 : i32
      %dma_wait3A_95 = tpu.memref_slice %arg5[%dma_wait3A, %dma_wait3A_93, %dma_wait3A_94] : memref<4x64x128xf32, #tpu.memory_space<vmem>> -> memref<1x64x128xf32, #tpu.memory_space<vmem>>
      %dma_wait3A_96 = tpu.memref_squeeze %dma_wait3A_95 : memref<1x64x128xf32, #tpu.memory_space<vmem>> -> memref<64x128xf32, #tpu.memory_space<vmem>>
      %dma_wait3A_97 = arith.constant 0 : i32
      %dma_wait3A_98 = tpu.memref_slice %arg3[%multiple_of3A, %dma_wait3A_97] : memref<500032x128xf32, #tpu.memory_space<hbm>> -> memref<64x128xf32, #tpu.memory_space<hbm>>
      %dma_wait3A_99 = tpu.memref_slice %arg7[%dma_wait3A_92] : memref<4x!tpu.dma_semaphore, #tpu.memory_space<semaphore_mem>> -> memref<1x!tpu.dma_semaphore, #tpu.memory_space<semaphore_mem>>
      %dma_wait3A_100 = tpu.memref_squeeze %dma_wait3A_99 : memref<1x!tpu.dma_semaphore, #tpu.memory_space<semaphore_mem>> -> memref<!tpu.dma_semaphore, #tpu.memory_space<semaphore_mem>>
      %dma_wait3A_101 = arith.constant 0 : i32
      %dma_wait3A_102 = tpu.memref_slice %arg3[%multiple_of3A, %dma_wait3A_101] : memref<500032x128xf32, #tpu.memory_space<hbm>> -> memref<64x128xf32, #tpu.memory_space<hbm>>
      %dma_wait3A_103 = arith.constant 0 : i32
      %dma_wait3A_104 = arith.constant 0 : i32
      %dma_wait3A_105 = tpu.memref_slice %arg5[%dma_wait3A, %dma_wait3A_103, %dma_wait3A_104] : memref<4x64x128xf32, #tpu.memory_space<vmem>> -> memref<1x64x128xf32, #tpu.memory_space<vmem>>
      %dma_wait3A_106 = tpu.memref_squeeze %dma_wait3A_105 : memref<1x64x128xf32, #tpu.memory_space<vmem>> -> memref<64x128xf32, #tpu.memory_space<vmem>>
      tpu.wait_dma2 semaphore(%dma_wait3A_100 : memref<!tpu.dma_semaphore, #tpu.memory_space<semaphore_mem>>) src(%dma_wait3A_106 : memref<64x128xf32, #tpu.memory_space<vmem>>) dst(%dma_wait3A_102 : memref<64x128xf32, #tpu.memory_space<hbm>>)
    } else {
    }
    return
  }
}

#map = affine_map<(d0, d1) -> (0, 0)>
#map1 = affine_map<(d0, d1) -> (0)>
module attributes {stable_mosaic.version = 14 : i64} {
  func.func @k(%arg0: i32, %arg1: i32, %arg2: memref<1000064x64xf32, #tpu.memory_space<hbm>>, %arg3: memref<819200xi32, #tpu.memory_space<hbm>>, %arg4: memref<819200x64xf32, #tpu.memory_space<hbm>>, %arg5: memref<2x512xi32, #tpu.memory_space<vmem>>, %arg6: memref<2x512x64xf32, #tpu.memory_space<vmem>>, %arg7: memref<2x!tpu.dma_semaphore, #tpu.memory_space<semaphore_mem>>, %arg8: memref<2x!tpu.dma_semaphore, #tpu.memory_space<semaphore_mem>>) attributes {dimension_semantics = [#tpu.dimension_semantics<core_parallel>, #tpu.dimension_semantics<subcore_parallel>], iteration_bounds = array<i64: 2, 16>, scalar_prefetch = 0 : i64, scratch_operands = 4 : i64, tpu.core_type = #tpu.core_type<sc_vector_subcore>, window_params = [{transform_indices = #map}, {transform_indices = #map1}, {transform_indices = #map}]} {
    %mul3A = arith.constant 2 : i32
    %mul3A_0 = arith.muli %arg1, %mul3A : i32
    %add3A = arith.addi %mul3A_0, %arg0 : i32
    %mul3A_1 = arith.constant 25600 : i32
    %mul3A_2 = arith.muli %add3A, %mul3A_1 : i32
    %add3A_3 = arith.constant 0 : i32
    %add3A_4 = arith.addi %mul3A_2, %add3A_3 : i32
    %multiple_of3A = tpu.assume_multiple %add3A_4, 512 : i32
    %run_scoped3A = arith.constant 0 : i32
    "tpu.region"() ({
      %run_scoped3A_106 = tpu.sem_alloc : memref<!tpu.dma_semaphore, #tpu.memory_space<semaphore_mem>>
      %dma_start3A_107 = arith.constant 0 : i32
      %dma_start3A_108 = tpu.memref_slice %arg5[%run_scoped3A, %dma_start3A_107] : memref<2x512xi32, #tpu.memory_space<vmem>> -> memref<1x512xi32, #tpu.memory_space<vmem>>
      %dma_start3A_109 = tpu.memref_squeeze %dma_start3A_108 : memref<1x512xi32, #tpu.memory_space<vmem>> -> memref<512xi32, #tpu.memory_space<vmem>>
      %dma_start3A_110 = tpu.memref_slice %arg3[%multiple_of3A] : memref<819200xi32, #tpu.memory_space<hbm>> -> memref<512xi32, #tpu.memory_space<hbm>>
      %dma_start3A_111 = arith.constant 0 : i32
      %dma_start3A_112 = tpu.memref_slice %arg5[%run_scoped3A, %dma_start3A_111] : memref<2x512xi32, #tpu.memory_space<vmem>> -> memref<1x512xi32, #tpu.memory_space<vmem>>
      %dma_start3A_113 = tpu.memref_squeeze %dma_start3A_112 : memref<1x512xi32, #tpu.memory_space<vmem>> -> memref<512xi32, #tpu.memory_space<vmem>>
      %dma_start3A_114 = tpu.memref_slice %arg3[%multiple_of3A] : memref<819200xi32, #tpu.memory_space<hbm>> -> memref<512xi32, #tpu.memory_space<hbm>>
      tpu.enqueue_dma source(%dma_start3A_114 : memref<512xi32, #tpu.memory_space<hbm>>) target(%dma_start3A_113 : memref<512xi32, #tpu.memory_space<vmem>>) target_semaphore(%run_scoped3A_106 : memref<!tpu.dma_semaphore, #tpu.memory_space<semaphore_mem>>)
      %dma_wait3A_115 = arith.constant 0 : i32
      %dma_wait3A_116 = tpu.memref_slice %arg5[%run_scoped3A, %dma_wait3A_115] : memref<2x512xi32, #tpu.memory_space<vmem>> -> memref<1x512xi32, #tpu.memory_space<vmem>>
      %dma_wait3A_117 = tpu.memref_squeeze %dma_wait3A_116 : memref<1x512xi32, #tpu.memory_space<vmem>> -> memref<512xi32, #tpu.memory_space<vmem>>
      %dma_wait3A_118 = tpu.memref_slice %arg3[%multiple_of3A] : memref<819200xi32, #tpu.memory_space<hbm>> -> memref<512xi32, #tpu.memory_space<hbm>>
      %dma_wait3A_119 = arith.constant 0 : i32
      %dma_wait3A_120 = tpu.memref_slice %arg5[%run_scoped3A, %dma_wait3A_119] : memref<2x512xi32, #tpu.memory_space<vmem>> -> memref<1x512xi32, #tpu.memory_space<vmem>>
      %dma_wait3A_121 = tpu.memref_squeeze %dma_wait3A_120 : memref<1x512xi32, #tpu.memory_space<vmem>> -> memref<512xi32, #tpu.memory_space<vmem>>
      %dma_wait3A_122 = tpu.memref_slice %arg3[%multiple_of3A] : memref<819200xi32, #tpu.memory_space<hbm>> -> memref<512xi32, #tpu.memory_space<hbm>>
      tpu.wait_dma2 semaphore(%run_scoped3A_106 : memref<!tpu.dma_semaphore, #tpu.memory_space<semaphore_mem>>) src(%dma_wait3A_122 : memref<512xi32, #tpu.memory_space<hbm>>) dst(%dma_wait3A_121 : memref<512xi32, #tpu.memory_space<vmem>>)
      tpu.yield
    }) : () -> ()
    %dma_start3A = arith.constant 0 : i32
    %dma_start3A_5 = arith.constant 0 : i32
    %dma_start3A_6 = arith.constant 0 : i32
    %dma_start3A_7 = arith.constant 0 : i32
    %dma_start3A_8 = arith.constant 0 : i32
    %dma_start3A_9 = tpu.memref_slice %arg6[%dma_start3A_5, %dma_start3A_7, %dma_start3A_8] : memref<2x512x64xf32, #tpu.memory_space<vmem>> -> memref<1x128x64xf32, #tpu.memory_space<vmem>>
    %dma_start3A_10 = tpu.memref_squeeze %dma_start3A_9 : memref<1x128x64xf32, #tpu.memory_space<vmem>> -> memref<128x64xf32, #tpu.memory_space<vmem>>
    %dma_start3A_11 = arith.constant 0 : i32
    %dma_start3A_12 = tpu.memref_slice %arg5[%dma_start3A, %dma_start3A_11] : memref<2x512xi32, #tpu.memory_space<vmem>> -> memref<1x128xi32, #tpu.memory_space<vmem>>
    %dma_start3A_13 = tpu.memref_squeeze %dma_start3A_12 : memref<1x128xi32, #tpu.memory_space<vmem>> -> memref<128xi32, #tpu.memory_space<vmem>>
    %dma_start3A_14 = arith.constant 0 : i32
    %dma_start3A_15 = arith.constant 0 : i32
    %dma_start3A_16 = tpu.memref_slice %arg2[%dma_start3A_14, %dma_start3A_15] : memref<1000064x64xf32, #tpu.memory_space<hbm>> -> memref<1000064x64xf32, #tpu.memory_space<hbm>>
    %dma_start3A_17 = tpu.memref_slice %arg7[%dma_start3A_6] : memref<2x!tpu.dma_semaphore, #tpu.memory_space<semaphore_mem>> -> memref<1x!tpu.dma_semaphore, #tpu.memory_space<semaphore_mem>>
    %dma_start3A_18 = tpu.memref_squeeze %dma_start3A_17 : memref<1x!tpu.dma_semaphore, #tpu.memory_space<semaphore_mem>> -> memref<!tpu.dma_semaphore, #tpu.memory_space<semaphore_mem>>
    tpu.enqueue_indirect_dma source(%dma_start3A_16 : memref<1000064x64xf32, #tpu.memory_space<hbm>>) target(%dma_start3A_10 : memref<128x64xf32, #tpu.memory_space<vmem>>) offsets(%dma_start3A_13 : memref<128xi32, #tpu.memory_space<vmem>>) semaphore(%dma_start3A_18 : memref<!tpu.dma_semaphore, #tpu.memory_space<semaphore_mem>>)
    %dma_start3A_19 = arith.constant 0 : i32
    %dma_start3A_20 = arith.constant 0 : i32
    %dma_start3A_21 = arith.constant 0 : i32
    %dma_start3A_22 = arith.constant 128 : i32
    %dma_start3A_23 = arith.constant 0 : i32
    %dma_start3A_24 = tpu.memref_slice %arg6[%dma_start3A_20, %dma_start3A_22, %dma_start3A_23] : memref<2x512x64xf32, #tpu.memory_space<vmem>> -> memref<1x128x64xf32, #tpu.memory_space<vmem>>
    %dma_start3A_25 = tpu.memref_squeeze %dma_start3A_24 : memref<1x128x64xf32, #tpu.memory_space<vmem>> -> memref<128x64xf32, #tpu.memory_space<vmem>>
    %dma_start3A_26 = arith.constant 128 : i32
    %dma_start3A_27 = tpu.memref_slice %arg5[%dma_start3A_19, %dma_start3A_26] : memref<2x512xi32, #tpu.memory_space<vmem>> -> memref<1x128xi32, #tpu.memory_space<vmem>>
    %dma_start3A_28 = tpu.memref_squeeze %dma_start3A_27 : memref<1x128xi32, #tpu.memory_space<vmem>> -> memref<128xi32, #tpu.memory_space<vmem>>
    %dma_start3A_29 = arith.constant 0 : i32
    %dma_start3A_30 = arith.constant 0 : i32
    %dma_start3A_31 = tpu.memref_slice %arg2[%dma_start3A_29, %dma_start3A_30] : memref<1000064x64xf32, #tpu.memory_space<hbm>> -> memref<1000064x64xf32, #tpu.memory_space<hbm>>
    %dma_start3A_32 = tpu.memref_slice %arg7[%dma_start3A_21] : memref<2x!tpu.dma_semaphore, #tpu.memory_space<semaphore_mem>> -> memref<1x!tpu.dma_semaphore, #tpu.memory_space<semaphore_mem>>
    %dma_start3A_33 = tpu.memref_squeeze %dma_start3A_32 : memref<1x!tpu.dma_semaphore, #tpu.memory_space<semaphore_mem>> -> memref<!tpu.dma_semaphore, #tpu.memory_space<semaphore_mem>>
    tpu.enqueue_indirect_dma source(%dma_start3A_31 : memref<1000064x64xf32, #tpu.memory_space<hbm>>) target(%dma_start3A_25 : memref<128x64xf32, #tpu.memory_space<vmem>>) offsets(%dma_start3A_28 : memref<128xi32, #tpu.memory_space<vmem>>) semaphore(%dma_start3A_33 : memref<!tpu.dma_semaphore, #tpu.memory_space<semaphore_mem>>)
    %dma_start3A_34 = arith.constant 0 : i32
    %dma_start3A_35 = arith.constant 0 : i32
    %dma_start3A_36 = arith.constant 0 : i32
    %dma_start3A_37 = arith.constant 256 : i32
    %dma_start3A_38 = arith.constant 0 : i32
    %dma_start3A_39 = tpu.memref_slice %arg6[%dma_start3A_35, %dma_start3A_37, %dma_start3A_38] : memref<2x512x64xf32, #tpu.memory_space<vmem>> -> memref<1x128x64xf32, #tpu.memory_space<vmem>>
    %dma_start3A_40 = tpu.memref_squeeze %dma_start3A_39 : memref<1x128x64xf32, #tpu.memory_space<vmem>> -> memref<128x64xf32, #tpu.memory_space<vmem>>
    %dma_start3A_41 = arith.constant 256 : i32
    %dma_start3A_42 = tpu.memref_slice %arg5[%dma_start3A_34, %dma_start3A_41] : memref<2x512xi32, #tpu.memory_space<vmem>> -> memref<1x128xi32, #tpu.memory_space<vmem>>
    %dma_start3A_43 = tpu.memref_squeeze %dma_start3A_42 : memref<1x128xi32, #tpu.memory_space<vmem>> -> memref<128xi32, #tpu.memory_space<vmem>>
    %dma_start3A_44 = arith.constant 0 : i32
    %dma_start3A_45 = arith.constant 0 : i32
    %dma_start3A_46 = tpu.memref_slice %arg2[%dma_start3A_44, %dma_start3A_45] : memref<1000064x64xf32, #tpu.memory_space<hbm>> -> memref<1000064x64xf32, #tpu.memory_space<hbm>>
    %dma_start3A_47 = tpu.memref_slice %arg7[%dma_start3A_36] : memref<2x!tpu.dma_semaphore, #tpu.memory_space<semaphore_mem>> -> memref<1x!tpu.dma_semaphore, #tpu.memory_space<semaphore_mem>>
    %dma_start3A_48 = tpu.memref_squeeze %dma_start3A_47 : memref<1x!tpu.dma_semaphore, #tpu.memory_space<semaphore_mem>> -> memref<!tpu.dma_semaphore, #tpu.memory_space<semaphore_mem>>
    tpu.enqueue_indirect_dma source(%dma_start3A_46 : memref<1000064x64xf32, #tpu.memory_space<hbm>>) target(%dma_start3A_40 : memref<128x64xf32, #tpu.memory_space<vmem>>) offsets(%dma_start3A_43 : memref<128xi32, #tpu.memory_space<vmem>>) semaphore(%dma_start3A_48 : memref<!tpu.dma_semaphore, #tpu.memory_space<semaphore_mem>>)
    %dma_start3A_49 = arith.constant 0 : i32
    %dma_start3A_50 = arith.constant 0 : i32
    %dma_start3A_51 = arith.constant 0 : i32
    %dma_start3A_52 = arith.constant 384 : i32
    %dma_start3A_53 = arith.constant 0 : i32
    %dma_start3A_54 = tpu.memref_slice %arg6[%dma_start3A_50, %dma_start3A_52, %dma_start3A_53] : memref<2x512x64xf32, #tpu.memory_space<vmem>> -> memref<1x128x64xf32, #tpu.memory_space<vmem>>
    %dma_start3A_55 = tpu.memref_squeeze %dma_start3A_54 : memref<1x128x64xf32, #tpu.memory_space<vmem>> -> memref<128x64xf32, #tpu.memory_space<vmem>>
    %dma_start3A_56 = arith.constant 384 : i32
    %dma_start3A_57 = tpu.memref_slice %arg5[%dma_start3A_49, %dma_start3A_56] : memref<2x512xi32, #tpu.memory_space<vmem>> -> memref<1x128xi32, #tpu.memory_space<vmem>>
    %dma_start3A_58 = tpu.memref_squeeze %dma_start3A_57 : memref<1x128xi32, #tpu.memory_space<vmem>> -> memref<128xi32, #tpu.memory_space<vmem>>
    %dma_start3A_59 = arith.constant 0 : i32
    %dma_start3A_60 = arith.constant 0 : i32
    %dma_start3A_61 = tpu.memref_slice %arg2[%dma_start3A_59, %dma_start3A_60] : memref<1000064x64xf32, #tpu.memory_space<hbm>> -> memref<1000064x64xf32, #tpu.memory_space<hbm>>
    %dma_start3A_62 = tpu.memref_slice %arg7[%dma_start3A_51] : memref<2x!tpu.dma_semaphore, #tpu.memory_space<semaphore_mem>> -> memref<1x!tpu.dma_semaphore, #tpu.memory_space<semaphore_mem>>
    %dma_start3A_63 = tpu.memref_squeeze %dma_start3A_62 : memref<1x!tpu.dma_semaphore, #tpu.memory_space<semaphore_mem>> -> memref<!tpu.dma_semaphore, #tpu.memory_space<semaphore_mem>>
    tpu.enqueue_indirect_dma source(%dma_start3A_61 : memref<1000064x64xf32, #tpu.memory_space<hbm>>) target(%dma_start3A_55 : memref<128x64xf32, #tpu.memory_space<vmem>>) offsets(%dma_start3A_58 : memref<128xi32, #tpu.memory_space<vmem>>) semaphore(%dma_start3A_63 : memref<!tpu.dma_semaphore, #tpu.memory_space<semaphore_mem>>)
    %scan3A = arith.constant 0 : i32
    %scan3A_64 = arith.constant 0 : i32
    %scan3A_65 = arith.constant 26 : i32
    %scan3A_66 = arith.addi %scan3A_64, %scan3A_65 : i32
    %scan3A_67 = arith.constant 1 : i32
    scf.for %scan3A_106 = %scan3A_64 to %scan3A_66 step %scan3A_67  : i32 {
      %mul3A_107 = arith.constant 2 : i32
      %mul3A_108 = arith.muli %mul3A_107, %scan3A_106 : i32
      %add3A_109 = arith.constant 0 : i32
      %add3A_110 = arith.addi %mul3A_108, %add3A_109 : i32
      %lt3A = arith.constant 50 : i32
      %lt3A_111 = arith.cmpi slt, %add3A_110, %lt3A : i32
      %convert_element_type3A = arith.extui %lt3A_111 : i1 to i32
      %cond3A = arith.constant 0 : i32
      %cond3A_112 = arith.cmpi ne, %convert_element_type3A, %cond3A : i32
      scf.if %cond3A_112 {
        %add3A_122 = arith.constant 1 : i32
        %add3A_123 = arith.addi %add3A_110, %add3A_122 : i32
        %lt3A_124 = arith.constant 50 : i32
        %lt3A_125 = arith.cmpi slt, %add3A_123, %lt3A_124 : i32
        %convert_element_type3A_126 = arith.extui %lt3A_125 : i1 to i32
        %cond3A_127 = arith.constant 0 : i32
        %cond3A_128 = arith.cmpi ne, %convert_element_type3A_126, %cond3A_127 : i32
        scf.if %cond3A_128 {
          %sub3A = arith.constant 1 : i32
          %sub3A_209 = arith.subi %add3A_110, %sub3A : i32
          %ge3A = arith.constant 0 : i32
          %ge3A_210 = arith.cmpi sge, %sub3A_209, %ge3A : i32
          %convert_element_type3A_211 = arith.extui %ge3A_210 : i1 to i32
          %cond3A_212 = arith.constant 0 : i32
          %cond3A_213 = arith.cmpi ne, %convert_element_type3A_211, %cond3A_212 : i32
          scf.if %cond3A_213 {
            %sub3A_281 = arith.constant 1 : i32
            %sub3A_282 = arith.subi %add3A_110, %sub3A_281 : i32
            %mul3A_283 = arith.constant 512 : i32
            %mul3A_284 = arith.muli %sub3A_282, %mul3A_283 : i32
            %add3A_285 = arith.addi %mul3A_2, %mul3A_284 : i32
            %multiple_of3A_286 = tpu.assume_multiple %add3A_285, 512 : i32
            %dma_wait3A_287 = arith.constant 1 : i32
            %dma_wait3A_288 = arith.constant 1 : i32
            %dma_wait3A_289 = arith.constant 0 : i32
            %dma_wait3A_290 = arith.constant 0 : i32
            %dma_wait3A_291 = tpu.memref_slice %arg6[%dma_wait3A_287, %dma_wait3A_289, %dma_wait3A_290] : memref<2x512x64xf32, #tpu.memory_space<vmem>> -> memref<1x512x64xf32, #tpu.memory_space<vmem>>
            %dma_wait3A_292 = tpu.memref_squeeze %dma_wait3A_291 : memref<1x512x64xf32, #tpu.memory_space<vmem>> -> memref<512x64xf32, #tpu.memory_space<vmem>>
            %dma_wait3A_293 = arith.constant 0 : i32
            %dma_wait3A_294 = tpu.memref_slice %arg4[%multiple_of3A_286, %dma_wait3A_293] : memref<819200x64xf32, #tpu.memory_space<hbm>> -> memref<512x64xf32, #tpu.memory_space<hbm>>
            %dma_wait3A_295 = tpu.memref_slice %arg8[%dma_wait3A_288] : memref<2x!tpu.dma_semaphore, #tpu.memory_space<semaphore_mem>> -> memref<1x!tpu.dma_semaphore, #tpu.memory_space<semaphore_mem>>
            %dma_wait3A_296 = tpu.memref_squeeze %dma_wait3A_295 : memref<1x!tpu.dma_semaphore, #tpu.memory_space<semaphore_mem>> -> memref<!tpu.dma_semaphore, #tpu.memory_space<semaphore_mem>>
            %dma_wait3A_297 = arith.constant 0 : i32
            %dma_wait3A_298 = tpu.memref_slice %arg4[%multiple_of3A_286, %dma_wait3A_297] : memref<819200x64xf32, #tpu.memory_space<hbm>> -> memref<512x64xf32, #tpu.memory_space<hbm>>
            %dma_wait3A_299 = arith.constant 0 : i32
            %dma_wait3A_300 = arith.constant 0 : i32
            %dma_wait3A_301 = tpu.memref_slice %arg6[%dma_wait3A_287, %dma_wait3A_299, %dma_wait3A_300] : memref<2x512x64xf32, #tpu.memory_space<vmem>> -> memref<1x512x64xf32, #tpu.memory_space<vmem>>
            %dma_wait3A_302 = tpu.memref_squeeze %dma_wait3A_301 : memref<1x512x64xf32, #tpu.memory_space<vmem>> -> memref<512x64xf32, #tpu.memory_space<vmem>>
            tpu.wait_dma2 semaphore(%dma_wait3A_296 : memref<!tpu.dma_semaphore, #tpu.memory_space<semaphore_mem>>) src(%dma_wait3A_302 : memref<512x64xf32, #tpu.memory_space<vmem>>) dst(%dma_wait3A_298 : memref<512x64xf32, #tpu.memory_space<hbm>>)
          } else {
          }
          %add3A_214 = arith.constant 1 : i32
          %add3A_215 = arith.addi %add3A_110, %add3A_214 : i32
          %mul3A_216 = arith.constant 512 : i32
          %mul3A_217 = arith.muli %add3A_215, %mul3A_216 : i32
          %add3A_218 = arith.addi %mul3A_2, %mul3A_217 : i32
          %multiple_of3A_219 = tpu.assume_multiple %add3A_218, 512 : i32
          %run_scoped3A_220 = arith.constant 1 : i32
          "tpu.region"() ({
            %run_scoped3A_281 = tpu.sem_alloc : memref<!tpu.dma_semaphore, #tpu.memory_space<semaphore_mem>>
            %dma_start3A_282 = arith.constant 0 : i32
            %dma_start3A_283 = tpu.memref_slice %arg5[%run_scoped3A_220, %dma_start3A_282] : memref<2x512xi32, #tpu.memory_space<vmem>> -> memref<1x512xi32, #tpu.memory_space<vmem>>
            %dma_start3A_284 = tpu.memref_squeeze %dma_start3A_283 : memref<1x512xi32, #tpu.memory_space<vmem>> -> memref<512xi32, #tpu.memory_space<vmem>>
            %dma_start3A_285 = tpu.memref_slice %arg3[%multiple_of3A_219] : memref<819200xi32, #tpu.memory_space<hbm>> -> memref<512xi32, #tpu.memory_space<hbm>>
            %dma_start3A_286 = arith.constant 0 : i32
            %dma_start3A_287 = tpu.memref_slice %arg5[%run_scoped3A_220, %dma_start3A_286] : memref<2x512xi32, #tpu.memory_space<vmem>> -> memref<1x512xi32, #tpu.memory_space<vmem>>
            %dma_start3A_288 = tpu.memref_squeeze %dma_start3A_287 : memref<1x512xi32, #tpu.memory_space<vmem>> -> memref<512xi32, #tpu.memory_space<vmem>>
            %dma_start3A_289 = tpu.memref_slice %arg3[%multiple_of3A_219] : memref<819200xi32, #tpu.memory_space<hbm>> -> memref<512xi32, #tpu.memory_space<hbm>>
            tpu.enqueue_dma source(%dma_start3A_289 : memref<512xi32, #tpu.memory_space<hbm>>) target(%dma_start3A_288 : memref<512xi32, #tpu.memory_space<vmem>>) target_semaphore(%run_scoped3A_281 : memref<!tpu.dma_semaphore, #tpu.memory_space<semaphore_mem>>)
            %dma_wait3A_290 = arith.constant 0 : i32
            %dma_wait3A_291 = tpu.memref_slice %arg5[%run_scoped3A_220, %dma_wait3A_290] : memref<2x512xi32, #tpu.memory_space<vmem>> -> memref<1x512xi32, #tpu.memory_space<vmem>>
            %dma_wait3A_292 = tpu.memref_squeeze %dma_wait3A_291 : memref<1x512xi32, #tpu.memory_space<vmem>> -> memref<512xi32, #tpu.memory_space<vmem>>
            %dma_wait3A_293 = tpu.memref_slice %arg3[%multiple_of3A_219] : memref<819200xi32, #tpu.memory_space<hbm>> -> memref<512xi32, #tpu.memory_space<hbm>>
            %dma_wait3A_294 = arith.constant 0 : i32
            %dma_wait3A_295 = tpu.memref_slice %arg5[%run_scoped3A_220, %dma_wait3A_294] : memref<2x512xi32, #tpu.memory_space<vmem>> -> memref<1x512xi32, #tpu.memory_space<vmem>>
            %dma_wait3A_296 = tpu.memref_squeeze %dma_wait3A_295 : memref<1x512xi32, #tpu.memory_space<vmem>> -> memref<512xi32, #tpu.memory_space<vmem>>
            %dma_wait3A_297 = tpu.memref_slice %arg3[%multiple_of3A_219] : memref<819200xi32, #tpu.memory_space<hbm>> -> memref<512xi32, #tpu.memory_space<hbm>>
            tpu.wait_dma2 semaphore(%run_scoped3A_281 : memref<!tpu.dma_semaphore, #tpu.memory_space<semaphore_mem>>) src(%dma_wait3A_297 : memref<512xi32, #tpu.memory_space<hbm>>) dst(%dma_wait3A_296 : memref<512xi32, #tpu.memory_space<vmem>>)
            tpu.yield
          }) : () -> ()
          %dma_start3A_221 = arith.constant 1 : i32
          %dma_start3A_222 = arith.constant 1 : i32
          %dma_start3A_223 = arith.constant 1 : i32
          %dma_start3A_224 = arith.constant 0 : i32
          %dma_start3A_225 = arith.constant 0 : i32
          %dma_start3A_226 = tpu.memref_slice %arg6[%dma_start3A_222, %dma_start3A_224, %dma_start3A_225] : memref<2x512x64xf32, #tpu.memory_space<vmem>> -> memref<1x128x64xf32, #tpu.memory_space<vmem>>
          %dma_start3A_227 = tpu.memref_squeeze %dma_start3A_226 : memref<1x128x64xf32, #tpu.memory_space<vmem>> -> memref<128x64xf32, #tpu.memory_space<vmem>>
          %dma_start3A_228 = arith.constant 0 : i32
          %dma_start3A_229 = tpu.memref_slice %arg5[%dma_start3A_221, %dma_start3A_228] : memref<2x512xi32, #tpu.memory_space<vmem>> -> memref<1x128xi32, #tpu.memory_space<vmem>>
          %dma_start3A_230 = tpu.memref_squeeze %dma_start3A_229 : memref<1x128xi32, #tpu.memory_space<vmem>> -> memref<128xi32, #tpu.memory_space<vmem>>
          %dma_start3A_231 = arith.constant 0 : i32
          %dma_start3A_232 = arith.constant 0 : i32
          %dma_start3A_233 = tpu.memref_slice %arg2[%dma_start3A_231, %dma_start3A_232] : memref<1000064x64xf32, #tpu.memory_space<hbm>> -> memref<1000064x64xf32, #tpu.memory_space<hbm>>
          %dma_start3A_234 = tpu.memref_slice %arg7[%dma_start3A_223] : memref<2x!tpu.dma_semaphore, #tpu.memory_space<semaphore_mem>> -> memref<1x!tpu.dma_semaphore, #tpu.memory_space<semaphore_mem>>
          %dma_start3A_235 = tpu.memref_squeeze %dma_start3A_234 : memref<1x!tpu.dma_semaphore, #tpu.memory_space<semaphore_mem>> -> memref<!tpu.dma_semaphore, #tpu.memory_space<semaphore_mem>>
          tpu.enqueue_indirect_dma source(%dma_start3A_233 : memref<1000064x64xf32, #tpu.memory_space<hbm>>) target(%dma_start3A_227 : memref<128x64xf32, #tpu.memory_space<vmem>>) offsets(%dma_start3A_230 : memref<128xi32, #tpu.memory_space<vmem>>) semaphore(%dma_start3A_235 : memref<!tpu.dma_semaphore, #tpu.memory_space<semaphore_mem>>)
          %dma_start3A_236 = arith.constant 1 : i32
          %dma_start3A_237 = arith.constant 1 : i32
          %dma_start3A_238 = arith.constant 1 : i32
          %dma_start3A_239 = arith.constant 128 : i32
          %dma_start3A_240 = arith.constant 0 : i32
          %dma_start3A_241 = tpu.memref_slice %arg6[%dma_start3A_237, %dma_start3A_239, %dma_start3A_240] : memref<2x512x64xf32, #tpu.memory_space<vmem>> -> memref<1x128x64xf32, #tpu.memory_space<vmem>>
          %dma_start3A_242 = tpu.memref_squeeze %dma_start3A_241 : memref<1x128x64xf32, #tpu.memory_space<vmem>> -> memref<128x64xf32, #tpu.memory_space<vmem>>
          %dma_start3A_243 = arith.constant 128 : i32
          %dma_start3A_244 = tpu.memref_slice %arg5[%dma_start3A_236, %dma_start3A_243] : memref<2x512xi32, #tpu.memory_space<vmem>> -> memref<1x128xi32, #tpu.memory_space<vmem>>
          %dma_start3A_245 = tpu.memref_squeeze %dma_start3A_244 : memref<1x128xi32, #tpu.memory_space<vmem>> -> memref<128xi32, #tpu.memory_space<vmem>>
          %dma_start3A_246 = arith.constant 0 : i32
          %dma_start3A_247 = arith.constant 0 : i32
          %dma_start3A_248 = tpu.memref_slice %arg2[%dma_start3A_246, %dma_start3A_247] : memref<1000064x64xf32, #tpu.memory_space<hbm>> -> memref<1000064x64xf32, #tpu.memory_space<hbm>>
          %dma_start3A_249 = tpu.memref_slice %arg7[%dma_start3A_238] : memref<2x!tpu.dma_semaphore, #tpu.memory_space<semaphore_mem>> -> memref<1x!tpu.dma_semaphore, #tpu.memory_space<semaphore_mem>>
          %dma_start3A_250 = tpu.memref_squeeze %dma_start3A_249 : memref<1x!tpu.dma_semaphore, #tpu.memory_space<semaphore_mem>> -> memref<!tpu.dma_semaphore, #tpu.memory_space<semaphore_mem>>
          tpu.enqueue_indirect_dma source(%dma_start3A_248 : memref<1000064x64xf32, #tpu.memory_space<hbm>>) target(%dma_start3A_242 : memref<128x64xf32, #tpu.memory_space<vmem>>) offsets(%dma_start3A_245 : memref<128xi32, #tpu.memory_space<vmem>>) semaphore(%dma_start3A_250 : memref<!tpu.dma_semaphore, #tpu.memory_space<semaphore_mem>>)
          %dma_start3A_251 = arith.constant 1 : i32
          %dma_start3A_252 = arith.constant 1 : i32
          %dma_start3A_253 = arith.constant 1 : i32
          %dma_start3A_254 = arith.constant 256 : i32
          %dma_start3A_255 = arith.constant 0 : i32
          %dma_start3A_256 = tpu.memref_slice %arg6[%dma_start3A_252, %dma_start3A_254, %dma_start3A_255] : memref<2x512x64xf32, #tpu.memory_space<vmem>> -> memref<1x128x64xf32, #tpu.memory_space<vmem>>
          %dma_start3A_257 = tpu.memref_squeeze %dma_start3A_256 : memref<1x128x64xf32, #tpu.memory_space<vmem>> -> memref<128x64xf32, #tpu.memory_space<vmem>>
          %dma_start3A_258 = arith.constant 256 : i32
          %dma_start3A_259 = tpu.memref_slice %arg5[%dma_start3A_251, %dma_start3A_258] : memref<2x512xi32, #tpu.memory_space<vmem>> -> memref<1x128xi32, #tpu.memory_space<vmem>>
          %dma_start3A_260 = tpu.memref_squeeze %dma_start3A_259 : memref<1x128xi32, #tpu.memory_space<vmem>> -> memref<128xi32, #tpu.memory_space<vmem>>
          %dma_start3A_261 = arith.constant 0 : i32
          %dma_start3A_262 = arith.constant 0 : i32
          %dma_start3A_263 = tpu.memref_slice %arg2[%dma_start3A_261, %dma_start3A_262] : memref<1000064x64xf32, #tpu.memory_space<hbm>> -> memref<1000064x64xf32, #tpu.memory_space<hbm>>
          %dma_start3A_264 = tpu.memref_slice %arg7[%dma_start3A_253] : memref<2x!tpu.dma_semaphore, #tpu.memory_space<semaphore_mem>> -> memref<1x!tpu.dma_semaphore, #tpu.memory_space<semaphore_mem>>
          %dma_start3A_265 = tpu.memref_squeeze %dma_start3A_264 : memref<1x!tpu.dma_semaphore, #tpu.memory_space<semaphore_mem>> -> memref<!tpu.dma_semaphore, #tpu.memory_space<semaphore_mem>>
          tpu.enqueue_indirect_dma source(%dma_start3A_263 : memref<1000064x64xf32, #tpu.memory_space<hbm>>) target(%dma_start3A_257 : memref<128x64xf32, #tpu.memory_space<vmem>>) offsets(%dma_start3A_260 : memref<128xi32, #tpu.memory_space<vmem>>) semaphore(%dma_start3A_265 : memref<!tpu.dma_semaphore, #tpu.memory_space<semaphore_mem>>)
          %dma_start3A_266 = arith.constant 1 : i32
          %dma_start3A_267 = arith.constant 1 : i32
          %dma_start3A_268 = arith.constant 1 : i32
          %dma_start3A_269 = arith.constant 384 : i32
          %dma_start3A_270 = arith.constant 0 : i32
          %dma_start3A_271 = tpu.memref_slice %arg6[%dma_start3A_267, %dma_start3A_269, %dma_start3A_270] : memref<2x512x64xf32, #tpu.memory_space<vmem>> -> memref<1x128x64xf32, #tpu.memory_space<vmem>>
          %dma_start3A_272 = tpu.memref_squeeze %dma_start3A_271 : memref<1x128x64xf32, #tpu.memory_space<vmem>> -> memref<128x64xf32, #tpu.memory_space<vmem>>
          %dma_start3A_273 = arith.constant 384 : i32
          %dma_start3A_274 = tpu.memref_slice %arg5[%dma_start3A_266, %dma_start3A_273] : memref<2x512xi32, #tpu.memory_space<vmem>> -> memref<1x128xi32, #tpu.memory_space<vmem>>
          %dma_start3A_275 = tpu.memref_squeeze %dma_start3A_274 : memref<1x128xi32, #tpu.memory_space<vmem>> -> memref<128xi32, #tpu.memory_space<vmem>>
          %dma_start3A_276 = arith.constant 0 : i32
          %dma_start3A_277 = arith.constant 0 : i32
          %dma_start3A_278 = tpu.memref_slice %arg2[%dma_start3A_276, %dma_start3A_277] : memref<1000064x64xf32, #tpu.memory_space<hbm>> -> memref<1000064x64xf32, #tpu.memory_space<hbm>>
          %dma_start3A_279 = tpu.memref_slice %arg7[%dma_start3A_268] : memref<2x!tpu.dma_semaphore, #tpu.memory_space<semaphore_mem>> -> memref<1x!tpu.dma_semaphore, #tpu.memory_space<semaphore_mem>>
          %dma_start3A_280 = tpu.memref_squeeze %dma_start3A_279 : memref<1x!tpu.dma_semaphore, #tpu.memory_space<semaphore_mem>> -> memref<!tpu.dma_semaphore, #tpu.memory_space<semaphore_mem>>
          tpu.enqueue_indirect_dma source(%dma_start3A_278 : memref<1000064x64xf32, #tpu.memory_space<hbm>>) target(%dma_start3A_272 : memref<128x64xf32, #tpu.memory_space<vmem>>) offsets(%dma_start3A_275 : memref<128xi32, #tpu.memory_space<vmem>>) semaphore(%dma_start3A_280 : memref<!tpu.dma_semaphore, #tpu.memory_space<semaphore_mem>>)
        } else {
        }
        %dma_wait3A_129 = arith.constant 0 : i32
        %dma_wait3A_130 = arith.constant 0 : i32
        %dma_wait3A_131 = arith.constant 0 : i32
        %dma_wait3A_132 = arith.constant 0 : i32
        %dma_wait3A_133 = arith.constant 0 : i32
        %dma_wait3A_134 = tpu.memref_slice %arg6[%dma_wait3A_130, %dma_wait3A_132, %dma_wait3A_133] : memref<2x512x64xf32, #tpu.memory_space<vmem>> -> memref<1x128x64xf32, #tpu.memory_space<vmem>>
        %dma_wait3A_135 = tpu.memref_squeeze %dma_wait3A_134 : memref<1x128x64xf32, #tpu.memory_space<vmem>> -> memref<128x64xf32, #tpu.memory_space<vmem>>
        %dma_wait3A_136 = arith.constant 0 : i32
        %dma_wait3A_137 = tpu.memref_slice %arg5[%dma_wait3A_129, %dma_wait3A_136] : memref<2x512xi32, #tpu.memory_space<vmem>> -> memref<1x128xi32, #tpu.memory_space<vmem>>
        %dma_wait3A_138 = tpu.memref_squeeze %dma_wait3A_137 : memref<1x128xi32, #tpu.memory_space<vmem>> -> memref<128xi32, #tpu.memory_space<vmem>>
        %dma_wait3A_139 = arith.constant 0 : i32
        %dma_wait3A_140 = arith.constant 0 : i32
        %dma_wait3A_141 = tpu.memref_slice %arg2[%dma_wait3A_139, %dma_wait3A_140] : memref<1000064x64xf32, #tpu.memory_space<hbm>> -> memref<1000064x64xf32, #tpu.memory_space<hbm>>
        %dma_wait3A_142 = tpu.memref_slice %arg7[%dma_wait3A_131] : memref<2x!tpu.dma_semaphore, #tpu.memory_space<semaphore_mem>> -> memref<1x!tpu.dma_semaphore, #tpu.memory_space<semaphore_mem>>
        %dma_wait3A_143 = tpu.memref_squeeze %dma_wait3A_142 : memref<1x!tpu.dma_semaphore, #tpu.memory_space<semaphore_mem>> -> memref<!tpu.dma_semaphore, #tpu.memory_space<semaphore_mem>>
        tpu.wait_indirect_dma semaphore(%dma_wait3A_143 : memref<!tpu.dma_semaphore, #tpu.memory_space<semaphore_mem>>) src(%dma_wait3A_141 : memref<1000064x64xf32, #tpu.memory_space<hbm>>) dst(%dma_wait3A_135 : memref<128x64xf32, #tpu.memory_space<vmem>>)
        %dma_wait3A_144 = arith.constant 0 : i32
        %dma_wait3A_145 = arith.constant 0 : i32
        %dma_wait3A_146 = arith.constant 0 : i32
        %dma_wait3A_147 = arith.constant 128 : i32
        %dma_wait3A_148 = arith.constant 0 : i32
        %dma_wait3A_149 = tpu.memref_slice %arg6[%dma_wait3A_145, %dma_wait3A_147, %dma_wait3A_148] : memref<2x512x64xf32, #tpu.memory_space<vmem>> -> memref<1x128x64xf32, #tpu.memory_space<vmem>>
        %dma_wait3A_150 = tpu.memref_squeeze %dma_wait3A_149 : memref<1x128x64xf32, #tpu.memory_space<vmem>> -> memref<128x64xf32, #tpu.memory_space<vmem>>
        %dma_wait3A_151 = arith.constant 128 : i32
        %dma_wait3A_152 = tpu.memref_slice %arg5[%dma_wait3A_144, %dma_wait3A_151] : memref<2x512xi32, #tpu.memory_space<vmem>> -> memref<1x128xi32, #tpu.memory_space<vmem>>
        %dma_wait3A_153 = tpu.memref_squeeze %dma_wait3A_152 : memref<1x128xi32, #tpu.memory_space<vmem>> -> memref<128xi32, #tpu.memory_space<vmem>>
        %dma_wait3A_154 = arith.constant 0 : i32
        %dma_wait3A_155 = arith.constant 0 : i32
        %dma_wait3A_156 = tpu.memref_slice %arg2[%dma_wait3A_154, %dma_wait3A_155] : memref<1000064x64xf32, #tpu.memory_space<hbm>> -> memref<1000064x64xf32, #tpu.memory_space<hbm>>
        %dma_wait3A_157 = tpu.memref_slice %arg7[%dma_wait3A_146] : memref<2x!tpu.dma_semaphore, #tpu.memory_space<semaphore_mem>> -> memref<1x!tpu.dma_semaphore, #tpu.memory_space<semaphore_mem>>
        %dma_wait3A_158 = tpu.memref_squeeze %dma_wait3A_157 : memref<1x!tpu.dma_semaphore, #tpu.memory_space<semaphore_mem>> -> memref<!tpu.dma_semaphore, #tpu.memory_space<semaphore_mem>>
        tpu.wait_indirect_dma semaphore(%dma_wait3A_158 : memref<!tpu.dma_semaphore, #tpu.memory_space<semaphore_mem>>) src(%dma_wait3A_156 : memref<1000064x64xf32, #tpu.memory_space<hbm>>) dst(%dma_wait3A_150 : memref<128x64xf32, #tpu.memory_space<vmem>>)
        %dma_wait3A_159 = arith.constant 0 : i32
        %dma_wait3A_160 = arith.constant 0 : i32
        %dma_wait3A_161 = arith.constant 0 : i32
        %dma_wait3A_162 = arith.constant 256 : i32
        %dma_wait3A_163 = arith.constant 0 : i32
        %dma_wait3A_164 = tpu.memref_slice %arg6[%dma_wait3A_160, %dma_wait3A_162, %dma_wait3A_163] : memref<2x512x64xf32, #tpu.memory_space<vmem>> -> memref<1x128x64xf32, #tpu.memory_space<vmem>>
        %dma_wait3A_165 = tpu.memref_squeeze %dma_wait3A_164 : memref<1x128x64xf32, #tpu.memory_space<vmem>> -> memref<128x64xf32, #tpu.memory_space<vmem>>
        %dma_wait3A_166 = arith.constant 256 : i32
        %dma_wait3A_167 = tpu.memref_slice %arg5[%dma_wait3A_159, %dma_wait3A_166] : memref<2x512xi32, #tpu.memory_space<vmem>> -> memref<1x128xi32, #tpu.memory_space<vmem>>
        %dma_wait3A_168 = tpu.memref_squeeze %dma_wait3A_167 : memref<1x128xi32, #tpu.memory_space<vmem>> -> memref<128xi32, #tpu.memory_space<vmem>>
        %dma_wait3A_169 = arith.constant 0 : i32
        %dma_wait3A_170 = arith.constant 0 : i32
        %dma_wait3A_171 = tpu.memref_slice %arg2[%dma_wait3A_169, %dma_wait3A_170] : memref<1000064x64xf32, #tpu.memory_space<hbm>> -> memref<1000064x64xf32, #tpu.memory_space<hbm>>
        %dma_wait3A_172 = tpu.memref_slice %arg7[%dma_wait3A_161] : memref<2x!tpu.dma_semaphore, #tpu.memory_space<semaphore_mem>> -> memref<1x!tpu.dma_semaphore, #tpu.memory_space<semaphore_mem>>
        %dma_wait3A_173 = tpu.memref_squeeze %dma_wait3A_172 : memref<1x!tpu.dma_semaphore, #tpu.memory_space<semaphore_mem>> -> memref<!tpu.dma_semaphore, #tpu.memory_space<semaphore_mem>>
        tpu.wait_indirect_dma semaphore(%dma_wait3A_173 : memref<!tpu.dma_semaphore, #tpu.memory_space<semaphore_mem>>) src(%dma_wait3A_171 : memref<1000064x64xf32, #tpu.memory_space<hbm>>) dst(%dma_wait3A_165 : memref<128x64xf32, #tpu.memory_space<vmem>>)
        %dma_wait3A_174 = arith.constant 0 : i32
        %dma_wait3A_175 = arith.constant 0 : i32
        %dma_wait3A_176 = arith.constant 0 : i32
        %dma_wait3A_177 = arith.constant 384 : i32
        %dma_wait3A_178 = arith.constant 0 : i32
        %dma_wait3A_179 = tpu.memref_slice %arg6[%dma_wait3A_175, %dma_wait3A_177, %dma_wait3A_178] : memref<2x512x64xf32, #tpu.memory_space<vmem>> -> memref<1x128x64xf32, #tpu.memory_space<vmem>>
        %dma_wait3A_180 = tpu.memref_squeeze %dma_wait3A_179 : memref<1x128x64xf32, #tpu.memory_space<vmem>> -> memref<128x64xf32, #tpu.memory_space<vmem>>
        %dma_wait3A_181 = arith.constant 384 : i32
        %dma_wait3A_182 = tpu.memref_slice %arg5[%dma_wait3A_174, %dma_wait3A_181] : memref<2x512xi32, #tpu.memory_space<vmem>> -> memref<1x128xi32, #tpu.memory_space<vmem>>
        %dma_wait3A_183 = tpu.memref_squeeze %dma_wait3A_182 : memref<1x128xi32, #tpu.memory_space<vmem>> -> memref<128xi32, #tpu.memory_space<vmem>>
        %dma_wait3A_184 = arith.constant 0 : i32
        %dma_wait3A_185 = arith.constant 0 : i32
        %dma_wait3A_186 = tpu.memref_slice %arg2[%dma_wait3A_184, %dma_wait3A_185] : memref<1000064x64xf32, #tpu.memory_space<hbm>> -> memref<1000064x64xf32, #tpu.memory_space<hbm>>
        %dma_wait3A_187 = tpu.memref_slice %arg7[%dma_wait3A_176] : memref<2x!tpu.dma_semaphore, #tpu.memory_space<semaphore_mem>> -> memref<1x!tpu.dma_semaphore, #tpu.memory_space<semaphore_mem>>
        %dma_wait3A_188 = tpu.memref_squeeze %dma_wait3A_187 : memref<1x!tpu.dma_semaphore, #tpu.memory_space<semaphore_mem>> -> memref<!tpu.dma_semaphore, #tpu.memory_space<semaphore_mem>>
        tpu.wait_indirect_dma semaphore(%dma_wait3A_188 : memref<!tpu.dma_semaphore, #tpu.memory_space<semaphore_mem>>) src(%dma_wait3A_186 : memref<1000064x64xf32, #tpu.memory_space<hbm>>) dst(%dma_wait3A_180 : memref<128x64xf32, #tpu.memory_space<vmem>>)
        %mul3A_189 = arith.constant 512 : i32
        %mul3A_190 = arith.muli %add3A_110, %mul3A_189 : i32
        %add3A_191 = arith.addi %mul3A_2, %mul3A_190 : i32
        %multiple_of3A_192 = tpu.assume_multiple %add3A_191, 512 : i32
        %dma_start3A_193 = arith.constant 0 : i32
        %dma_start3A_194 = arith.constant 0 : i32
        %dma_start3A_195 = arith.constant 0 : i32
        %dma_start3A_196 = arith.constant 0 : i32
        %dma_start3A_197 = tpu.memref_slice %arg6[%dma_start3A_193, %dma_start3A_195, %dma_start3A_196] : memref<2x512x64xf32, #tpu.memory_space<vmem>> -> memref<1x512x64xf32, #tpu.memory_space<vmem>>
        %dma_start3A_198 = tpu.memref_squeeze %dma_start3A_197 : memref<1x512x64xf32, #tpu.memory_space<vmem>> -> memref<512x64xf32, #tpu.memory_space<vmem>>
        %dma_start3A_199 = arith.constant 0 : i32
        %dma_start3A_200 = tpu.memref_slice %arg4[%multiple_of3A_192, %dma_start3A_199] : memref<819200x64xf32, #tpu.memory_space<hbm>> -> memref<512x64xf32, #tpu.memory_space<hbm>>
        %dma_start3A_201 = tpu.memref_slice %arg8[%dma_start3A_194] : memref<2x!tpu.dma_semaphore, #tpu.memory_space<semaphore_mem>> -> memref<1x!tpu.dma_semaphore, #tpu.memory_space<semaphore_mem>>
        %dma_start3A_202 = tpu.memref_squeeze %dma_start3A_201 : memref<1x!tpu.dma_semaphore, #tpu.memory_space<semaphore_mem>> -> memref<!tpu.dma_semaphore, #tpu.memory_space<semaphore_mem>>
        %dma_start3A_203 = arith.constant 0 : i32
        %dma_start3A_204 = tpu.memref_slice %arg4[%multiple_of3A_192, %dma_start3A_203] : memref<819200x64xf32, #tpu.memory_space<hbm>> -> memref<512x64xf32, #tpu.memory_space<hbm>>
        %dma_start3A_205 = arith.constant 0 : i32
        %dma_start3A_206 = arith.constant 0 : i32
        %dma_start3A_207 = tpu.memref_slice %arg6[%dma_start3A_193, %dma_start3A_205, %dma_start3A_206] : memref<2x512x64xf32, #tpu.memory_space<vmem>> -> memref<1x512x64xf32, #tpu.memory_space<vmem>>
        %dma_start3A_208 = tpu.memref_squeeze %dma_start3A_207 : memref<1x512x64xf32, #tpu.memory_space<vmem>> -> memref<512x64xf32, #tpu.memory_space<vmem>>
        tpu.enqueue_dma source(%dma_start3A_208 : memref<512x64xf32, #tpu.memory_space<vmem>>) target(%dma_start3A_204 : memref<512x64xf32, #tpu.memory_space<hbm>>) target_semaphore(%dma_start3A_202 : memref<!tpu.dma_semaphore, #tpu.memory_space<semaphore_mem>>)
      } else {
      }
      %mul3A_113 = arith.constant 2 : i32
      %mul3A_114 = arith.muli %mul3A_113, %scan3A_106 : i32
      %add3A_115 = arith.constant 1 : i32
      %add3A_116 = arith.addi %mul3A_114, %add3A_115 : i32
      %lt3A_117 = arith.constant 50 : i32
      %lt3A_118 = arith.cmpi slt, %add3A_116, %lt3A_117 : i32
      %convert_element_type3A_119 = arith.extui %lt3A_118 : i1 to i32
      %cond3A_120 = arith.constant 0 : i32
      %cond3A_121 = arith.cmpi ne, %convert_element_type3A_119, %cond3A_120 : i32
      scf.if %cond3A_121 {
        %add3A_122 = arith.constant 1 : i32
        %add3A_123 = arith.addi %add3A_116, %add3A_122 : i32
        %lt3A_124 = arith.constant 50 : i32
        %lt3A_125 = arith.cmpi slt, %add3A_123, %lt3A_124 : i32
        %convert_element_type3A_126 = arith.extui %lt3A_125 : i1 to i32
        %cond3A_127 = arith.constant 0 : i32
        %cond3A_128 = arith.cmpi ne, %convert_element_type3A_126, %cond3A_127 : i32
        scf.if %cond3A_128 {
          %sub3A = arith.constant 1 : i32
          %sub3A_209 = arith.subi %add3A_116, %sub3A : i32
          %ge3A = arith.constant 0 : i32
          %ge3A_210 = arith.cmpi sge, %sub3A_209, %ge3A : i32
          %convert_element_type3A_211 = arith.extui %ge3A_210 : i1 to i32
          %cond3A_212 = arith.constant 0 : i32
          %cond3A_213 = arith.cmpi ne, %convert_element_type3A_211, %cond3A_212 : i32
          scf.if %cond3A_213 {
            %sub3A_281 = arith.constant 1 : i32
            %sub3A_282 = arith.subi %add3A_116, %sub3A_281 : i32
            %mul3A_283 = arith.constant 512 : i32
            %mul3A_284 = arith.muli %sub3A_282, %mul3A_283 : i32
            %add3A_285 = arith.addi %mul3A_2, %mul3A_284 : i32
            %multiple_of3A_286 = tpu.assume_multiple %add3A_285, 512 : i32
            %dma_wait3A_287 = arith.constant 0 : i32
            %dma_wait3A_288 = arith.constant 0 : i32
            %dma_wait3A_289 = arith.constant 0 : i32
            %dma_wait3A_290 = arith.constant 0 : i32
            %dma_wait3A_291 = tpu.memref_slice %arg6[%dma_wait3A_287, %dma_wait3A_289, %dma_wait3A_290] : memref<2x512x64xf32, #tpu.memory_space<vmem>> -> memref<1x512x64xf32, #tpu.memory_space<vmem>>
            %dma_wait3A_292 = tpu.memref_squeeze %dma_wait3A_291 : memref<1x512x64xf32, #tpu.memory_space<vmem>> -> memref<512x64xf32, #tpu.memory_space<vmem>>
            %dma_wait3A_293 = arith.constant 0 : i32
            %dma_wait3A_294 = tpu.memref_slice %arg4[%multiple_of3A_286, %dma_wait3A_293] : memref<819200x64xf32, #tpu.memory_space<hbm>> -> memref<512x64xf32, #tpu.memory_space<hbm>>
            %dma_wait3A_295 = tpu.memref_slice %arg8[%dma_wait3A_288] : memref<2x!tpu.dma_semaphore, #tpu.memory_space<semaphore_mem>> -> memref<1x!tpu.dma_semaphore, #tpu.memory_space<semaphore_mem>>
            %dma_wait3A_296 = tpu.memref_squeeze %dma_wait3A_295 : memref<1x!tpu.dma_semaphore, #tpu.memory_space<semaphore_mem>> -> memref<!tpu.dma_semaphore, #tpu.memory_space<semaphore_mem>>
            %dma_wait3A_297 = arith.constant 0 : i32
            %dma_wait3A_298 = tpu.memref_slice %arg4[%multiple_of3A_286, %dma_wait3A_297] : memref<819200x64xf32, #tpu.memory_space<hbm>> -> memref<512x64xf32, #tpu.memory_space<hbm>>
            %dma_wait3A_299 = arith.constant 0 : i32
            %dma_wait3A_300 = arith.constant 0 : i32
            %dma_wait3A_301 = tpu.memref_slice %arg6[%dma_wait3A_287, %dma_wait3A_299, %dma_wait3A_300] : memref<2x512x64xf32, #tpu.memory_space<vmem>> -> memref<1x512x64xf32, #tpu.memory_space<vmem>>
            %dma_wait3A_302 = tpu.memref_squeeze %dma_wait3A_301 : memref<1x512x64xf32, #tpu.memory_space<vmem>> -> memref<512x64xf32, #tpu.memory_space<vmem>>
            tpu.wait_dma2 semaphore(%dma_wait3A_296 : memref<!tpu.dma_semaphore, #tpu.memory_space<semaphore_mem>>) src(%dma_wait3A_302 : memref<512x64xf32, #tpu.memory_space<vmem>>) dst(%dma_wait3A_298 : memref<512x64xf32, #tpu.memory_space<hbm>>)
          } else {
          }
          %add3A_214 = arith.constant 1 : i32
          %add3A_215 = arith.addi %add3A_116, %add3A_214 : i32
          %mul3A_216 = arith.constant 512 : i32
          %mul3A_217 = arith.muli %add3A_215, %mul3A_216 : i32
          %add3A_218 = arith.addi %mul3A_2, %mul3A_217 : i32
          %multiple_of3A_219 = tpu.assume_multiple %add3A_218, 512 : i32
          %run_scoped3A_220 = arith.constant 0 : i32
          "tpu.region"() ({
            %run_scoped3A_281 = tpu.sem_alloc : memref<!tpu.dma_semaphore, #tpu.memory_space<semaphore_mem>>
            %dma_start3A_282 = arith.constant 0 : i32
            %dma_start3A_283 = tpu.memref_slice %arg5[%run_scoped3A_220, %dma_start3A_282] : memref<2x512xi32, #tpu.memory_space<vmem>> -> memref<1x512xi32, #tpu.memory_space<vmem>>
            %dma_start3A_284 = tpu.memref_squeeze %dma_start3A_283 : memref<1x512xi32, #tpu.memory_space<vmem>> -> memref<512xi32, #tpu.memory_space<vmem>>
            %dma_start3A_285 = tpu.memref_slice %arg3[%multiple_of3A_219] : memref<819200xi32, #tpu.memory_space<hbm>> -> memref<512xi32, #tpu.memory_space<hbm>>
            %dma_start3A_286 = arith.constant 0 : i32
            %dma_start3A_287 = tpu.memref_slice %arg5[%run_scoped3A_220, %dma_start3A_286] : memref<2x512xi32, #tpu.memory_space<vmem>> -> memref<1x512xi32, #tpu.memory_space<vmem>>
            %dma_start3A_288 = tpu.memref_squeeze %dma_start3A_287 : memref<1x512xi32, #tpu.memory_space<vmem>> -> memref<512xi32, #tpu.memory_space<vmem>>
            %dma_start3A_289 = tpu.memref_slice %arg3[%multiple_of3A_219] : memref<819200xi32, #tpu.memory_space<hbm>> -> memref<512xi32, #tpu.memory_space<hbm>>
            tpu.enqueue_dma source(%dma_start3A_289 : memref<512xi32, #tpu.memory_space<hbm>>) target(%dma_start3A_288 : memref<512xi32, #tpu.memory_space<vmem>>) target_semaphore(%run_scoped3A_281 : memref<!tpu.dma_semaphore, #tpu.memory_space<semaphore_mem>>)
            %dma_wait3A_290 = arith.constant 0 : i32
            %dma_wait3A_291 = tpu.memref_slice %arg5[%run_scoped3A_220, %dma_wait3A_290] : memref<2x512xi32, #tpu.memory_space<vmem>> -> memref<1x512xi32, #tpu.memory_space<vmem>>
            %dma_wait3A_292 = tpu.memref_squeeze %dma_wait3A_291 : memref<1x512xi32, #tpu.memory_space<vmem>> -> memref<512xi32, #tpu.memory_space<vmem>>
            %dma_wait3A_293 = tpu.memref_slice %arg3[%multiple_of3A_219] : memref<819200xi32, #tpu.memory_space<hbm>> -> memref<512xi32, #tpu.memory_space<hbm>>
            %dma_wait3A_294 = arith.constant 0 : i32
            %dma_wait3A_295 = tpu.memref_slice %arg5[%run_scoped3A_220, %dma_wait3A_294] : memref<2x512xi32, #tpu.memory_space<vmem>> -> memref<1x512xi32, #tpu.memory_space<vmem>>
            %dma_wait3A_296 = tpu.memref_squeeze %dma_wait3A_295 : memref<1x512xi32, #tpu.memory_space<vmem>> -> memref<512xi32, #tpu.memory_space<vmem>>
            %dma_wait3A_297 = tpu.memref_slice %arg3[%multiple_of3A_219] : memref<819200xi32, #tpu.memory_space<hbm>> -> memref<512xi32, #tpu.memory_space<hbm>>
            tpu.wait_dma2 semaphore(%run_scoped3A_281 : memref<!tpu.dma_semaphore, #tpu.memory_space<semaphore_mem>>) src(%dma_wait3A_297 : memref<512xi32, #tpu.memory_space<hbm>>) dst(%dma_wait3A_296 : memref<512xi32, #tpu.memory_space<vmem>>)
            tpu.yield
          }) : () -> ()
          %dma_start3A_221 = arith.constant 0 : i32
          %dma_start3A_222 = arith.constant 0 : i32
          %dma_start3A_223 = arith.constant 0 : i32
          %dma_start3A_224 = arith.constant 0 : i32
          %dma_start3A_225 = arith.constant 0 : i32
          %dma_start3A_226 = tpu.memref_slice %arg6[%dma_start3A_222, %dma_start3A_224, %dma_start3A_225] : memref<2x512x64xf32, #tpu.memory_space<vmem>> -> memref<1x128x64xf32, #tpu.memory_space<vmem>>
          %dma_start3A_227 = tpu.memref_squeeze %dma_start3A_226 : memref<1x128x64xf32, #tpu.memory_space<vmem>> -> memref<128x64xf32, #tpu.memory_space<vmem>>
          %dma_start3A_228 = arith.constant 0 : i32
          %dma_start3A_229 = tpu.memref_slice %arg5[%dma_start3A_221, %dma_start3A_228] : memref<2x512xi32, #tpu.memory_space<vmem>> -> memref<1x128xi32, #tpu.memory_space<vmem>>
          %dma_start3A_230 = tpu.memref_squeeze %dma_start3A_229 : memref<1x128xi32, #tpu.memory_space<vmem>> -> memref<128xi32, #tpu.memory_space<vmem>>
          %dma_start3A_231 = arith.constant 0 : i32
          %dma_start3A_232 = arith.constant 0 : i32
          %dma_start3A_233 = tpu.memref_slice %arg2[%dma_start3A_231, %dma_start3A_232] : memref<1000064x64xf32, #tpu.memory_space<hbm>> -> memref<1000064x64xf32, #tpu.memory_space<hbm>>
          %dma_start3A_234 = tpu.memref_slice %arg7[%dma_start3A_223] : memref<2x!tpu.dma_semaphore, #tpu.memory_space<semaphore_mem>> -> memref<1x!tpu.dma_semaphore, #tpu.memory_space<semaphore_mem>>
          %dma_start3A_235 = tpu.memref_squeeze %dma_start3A_234 : memref<1x!tpu.dma_semaphore, #tpu.memory_space<semaphore_mem>> -> memref<!tpu.dma_semaphore, #tpu.memory_space<semaphore_mem>>
          tpu.enqueue_indirect_dma source(%dma_start3A_233 : memref<1000064x64xf32, #tpu.memory_space<hbm>>) target(%dma_start3A_227 : memref<128x64xf32, #tpu.memory_space<vmem>>) offsets(%dma_start3A_230 : memref<128xi32, #tpu.memory_space<vmem>>) semaphore(%dma_start3A_235 : memref<!tpu.dma_semaphore, #tpu.memory_space<semaphore_mem>>)
          %dma_start3A_236 = arith.constant 0 : i32
          %dma_start3A_237 = arith.constant 0 : i32
          %dma_start3A_238 = arith.constant 0 : i32
          %dma_start3A_239 = arith.constant 128 : i32
          %dma_start3A_240 = arith.constant 0 : i32
          %dma_start3A_241 = tpu.memref_slice %arg6[%dma_start3A_237, %dma_start3A_239, %dma_start3A_240] : memref<2x512x64xf32, #tpu.memory_space<vmem>> -> memref<1x128x64xf32, #tpu.memory_space<vmem>>
          %dma_start3A_242 = tpu.memref_squeeze %dma_start3A_241 : memref<1x128x64xf32, #tpu.memory_space<vmem>> -> memref<128x64xf32, #tpu.memory_space<vmem>>
          %dma_start3A_243 = arith.constant 128 : i32
          %dma_start3A_244 = tpu.memref_slice %arg5[%dma_start3A_236, %dma_start3A_243] : memref<2x512xi32, #tpu.memory_space<vmem>> -> memref<1x128xi32, #tpu.memory_space<vmem>>
          %dma_start3A_245 = tpu.memref_squeeze %dma_start3A_244 : memref<1x128xi32, #tpu.memory_space<vmem>> -> memref<128xi32, #tpu.memory_space<vmem>>
          %dma_start3A_246 = arith.constant 0 : i32
          %dma_start3A_247 = arith.constant 0 : i32
          %dma_start3A_248 = tpu.memref_slice %arg2[%dma_start3A_246, %dma_start3A_247] : memref<1000064x64xf32, #tpu.memory_space<hbm>> -> memref<1000064x64xf32, #tpu.memory_space<hbm>>
          %dma_start3A_249 = tpu.memref_slice %arg7[%dma_start3A_238] : memref<2x!tpu.dma_semaphore, #tpu.memory_space<semaphore_mem>> -> memref<1x!tpu.dma_semaphore, #tpu.memory_space<semaphore_mem>>
          %dma_start3A_250 = tpu.memref_squeeze %dma_start3A_249 : memref<1x!tpu.dma_semaphore, #tpu.memory_space<semaphore_mem>> -> memref<!tpu.dma_semaphore, #tpu.memory_space<semaphore_mem>>
          tpu.enqueue_indirect_dma source(%dma_start3A_248 : memref<1000064x64xf32, #tpu.memory_space<hbm>>) target(%dma_start3A_242 : memref<128x64xf32, #tpu.memory_space<vmem>>) offsets(%dma_start3A_245 : memref<128xi32, #tpu.memory_space<vmem>>) semaphore(%dma_start3A_250 : memref<!tpu.dma_semaphore, #tpu.memory_space<semaphore_mem>>)
          %dma_start3A_251 = arith.constant 0 : i32
          %dma_start3A_252 = arith.constant 0 : i32
          %dma_start3A_253 = arith.constant 0 : i32
          %dma_start3A_254 = arith.constant 256 : i32
          %dma_start3A_255 = arith.constant 0 : i32
          %dma_start3A_256 = tpu.memref_slice %arg6[%dma_start3A_252, %dma_start3A_254, %dma_start3A_255] : memref<2x512x64xf32, #tpu.memory_space<vmem>> -> memref<1x128x64xf32, #tpu.memory_space<vmem>>
          %dma_start3A_257 = tpu.memref_squeeze %dma_start3A_256 : memref<1x128x64xf32, #tpu.memory_space<vmem>> -> memref<128x64xf32, #tpu.memory_space<vmem>>
          %dma_start3A_258 = arith.constant 256 : i32
          %dma_start3A_259 = tpu.memref_slice %arg5[%dma_start3A_251, %dma_start3A_258] : memref<2x512xi32, #tpu.memory_space<vmem>> -> memref<1x128xi32, #tpu.memory_space<vmem>>
          %dma_start3A_260 = tpu.memref_squeeze %dma_start3A_259 : memref<1x128xi32, #tpu.memory_space<vmem>> -> memref<128xi32, #tpu.memory_space<vmem>>
          %dma_start3A_261 = arith.constant 0 : i32
          %dma_start3A_262 = arith.constant 0 : i32
          %dma_start3A_263 = tpu.memref_slice %arg2[%dma_start3A_261, %dma_start3A_262] : memref<1000064x64xf32, #tpu.memory_space<hbm>> -> memref<1000064x64xf32, #tpu.memory_space<hbm>>
          %dma_start3A_264 = tpu.memref_slice %arg7[%dma_start3A_253] : memref<2x!tpu.dma_semaphore, #tpu.memory_space<semaphore_mem>> -> memref<1x!tpu.dma_semaphore, #tpu.memory_space<semaphore_mem>>
          %dma_start3A_265 = tpu.memref_squeeze %dma_start3A_264 : memref<1x!tpu.dma_semaphore, #tpu.memory_space<semaphore_mem>> -> memref<!tpu.dma_semaphore, #tpu.memory_space<semaphore_mem>>
          tpu.enqueue_indirect_dma source(%dma_start3A_263 : memref<1000064x64xf32, #tpu.memory_space<hbm>>) target(%dma_start3A_257 : memref<128x64xf32, #tpu.memory_space<vmem>>) offsets(%dma_start3A_260 : memref<128xi32, #tpu.memory_space<vmem>>) semaphore(%dma_start3A_265 : memref<!tpu.dma_semaphore, #tpu.memory_space<semaphore_mem>>)
          %dma_start3A_266 = arith.constant 0 : i32
          %dma_start3A_267 = arith.constant 0 : i32
          %dma_start3A_268 = arith.constant 0 : i32
          %dma_start3A_269 = arith.constant 384 : i32
          %dma_start3A_270 = arith.constant 0 : i32
          %dma_start3A_271 = tpu.memref_slice %arg6[%dma_start3A_267, %dma_start3A_269, %dma_start3A_270] : memref<2x512x64xf32, #tpu.memory_space<vmem>> -> memref<1x128x64xf32, #tpu.memory_space<vmem>>
          %dma_start3A_272 = tpu.memref_squeeze %dma_start3A_271 : memref<1x128x64xf32, #tpu.memory_space<vmem>> -> memref<128x64xf32, #tpu.memory_space<vmem>>
          %dma_start3A_273 = arith.constant 384 : i32
          %dma_start3A_274 = tpu.memref_slice %arg5[%dma_start3A_266, %dma_start3A_273] : memref<2x512xi32, #tpu.memory_space<vmem>> -> memref<1x128xi32, #tpu.memory_space<vmem>>
          %dma_start3A_275 = tpu.memref_squeeze %dma_start3A_274 : memref<1x128xi32, #tpu.memory_space<vmem>> -> memref<128xi32, #tpu.memory_space<vmem>>
          %dma_start3A_276 = arith.constant 0 : i32
          %dma_start3A_277 = arith.constant 0 : i32
          %dma_start3A_278 = tpu.memref_slice %arg2[%dma_start3A_276, %dma_start3A_277] : memref<1000064x64xf32, #tpu.memory_space<hbm>> -> memref<1000064x64xf32, #tpu.memory_space<hbm>>
          %dma_start3A_279 = tpu.memref_slice %arg7[%dma_start3A_268] : memref<2x!tpu.dma_semaphore, #tpu.memory_space<semaphore_mem>> -> memref<1x!tpu.dma_semaphore, #tpu.memory_space<semaphore_mem>>
          %dma_start3A_280 = tpu.memref_squeeze %dma_start3A_279 : memref<1x!tpu.dma_semaphore, #tpu.memory_space<semaphore_mem>> -> memref<!tpu.dma_semaphore, #tpu.memory_space<semaphore_mem>>
          tpu.enqueue_indirect_dma source(%dma_start3A_278 : memref<1000064x64xf32, #tpu.memory_space<hbm>>) target(%dma_start3A_272 : memref<128x64xf32, #tpu.memory_space<vmem>>) offsets(%dma_start3A_275 : memref<128xi32, #tpu.memory_space<vmem>>) semaphore(%dma_start3A_280 : memref<!tpu.dma_semaphore, #tpu.memory_space<semaphore_mem>>)
        } else {
        }
        %dma_wait3A_129 = arith.constant 1 : i32
        %dma_wait3A_130 = arith.constant 1 : i32
        %dma_wait3A_131 = arith.constant 1 : i32
        %dma_wait3A_132 = arith.constant 0 : i32
        %dma_wait3A_133 = arith.constant 0 : i32
        %dma_wait3A_134 = tpu.memref_slice %arg6[%dma_wait3A_130, %dma_wait3A_132, %dma_wait3A_133] : memref<2x512x64xf32, #tpu.memory_space<vmem>> -> memref<1x128x64xf32, #tpu.memory_space<vmem>>
        %dma_wait3A_135 = tpu.memref_squeeze %dma_wait3A_134 : memref<1x128x64xf32, #tpu.memory_space<vmem>> -> memref<128x64xf32, #tpu.memory_space<vmem>>
        %dma_wait3A_136 = arith.constant 0 : i32
        %dma_wait3A_137 = tpu.memref_slice %arg5[%dma_wait3A_129, %dma_wait3A_136] : memref<2x512xi32, #tpu.memory_space<vmem>> -> memref<1x128xi32, #tpu.memory_space<vmem>>
        %dma_wait3A_138 = tpu.memref_squeeze %dma_wait3A_137 : memref<1x128xi32, #tpu.memory_space<vmem>> -> memref<128xi32, #tpu.memory_space<vmem>>
        %dma_wait3A_139 = arith.constant 0 : i32
        %dma_wait3A_140 = arith.constant 0 : i32
        %dma_wait3A_141 = tpu.memref_slice %arg2[%dma_wait3A_139, %dma_wait3A_140] : memref<1000064x64xf32, #tpu.memory_space<hbm>> -> memref<1000064x64xf32, #tpu.memory_space<hbm>>
        %dma_wait3A_142 = tpu.memref_slice %arg7[%dma_wait3A_131] : memref<2x!tpu.dma_semaphore, #tpu.memory_space<semaphore_mem>> -> memref<1x!tpu.dma_semaphore, #tpu.memory_space<semaphore_mem>>
        %dma_wait3A_143 = tpu.memref_squeeze %dma_wait3A_142 : memref<1x!tpu.dma_semaphore, #tpu.memory_space<semaphore_mem>> -> memref<!tpu.dma_semaphore, #tpu.memory_space<semaphore_mem>>
        tpu.wait_indirect_dma semaphore(%dma_wait3A_143 : memref<!tpu.dma_semaphore, #tpu.memory_space<semaphore_mem>>) src(%dma_wait3A_141 : memref<1000064x64xf32, #tpu.memory_space<hbm>>) dst(%dma_wait3A_135 : memref<128x64xf32, #tpu.memory_space<vmem>>)
        %dma_wait3A_144 = arith.constant 1 : i32
        %dma_wait3A_145 = arith.constant 1 : i32
        %dma_wait3A_146 = arith.constant 1 : i32
        %dma_wait3A_147 = arith.constant 128 : i32
        %dma_wait3A_148 = arith.constant 0 : i32
        %dma_wait3A_149 = tpu.memref_slice %arg6[%dma_wait3A_145, %dma_wait3A_147, %dma_wait3A_148] : memref<2x512x64xf32, #tpu.memory_space<vmem>> -> memref<1x128x64xf32, #tpu.memory_space<vmem>>
        %dma_wait3A_150 = tpu.memref_squeeze %dma_wait3A_149 : memref<1x128x64xf32, #tpu.memory_space<vmem>> -> memref<128x64xf32, #tpu.memory_space<vmem>>
        %dma_wait3A_151 = arith.constant 128 : i32
        %dma_wait3A_152 = tpu.memref_slice %arg5[%dma_wait3A_144, %dma_wait3A_151] : memref<2x512xi32, #tpu.memory_space<vmem>> -> memref<1x128xi32, #tpu.memory_space<vmem>>
        %dma_wait3A_153 = tpu.memref_squeeze %dma_wait3A_152 : memref<1x128xi32, #tpu.memory_space<vmem>> -> memref<128xi32, #tpu.memory_space<vmem>>
        %dma_wait3A_154 = arith.constant 0 : i32
        %dma_wait3A_155 = arith.constant 0 : i32
        %dma_wait3A_156 = tpu.memref_slice %arg2[%dma_wait3A_154, %dma_wait3A_155] : memref<1000064x64xf32, #tpu.memory_space<hbm>> -> memref<1000064x64xf32, #tpu.memory_space<hbm>>
        %dma_wait3A_157 = tpu.memref_slice %arg7[%dma_wait3A_146] : memref<2x!tpu.dma_semaphore, #tpu.memory_space<semaphore_mem>> -> memref<1x!tpu.dma_semaphore, #tpu.memory_space<semaphore_mem>>
        %dma_wait3A_158 = tpu.memref_squeeze %dma_wait3A_157 : memref<1x!tpu.dma_semaphore, #tpu.memory_space<semaphore_mem>> -> memref<!tpu.dma_semaphore, #tpu.memory_space<semaphore_mem>>
        tpu.wait_indirect_dma semaphore(%dma_wait3A_158 : memref<!tpu.dma_semaphore, #tpu.memory_space<semaphore_mem>>) src(%dma_wait3A_156 : memref<1000064x64xf32, #tpu.memory_space<hbm>>) dst(%dma_wait3A_150 : memref<128x64xf32, #tpu.memory_space<vmem>>)
        %dma_wait3A_159 = arith.constant 1 : i32
        %dma_wait3A_160 = arith.constant 1 : i32
        %dma_wait3A_161 = arith.constant 1 : i32
        %dma_wait3A_162 = arith.constant 256 : i32
        %dma_wait3A_163 = arith.constant 0 : i32
        %dma_wait3A_164 = tpu.memref_slice %arg6[%dma_wait3A_160, %dma_wait3A_162, %dma_wait3A_163] : memref<2x512x64xf32, #tpu.memory_space<vmem>> -> memref<1x128x64xf32, #tpu.memory_space<vmem>>
        %dma_wait3A_165 = tpu.memref_squeeze %dma_wait3A_164 : memref<1x128x64xf32, #tpu.memory_space<vmem>> -> memref<128x64xf32, #tpu.memory_space<vmem>>
        %dma_wait3A_166 = arith.constant 256 : i32
        %dma_wait3A_167 = tpu.memref_slice %arg5[%dma_wait3A_159, %dma_wait3A_166] : memref<2x512xi32, #tpu.memory_space<vmem>> -> memref<1x128xi32, #tpu.memory_space<vmem>>
        %dma_wait3A_168 = tpu.memref_squeeze %dma_wait3A_167 : memref<1x128xi32, #tpu.memory_space<vmem>> -> memref<128xi32, #tpu.memory_space<vmem>>
        %dma_wait3A_169 = arith.constant 0 : i32
        %dma_wait3A_170 = arith.constant 0 : i32
        %dma_wait3A_171 = tpu.memref_slice %arg2[%dma_wait3A_169, %dma_wait3A_170] : memref<1000064x64xf32, #tpu.memory_space<hbm>> -> memref<1000064x64xf32, #tpu.memory_space<hbm>>
        %dma_wait3A_172 = tpu.memref_slice %arg7[%dma_wait3A_161] : memref<2x!tpu.dma_semaphore, #tpu.memory_space<semaphore_mem>> -> memref<1x!tpu.dma_semaphore, #tpu.memory_space<semaphore_mem>>
        %dma_wait3A_173 = tpu.memref_squeeze %dma_wait3A_172 : memref<1x!tpu.dma_semaphore, #tpu.memory_space<semaphore_mem>> -> memref<!tpu.dma_semaphore, #tpu.memory_space<semaphore_mem>>
        tpu.wait_indirect_dma semaphore(%dma_wait3A_173 : memref<!tpu.dma_semaphore, #tpu.memory_space<semaphore_mem>>) src(%dma_wait3A_171 : memref<1000064x64xf32, #tpu.memory_space<hbm>>) dst(%dma_wait3A_165 : memref<128x64xf32, #tpu.memory_space<vmem>>)
        %dma_wait3A_174 = arith.constant 1 : i32
        %dma_wait3A_175 = arith.constant 1 : i32
        %dma_wait3A_176 = arith.constant 1 : i32
        %dma_wait3A_177 = arith.constant 384 : i32
        %dma_wait3A_178 = arith.constant 0 : i32
        %dma_wait3A_179 = tpu.memref_slice %arg6[%dma_wait3A_175, %dma_wait3A_177, %dma_wait3A_178] : memref<2x512x64xf32, #tpu.memory_space<vmem>> -> memref<1x128x64xf32, #tpu.memory_space<vmem>>
        %dma_wait3A_180 = tpu.memref_squeeze %dma_wait3A_179 : memref<1x128x64xf32, #tpu.memory_space<vmem>> -> memref<128x64xf32, #tpu.memory_space<vmem>>
        %dma_wait3A_181 = arith.constant 384 : i32
        %dma_wait3A_182 = tpu.memref_slice %arg5[%dma_wait3A_174, %dma_wait3A_181] : memref<2x512xi32, #tpu.memory_space<vmem>> -> memref<1x128xi32, #tpu.memory_space<vmem>>
        %dma_wait3A_183 = tpu.memref_squeeze %dma_wait3A_182 : memref<1x128xi32, #tpu.memory_space<vmem>> -> memref<128xi32, #tpu.memory_space<vmem>>
        %dma_wait3A_184 = arith.constant 0 : i32
        %dma_wait3A_185 = arith.constant 0 : i32
        %dma_wait3A_186 = tpu.memref_slice %arg2[%dma_wait3A_184, %dma_wait3A_185] : memref<1000064x64xf32, #tpu.memory_space<hbm>> -> memref<1000064x64xf32, #tpu.memory_space<hbm>>
        %dma_wait3A_187 = tpu.memref_slice %arg7[%dma_wait3A_176] : memref<2x!tpu.dma_semaphore, #tpu.memory_space<semaphore_mem>> -> memref<1x!tpu.dma_semaphore, #tpu.memory_space<semaphore_mem>>
        %dma_wait3A_188 = tpu.memref_squeeze %dma_wait3A_187 : memref<1x!tpu.dma_semaphore, #tpu.memory_space<semaphore_mem>> -> memref<!tpu.dma_semaphore, #tpu.memory_space<semaphore_mem>>
        tpu.wait_indirect_dma semaphore(%dma_wait3A_188 : memref<!tpu.dma_semaphore, #tpu.memory_space<semaphore_mem>>) src(%dma_wait3A_186 : memref<1000064x64xf32, #tpu.memory_space<hbm>>) dst(%dma_wait3A_180 : memref<128x64xf32, #tpu.memory_space<vmem>>)
        %mul3A_189 = arith.constant 512 : i32
        %mul3A_190 = arith.muli %add3A_116, %mul3A_189 : i32
        %add3A_191 = arith.addi %mul3A_2, %mul3A_190 : i32
        %multiple_of3A_192 = tpu.assume_multiple %add3A_191, 512 : i32
        %dma_start3A_193 = arith.constant 1 : i32
        %dma_start3A_194 = arith.constant 1 : i32
        %dma_start3A_195 = arith.constant 0 : i32
        %dma_start3A_196 = arith.constant 0 : i32
        %dma_start3A_197 = tpu.memref_slice %arg6[%dma_start3A_193, %dma_start3A_195, %dma_start3A_196] : memref<2x512x64xf32, #tpu.memory_space<vmem>> -> memref<1x512x64xf32, #tpu.memory_space<vmem>>
        %dma_start3A_198 = tpu.memref_squeeze %dma_start3A_197 : memref<1x512x64xf32, #tpu.memory_space<vmem>> -> memref<512x64xf32, #tpu.memory_space<vmem>>
        %dma_start3A_199 = arith.constant 0 : i32
        %dma_start3A_200 = tpu.memref_slice %arg4[%multiple_of3A_192, %dma_start3A_199] : memref<819200x64xf32, #tpu.memory_space<hbm>> -> memref<512x64xf32, #tpu.memory_space<hbm>>
        %dma_start3A_201 = tpu.memref_slice %arg8[%dma_start3A_194] : memref<2x!tpu.dma_semaphore, #tpu.memory_space<semaphore_mem>> -> memref<1x!tpu.dma_semaphore, #tpu.memory_space<semaphore_mem>>
        %dma_start3A_202 = tpu.memref_squeeze %dma_start3A_201 : memref<1x!tpu.dma_semaphore, #tpu.memory_space<semaphore_mem>> -> memref<!tpu.dma_semaphore, #tpu.memory_space<semaphore_mem>>
        %dma_start3A_203 = arith.constant 0 : i32
        %dma_start3A_204 = tpu.memref_slice %arg4[%multiple_of3A_192, %dma_start3A_203] : memref<819200x64xf32, #tpu.memory_space<hbm>> -> memref<512x64xf32, #tpu.memory_space<hbm>>
        %dma_start3A_205 = arith.constant 0 : i32
        %dma_start3A_206 = arith.constant 0 : i32
        %dma_start3A_207 = tpu.memref_slice %arg6[%dma_start3A_193, %dma_start3A_205, %dma_start3A_206] : memref<2x512x64xf32, #tpu.memory_space<vmem>> -> memref<1x512x64xf32, #tpu.memory_space<vmem>>
        %dma_start3A_208 = tpu.memref_squeeze %dma_start3A_207 : memref<1x512x64xf32, #tpu.memory_space<vmem>> -> memref<512x64xf32, #tpu.memory_space<vmem>>
        tpu.enqueue_dma source(%dma_start3A_208 : memref<512x64xf32, #tpu.memory_space<vmem>>) target(%dma_start3A_204 : memref<512x64xf32, #tpu.memory_space<hbm>>) target_semaphore(%dma_start3A_202 : memref<!tpu.dma_semaphore, #tpu.memory_space<semaphore_mem>>)
      } else {
      }
    }
    %scan3A_68 = arith.constant 26 : i32
    %add3A_69 = arith.constant 0 : i32
    %add3A_70 = arith.addi %mul3A_2, %add3A_69 : i32
    %multiple_of3A_71 = tpu.assume_multiple %add3A_70, 512 : i32
    %dma_wait3A = arith.constant 0 : i32
    %dma_wait3A_72 = arith.constant 0 : i32
    %dma_wait3A_73 = arith.constant 0 : i32
    %dma_wait3A_74 = arith.constant 0 : i32
    %dma_wait3A_75 = tpu.memref_slice %arg6[%dma_wait3A, %dma_wait3A_73, %dma_wait3A_74] : memref<2x512x64xf32, #tpu.memory_space<vmem>> -> memref<1x512x64xf32, #tpu.memory_space<vmem>>
    %dma_wait3A_76 = tpu.memref_squeeze %dma_wait3A_75 : memref<1x512x64xf32, #tpu.memory_space<vmem>> -> memref<512x64xf32, #tpu.memory_space<vmem>>
    %dma_wait3A_77 = arith.constant 0 : i32
    %dma_wait3A_78 = tpu.memref_slice %arg4[%multiple_of3A_71, %dma_wait3A_77] : memref<819200x64xf32, #tpu.memory_space<hbm>> -> memref<512x64xf32, #tpu.memory_space<hbm>>
    %dma_wait3A_79 = tpu.memref_slice %arg8[%dma_wait3A_72] : memref<2x!tpu.dma_semaphore, #tpu.memory_space<semaphore_mem>> -> memref<1x!tpu.dma_semaphore, #tpu.memory_space<semaphore_mem>>
    %dma_wait3A_80 = tpu.memref_squeeze %dma_wait3A_79 : memref<1x!tpu.dma_semaphore, #tpu.memory_space<semaphore_mem>> -> memref<!tpu.dma_semaphore, #tpu.memory_space<semaphore_mem>>
    %dma_wait3A_81 = arith.constant 0 : i32
    %dma_wait3A_82 = tpu.memref_slice %arg4[%multiple_of3A_71, %dma_wait3A_81] : memref<819200x64xf32, #tpu.memory_space<hbm>> -> memref<512x64xf32, #tpu.memory_space<hbm>>
    %dma_wait3A_83 = arith.constant 0 : i32
    %dma_wait3A_84 = arith.constant 0 : i32
    %dma_wait3A_85 = tpu.memref_slice %arg6[%dma_wait3A, %dma_wait3A_83, %dma_wait3A_84] : memref<2x512x64xf32, #tpu.memory_space<vmem>> -> memref<1x512x64xf32, #tpu.memory_space<vmem>>
    %dma_wait3A_86 = tpu.memref_squeeze %dma_wait3A_85 : memref<1x512x64xf32, #tpu.memory_space<vmem>> -> memref<512x64xf32, #tpu.memory_space<vmem>>
    tpu.wait_dma2 semaphore(%dma_wait3A_80 : memref<!tpu.dma_semaphore, #tpu.memory_space<semaphore_mem>>) src(%dma_wait3A_86 : memref<512x64xf32, #tpu.memory_space<vmem>>) dst(%dma_wait3A_82 : memref<512x64xf32, #tpu.memory_space<hbm>>)
    %add3A_87 = arith.constant 0 : i32
    %add3A_88 = arith.addi %mul3A_2, %add3A_87 : i32
    %multiple_of3A_89 = tpu.assume_multiple %add3A_88, 512 : i32
    %dma_wait3A_90 = arith.constant 1 : i32
    %dma_wait3A_91 = arith.constant 1 : i32
    %dma_wait3A_92 = arith.constant 0 : i32
    %dma_wait3A_93 = arith.constant 0 : i32
    %dma_wait3A_94 = tpu.memref_slice %arg6[%dma_wait3A_90, %dma_wait3A_92, %dma_wait3A_93] : memref<2x512x64xf32, #tpu.memory_space<vmem>> -> memref<1x512x64xf32, #tpu.memory_space<vmem>>
    %dma_wait3A_95 = tpu.memref_squeeze %dma_wait3A_94 : memref<1x512x64xf32, #tpu.memory_space<vmem>> -> memref<512x64xf32, #tpu.memory_space<vmem>>
    %dma_wait3A_96 = arith.constant 0 : i32
    %dma_wait3A_97 = tpu.memref_slice %arg4[%multiple_of3A_89, %dma_wait3A_96] : memref<819200x64xf32, #tpu.memory_space<hbm>> -> memref<512x64xf32, #tpu.memory_space<hbm>>
    %dma_wait3A_98 = tpu.memref_slice %arg8[%dma_wait3A_91] : memref<2x!tpu.dma_semaphore, #tpu.memory_space<semaphore_mem>> -> memref<1x!tpu.dma_semaphore, #tpu.memory_space<semaphore_mem>>
    %dma_wait3A_99 = tpu.memref_squeeze %dma_wait3A_98 : memref<1x!tpu.dma_semaphore, #tpu.memory_space<semaphore_mem>> -> memref<!tpu.dma_semaphore, #tpu.memory_space<semaphore_mem>>
    %dma_wait3A_100 = arith.constant 0 : i32
    %dma_wait3A_101 = tpu.memref_slice %arg4[%multiple_of3A_89, %dma_wait3A_100] : memref<819200x64xf32, #tpu.memory_space<hbm>> -> memref<512x64xf32, #tpu.memory_space<hbm>>
    %dma_wait3A_102 = arith.constant 0 : i32
    %dma_wait3A_103 = arith.constant 0 : i32
    %dma_wait3A_104 = tpu.memref_slice %arg6[%dma_wait3A_90, %dma_wait3A_102, %dma_wait3A_103] : memref<2x512x64xf32, #tpu.memory_space<vmem>> -> memref<1x512x64xf32, #tpu.memory_space<vmem>>
    %dma_wait3A_105 = tpu.memref_squeeze %dma_wait3A_104 : memref<1x512x64xf32, #tpu.memory_space<vmem>> -> memref<512x64xf32, #tpu.memory_space<vmem>>
    tpu.wait_dma2 semaphore(%dma_wait3A_99 : memref<!tpu.dma_semaphore, #tpu.memory_space<semaphore_mem>>) src(%dma_wait3A_105 : memref<512x64xf32, #tpu.memory_space<vmem>>) dst(%dma_wait3A_101 : memref<512x64xf32, #tpu.memory_space<hbm>>)
    return
  }
}

module attributes {stable_mosaic.version = 14 : i64} {
  func.func @body(%arg0: i32, %arg1: memref<2048x128xf32, #tpu.memory_space<vmem>>, %arg2: memref<64x1xf32, #tpu.memory_space<vmem>>, %arg3: memref<64x1xf32, #tpu.memory_space<vmem>>, %arg4: memref<1x64x4096xf32, #tpu.memory_space<vmem>>) attributes {dimension_semantics = [#tpu.dimension_semantics<arbitrary>], iteration_bounds = array<i64: 200>, scalar_prefetch = 0 : i64, scratch_operands = 0 : i64, tpu.core_type = #tpu.core_type<tc>, window_params = [{transform_indices = @transform_0, window_bounds = array<i64: 2048, 128>}, {pipeline_mode = #tpu.pipeline_mode<synchronous>, transform_indices = @transform_1, window_bounds = array<i64: 64, 1>}, {pipeline_mode = #tpu.pipeline_mode<synchronous>, transform_indices = @transform_2, window_bounds = array<i64: 64, 1>}, {transform_indices = @transform_3, window_bounds = array<i64: 1, 64, 4096>}]} {
    %get3A = arith.constant 0 : index
    %get3A_0 = arith.constant 0 : index
    %get3A_1 = vector.load %arg1[%get3A, %get3A_0] : memref<2048x128xf32, #tpu.memory_space<vmem>>, vector<2048x128xf32>
    %transpose3A = tpu.transpose %get3A_1, [1, 0] : vector<2048x128xf32> -> vector<128x2048xf32>
    %slice3A = vector.extract_strided_slice %transpose3A {offsets = [0, 0], sizes = [64, 2048], strides = [1, 1]} : vector<128x2048xf32> to vector<64x2048xf32>
    %slice3A_2 = vector.extract_strided_slice %transpose3A {offsets = [64, 0], sizes = [64, 2048], strides = [1, 1]} : vector<128x2048xf32> to vector<64x2048xf32>
    %concatenate3A = tpu.concatenate %slice3A, %slice3A_2 in 1 : vector<64x2048xf32>, vector<64x2048xf32> -> vector<64x4096xf32>
    %reduce_sum3A = arith.constant dense<0.000000e+00> : vector<4096xf32>
    %reduce_sum3A_3 = vector.multi_reduction <add>, %concatenate3A, %reduce_sum3A [0] : vector<64x4096xf32> to vector<4096xf32>
    %broadcast_in_dim3A = vector.shape_cast %reduce_sum3A_3 : vector<4096xf32> to vector<1x4096xf32>
    %div3A = arith.constant 6.400000e+01 : f32
    %div3A_4 = vector.broadcast %div3A : f32 to vector<1x4096xf32>
    %div3A_5 = arith.divf %broadcast_in_dim3A, %div3A_4 : vector<1x4096xf32>
    %sub3A = vector.broadcast %div3A_5 : vector<1x4096xf32> to vector<64x4096xf32>
    %sub3A_6 = arith.subf %concatenate3A, %sub3A : vector<64x4096xf32>
    %mul3A = arith.mulf %sub3A_6, %sub3A_6 : vector<64x4096xf32>
    %reduce_sum3A_7 = arith.constant dense<0.000000e+00> : vector<4096xf32>
    %reduce_sum3A_8 = vector.multi_reduction <add>, %mul3A, %reduce_sum3A_7 [0] : vector<64x4096xf32> to vector<4096xf32>
    %broadcast_in_dim3A_9 = vector.shape_cast %reduce_sum3A_8 : vector<4096xf32> to vector<1x4096xf32>
    %div3A_10 = arith.constant 6.400000e+01 : f32
    %div3A_11 = vector.broadcast %div3A_10 : f32 to vector<1x4096xf32>
    %div3A_12 = arith.divf %broadcast_in_dim3A_9, %div3A_11 : vector<1x4096xf32>
    %add3A = arith.constant 9.99999974E-6 : f32
    %add3A_13 = vector.broadcast %add3A : f32 to vector<1x4096xf32>
    %add3A_14 = arith.addf %div3A_12, %add3A_13 : vector<1x4096xf32>
    %rsqrt3A = math.rsqrt %add3A_14 : vector<1x4096xf32>
    %mul3A_15 = vector.broadcast %rsqrt3A : vector<1x4096xf32> to vector<64x4096xf32>
    %mul3A_16 = arith.mulf %sub3A_6, %mul3A_15 : vector<64x4096xf32>
    %get3A_17 = arith.constant 0 : index
    %get3A_18 = arith.constant 0 : index
    %get3A_19 = vector.load %arg2[%get3A_17, %get3A_18] : memref<64x1xf32, #tpu.memory_space<vmem>>, vector<64x1xf32>
    %mul3A_20 = vector.broadcast %get3A_19 : vector<64x1xf32> to vector<64x4096xf32>
    %mul3A_21 = arith.mulf %mul3A_16, %mul3A_20 : vector<64x4096xf32>
    %get3A_22 = arith.constant 0 : index
    %get3A_23 = arith.constant 0 : index
    %get3A_24 = vector.load %arg3[%get3A_22, %get3A_23] : memref<64x1xf32, #tpu.memory_space<vmem>>, vector<64x1xf32>
    %add3A_25 = vector.broadcast %get3A_24 : vector<64x1xf32> to vector<64x4096xf32>
    %add3A_26 = arith.addf %mul3A_21, %add3A_25 : vector<64x4096xf32>
    %broadcast_in_dim3A_27 = vector.shape_cast %add3A_26 : vector<64x4096xf32> to vector<1x64x4096xf32>
    %swap3A = arith.constant 0 : index
    %swap3A_28 = arith.constant 0 : index
    %swap3A_29 = arith.constant 0 : index
    %swap3A_30 = vector.load %arg4[%swap3A, %swap3A_28, %swap3A_29] : memref<1x64x4096xf32, #tpu.memory_space<vmem>>, vector<1x64x4096xf32>
    tpu.vector_store %arg4[%swap3A, %swap3A_28, %swap3A_29], %broadcast_in_dim3A_27 {strides = array<i32>} : memref<1x64x4096xf32, #tpu.memory_space<vmem>>, vector<1x64x4096xf32>,
    return
  }
  func.func @transform_0(%arg0: i32) -> (i32, i32) {
    %c0_i32 = arith.constant 0 : i32
    %c0_i32_0 = arith.constant 0 : i32
    return %arg0, %c0_i32 : i32, i32
  }
  func.func @transform_1(%arg0: i32) -> (i32, i32) {
    %c0_i32 = arith.constant 0 : i32
    %c0_i32_0 = arith.constant 0 : i32
    %c0_i32_1 = arith.constant 0 : i32
    return %c0_i32, %c0_i32_0 : i32, i32
  }
  func.func @transform_2(%arg0: i32) -> (i32, i32) {
    %c0_i32 = arith.constant 0 : i32
    %c0_i32_0 = arith.constant 0 : i32
    %c0_i32_1 = arith.constant 0 : i32
    return %c0_i32, %c0_i32_0 : i32, i32
  }
  func.func @transform_3(%arg0: i32) -> (i32, i32, i32) {
    %c0_i32 = arith.constant 0 : i32
    %c0_i32_0 = arith.constant 0 : i32
    %c0_i32_1 = arith.constant 0 : i32
    return %arg0, %c0_i32, %c0_i32_0 : i32, i32, i32
  }
}

</mosaic_0001>

<sc_bundles>
// kernel: kernel.5.cloned.1.call-start
scs
__scs_entry_jumppad:
0x0: {  	(pc) =	sbr.rel $0x88, $3  }
0x1: {  	(tag) =	ssettag $0x0;
	lr =	simm.s32 $0x1  }
0x2: {  	[smem:$0x3F9D] =	sst lr;
	_ =	strace $0xD0000000  }
0x3: {  	_ = 	snop  }
0x4: {  	_ = 	snop  }
0x5: {  	_ = 	snop  }
0x6: {  	_ = 	snop  }
0x7: {  	_ = 	snop  }
__scs_overlays_trampoline_lowered:
0x8: {  	[smem:$0x3FAC] =	sst s0  }
0x9: {  	[smem:$0x3FAD] =	sst s1  }
0xa: {  	[smem:$0x3FAE] =	sst s2  }
0xb: {  	[smem:$0x3FAF] =	sst s3  }
0xc: {  	[smem:$0x3FB0] =	sst s4  }
0xd: {  	[smem:$0x3FB1] =	sst s5  }
0xe: {  	[smem:$0x3FB2] =	sst s6  }
0xf: {  	[smem:$0x3FB3] =	sst s7  }
0x10: {  	[smem:$0x3FB4] =	sst s8  }
0x11: {  	[smem:$0x3FB5] =	sst s9;
	s0 =	simm.s32 @!p0 $0x0  }
0x12: {  	s1 =	sld [smem:$0x3F9B];
	s0 =	simm.s32 @p0 $0x1  }
0x13: {  	[smem:$0x3FB6] =	sst s0;
	s0 =	simm.s32 @!p1 $0x0  }
0x14: {  	s2 =	sld [smem:$0x3F9A];
	s0 =	simm.s32 @p1 $0x1  }
0x15: {  	[smem:$0x3FB7] =	sst s0;
	s0 =	simm.s32 @!p2 $0x0  }
0x16: {  	s3 =	sld [smem:$0x3FDB];
	s0 =	simm.s32 @p2 $0x1  }
0x17: {  	s4 =	simm.s32 $0x1BF5;
	[smem:$0x3FB9] =	sst s0  }
0x18: {  	s0 =	sld [smem:$0x3F9C];
	_ =	swait.ge [sflag:s4], $0x0  }
0x19: {  	s7 =	sld [smem:$0x3F9D]  }
0x1a: {  	s8 =	sadd.s32 $0xFFFFE003, lr  }
0x1b: {  	s9 =	sadd.s32 $0xFFFFFEF7, lr;
	s5 =	simm.s32 $0xFFFFFFFF;
	p2 =	slt.u32 s8, $0xFFFFF086  }
0x1c: {  	p1 =	slt.u32 s9, $0xF7A;
	s5 =	simm.s32 @!p2 $0x0  }
0x1d: {  	s5 =	simm.s32 @p1 $0x1;
	p0 =	seq.s32 s7, s2  }
0x1e: {  	s7 =	smul.u32 @!p0 $0xF7A, s2;
	p2 =	seq.s32 @!p0 s5, $0x0  }
0x1f: {  	s9 =	smul.u32 $0xF7A, s1;
	s8 =	simm.s32 @!p0 $0x1BF5;
	p2 =	por !p2, p0  }
0x20: {  	[sflag:s8] =	ssyncset.s32 @!p0 $0xFFFFF086;
	s6 =	sadd.s32 @!p0 s3, s7;
	s7 =	simm.s32 @!p0 $0x108  }
0x21: {  	s3 =	sadd.s32 s3, s9;
	s6 =	sadd.s32 @!p0 $0x88, s6;
	s7 =	simm.s32 @p2 $0x1082  }
0x22: {  	[simem:s7], [sflag:s8] =	dma.local @!p0 [hbm:s6], $0xF7A  }
0x23: {  	s9 =	sor.u32 $0xD0000000, s2;
	s6 =	simm.s32 $0x108;
	_ =	swait.ge @!p0 [sflag:s8], $0x0  }
0x24: {  	s3 =	sadd.s32 $0x88, s3;
	s6 =	simm.s32 @!p1 $0x1082;
	[sflag:s4] =	ssyncset.s32 $0xFFFFF086  }
0x25: {  	[simem:s6], [sflag:s4] =	dma.local [hbm:s3], $0xF7A  }
0x26: {  	[smem:$0x3F9D] =	sst s1;
	(tag) =	ssettag s2;
	_ =	strace s9  }
0x27: {  	s1 =	sld [smem:$0x3FAD]  }
0x28: {  	s2 =	sld [smem:$0x3FAE]  }
0x29: {  	s4 =	sld [smem:$0x3FB0]  }
0x2a: {  	p0 =	seq.s32 s5, $0x0;
	s5 =	sld [smem:$0x3FB1]  }
0x2b: {  	s6 =	sld [smem:$0x3FB2]  }
0x2c: {  	s7 =	sld [smem:$0x3FB3]  }
0x2d: {  	s3 =	simm.s32 $0x108;
	s8 =	sld [smem:$0x3FB4]  }
0x2e: {  	s3 =	simm.s32 @!p0 $0x1082;
	s9 =	sld [smem:$0x3FB5]  }
0x2f: {  	lr =	sadd.s32 s0, s3;
	s0 =	sld [smem:$0x3FAC]  }
0x30: {  	s3 =	sld [smem:$0x3FAF]  }
0x31: {  	[smem:$0x3FB8] =	sst s10  }
0x32: {  	s10 =	sld [smem:$0x3FB6];
	_ =	sdelay $0x3  }
0x33: {  	p0 =	seq.s32 s10, $0x1;
	s10 =	sld [smem:$0x3FB8];
	_ =	sdelay $0x3  }
0x34: {  	[smem:$0x3FB8] =	sst s10  }
0x35: {  	s10 =	sld [smem:$0x3FB7];
	_ =	sdelay $0x3  }
0x36: {  	p1 =	seq.s32 s10, $0x1;
	s10 =	sld [smem:$0x3FB8];
	_ =	sdelay $0x3  }
0x37: {  	[smem:$0x3FB8] =	sst s10  }
0x38: {  	s10 =	sld [smem:$0x3FB9]  }
0x39: {  	_ = 	snop;
	(pc) =	sbr.ind lr, $3  }
0x3a: {  	_ = 	snop  }
0x3b: {  	_ = 	snop  }
0x3c: {  	p2 =	seq.s32 s10, $0x1;
	s10 =	sld [smem:$0x3FB8]  }
0x3d: {  	_ =	shalt  }
0x3e: {  	_ =	shalt  }
0x3f: {  	_ =	shalt  }
0x40: {  	_ =	shalt  }
0x41: {  	_ =	shalt  }
0x42: {  	_ =	shalt  }
0x43: {  	_ =	shalt  }
0x44: {  	_ =	shalt  }
0x45: {  	_ =	shalt  }
0x46: {  	_ =	shalt  }
0x47: {  	_ =	shalt  }
0x48: {  	_ =	shalt  }
0x49: {  	_ =	shalt  }
0x4a: {  	_ =	shalt  }
0x4b: {  	_ =	shalt  }
0x4c: {  	_ =	shalt  }
0x4d: {  	_ =	shalt  }
0x4e: {  	_ =	shalt  }
0x4f: {  	_ =	shalt  }
0x50: {  	_ =	shalt  }
0x51: {  	_ =	shalt  }
0x52: {  	_ =	shalt  }
0x53: {  	_ =	shalt  }
0x54: {  	_ =	shalt  }
0x55: {  	_ =	shalt  }
0x56: {  	_ =	shalt  }
0x57: {  	_ =	shalt  }
0x58: {  	_ =	shalt  }
0x59: {  	_ =	shalt  }
0x5a: {  	_ =	shalt  }
0x5b: {  	_ =	shalt  }
0x5c: {  	_ =	shalt  }
0x5d: {  	_ =	shalt  }
0x5e: {  	_ =	shalt  }
0x5f: {  	_ =	shalt  }
0x60: {  	_ =	shalt  }
0x61: {  	_ =	shalt  }
0x62: {  	_ =	shalt  }
0x63: {  	_ =	shalt  }
0x64: {  	_ =	shalt  }
0x65: {  	_ =	shalt  }
0x66: {  	_ =	shalt  }
0x67: {  	_ =	shalt  }
0x68: {  	_ =	shalt  }
0x69: {  	_ =	shalt  }
0x6a: {  	_ =	shalt  }
0x6b: {  	_ =	shalt  }
0x6c: {  	_ =	shalt  }
0x6d: {  	_ =	shalt  }
0x6e: {  	_ =	shalt  }
0x6f: {  	_ =	shalt  }
0x70: {  	_ =	shalt  }
0x71: {  	_ =	shalt  }
0x72: {  	_ =	shalt  }
0x73: {  	_ =	shalt  }
0x74: {  	_ =	shalt  }
0x75: {  	_ =	shalt  }
0x76: {  	_ =	shalt  }
0x77: {  	_ =	shalt  }
0x78: {  	_ =	shalt  }
0x79: {  	_ =	shalt  }
0x7a: {  	_ =	shalt  }
0x7b: {  	_ =	shalt  }
0x7c: {  	_ =	shalt  }
0x7d: {  	_ =	shalt  }
0x7e: {  	_ =	shalt  }
0x7f: {  	_ =	shalt  }
0x80: {  	_ =	shalt  }
0x81: {  	_ =	shalt  }
0x82: {  	_ =	shalt  }
0x83: {  	_ =	shalt  }
0x84: {  	_ =	shalt  }
0x85: {  	_ =	shalt  }
0x86: {  	_ =	shalt  }
0x87: {  	_ =	shalt  }
.Lfunc_end0:
.L_simem_size_0:
called_computation_lowered:
.L_overlay_start_0:
0x88: {  	s2 =	sld [smem:$0x3FD9]  }
0x89: {  	s3 =	sld [smem:$0x3FFE];
	_ =	sdelay $0x1  }
0x8a: {  	s1 =	srdreg.scid  }
0x8b: {  	s0 =	sand.u32 $0x1, s1  }
0x8c: {  	s17 =	sshll.u32 s0, $0xA;
	s2 =	sadd.s32 s3, s2  }
0x8d: {  	s2 =	sadd.s32 s2, s17  }
0x8e: {  	[smem:$0x3FC4] =	sst s2  }
0x8f: {  	_ = 	snop  }
0x90: {  	s2 =	sld [smem:$0x3FC8];
	(tm) =	ssettm $0x1  }
0x91: {  	s18 =	sld [smem:$0x3FFB];
	_ =	sdelay $0x3  }
0x92: {  	_ =	strace s18  }
0x93: {  	s3 =	sld [smem:$0x3FFC];
	_ =	sdelay $0x3  }
0x94: {  	_ =	strace s3  }
0x95: {  	s3 =	sld [smem:$0x3FFD];
	_ =	sdelay $0x3  }
0x96: {  	_ =	strace s3  }
0x97: {  	_ =	strace $0x8FFFFFFF  }
0x98: {  	s19 =	sld [smem:$0x3FDB];
	_ =	sdelay $0x1  }
0x99: {  	s4 =	simm.s32 $_scs_section_size  }
0x9a: {  	s5 =	simm.s32 $_size__tile_overlayer_lowered;
	s6 =	simm.s32 $_tile_overlayer_lowered  }
0x9b: {  	s22 =	simm.s32 $0x1BFF;
	s21 =	sshll.u32 s6, $0x1;
	s3 =	sadd.s32 s4, s19  }
0x9c: {  	s7 =	simm.s32 $0x0;
	s20 =	sshll.u32 s5, $0x1;
	s5 =	sadd.s32 s21, s3  }
0x9d: {  	[timem:s7], [sflag:s22] =	dma.local [hbm:s5], s20  }
0x9e: {  	_ =	swait.ge [sflag:s22], s20  }
0x9f: {  	s4 =	ssub.s32 $0x0, s20;
	[sflag:s22] =	ssyncset.done $0x0  }
0xa0: {  	[sflag:s22] =	ssyncadd.s32 s4;
	_ =	sdelay $0x1  }
0xa1: {  	s23 =	simm.s32 $0x1B8B  }
0xa2: {  	_ =	swait.ge [sflag:s23], $0x1  }
0xa3: {  	[sflag:s23] =	ssyncset.done $0x0  }
0xa4: {  	s25 =	simm.s32 $0x1B8E;
	s24 =	sld [smem:$0x3FFE];
	[sflag:s23] =	ssyncadd.s32 $0xFFFFFFFF  }
0xa5: {  	s26 =	simm.s32 $execute0_lowered;
	[smem:$0x3FD2] =	sst s25  }
0xa6: {  	s5 =	sshll.u32 s26, $0x1;
	_ =	strace $0x80000046;
	[dreg:$0x1] =	wrdreg $0xFFFFFFFF  }
0xa7: {  	s28 =	simm.s32 $_size_execute0_lowered;
	s3 =	sadd.s32 s3, s5;
	[dreg:$0x0] =	wrdreg $0x0  }
0xa8: {  	s5 =	sshll.u32 s28, $0x1;
	[dreg:$0x2] =	wrdreg s3  }
0xa9: {  	[dreg:$0x3] =	wrdreg s5  }
0xaa: {  	[dreg:$0x4] =	wrdreg $0xC0  }
0xab: {  	_ =	task [dreg:s7], $0x5FFFF  }
0xac: {  	[dreg:$0x1] =	wrdreg $0xFFFFFFFF  }
0xad: {  	[dreg:$0x0] =	wrdreg $0x60  }
0xae: {  	[dreg:$0x2] =	wrdreg s2  }
0xaf: {  	[dreg:$0x3] =	wrdreg s24  }
0xb0: {  	[dreg:$0x4] =	wrdreg $0x9  }
0xb1: {  	_ =	task.clear_ibuf [dreg:s7], $0x5FFFF;
	_ =	strace $0x90000046  }
0xb2: {  	s29 =	simm.s32 $0x9;
	_ =	strace $0x80000048  }
0xb3: {  	_ =	swait.ge [sflag:s29], $0x1  }
0xb4: {  	[sflag:s29] =	ssyncadd.s32 $0xFFFFFFFF  }
0xb5: {  	_ =	strace $0x90000048  }
0xb6: {  	_ =	sfence  }
0xb7: {  	s30 =	sld [smem:$0x0];
	_ =	sdelay $0x2  }
0xb8: {  	s31 =	sshll.u32 s1, $0xD;
	s1 =	sshrl.u32 s1, $0x2  }
0xb9: {  	s3 =	sand.u32 $0x4000, s31;
	s1 =	sadd.s32 s1, s30  }
0xba: {  	s0 =	sor.u32 s3, s0;
	s1 =	sshll.u32 s1, $0x11  }
0xbb: {  	s0 =	sor.u32 s1, s0  }
0xbc: {  	s0 =	sadd.s32 $0x8F2B, s0  }
0xbd: {  	[sflag:s0] =	ssyncadd.remote.s32 $0x1  }
0xbe: {  	_ =	sfence.sel $0xFFFF  }
0xbf: {  	[dreg:$0x0] =	wrdreg $0xFFFFFFFF;
	(pc) =	sbr.abs _section_cstart, $3  }
0xc0: {  	[dreg:$0x1] =	wrdreg $0xFFFFFFFF  }
0xc1: {  	_ =	task.clear_ibuf [dreg:s7], $0x2FFFF;
	_ =	strace $0x9FFFFFFF  }
0xc2: {  	(tm) =	ssettm $0x7FFFFFFF  }
0xc3: {  	_ =	shalt  }
tec
execute0_lowered:
.L_overlay_start_1:
0x0: {  	(tag) =	ssettag $0x1  }
0x1: {  	v1 =	vimm.s32 $0x4B0A4908;
	v58 =	vlaneseq.u32  }
0x2: {  	v3 =	vimm.s32 $0x43024100;
	v4 =	vimm.s32 $0x47064504;
	vm0 =	vcmask $0x1F10  }
0x3: {  	v6 =	vimm.s32 $0x5B1A5918;
	v7 =	vimm.s32 $0x57165514;
	v8 =	vimm.s32 $0x63226120  }
0x4: {  	v9 =	vimm.s32 $0x67266524;
	v10 =	vimm.s32 $0x7B3A7938;
	v11 =	vimm.s32 $0x7F3E7D3C  }
0x5: {  	v12 =	vimm.s32 $0x3420140;
	v13 =	vimm.s32 $0x7460544;
	v14 =	vimm.s32 $0x27662564  }
0x6: {  	v15 =	vimm.s32 $0x3B7A3978;
	v16 =	vimm.s32 $0x3F7E3D7C;
	v17 =	vimm.s32 $0x33723170  }
0x7: {  	v18 =	vimm.s32 $0x37763574;
	v2 =	vunpack.c.0.s8.s32 v1;
	v1 =	vimm.s32 $0x4F0E4D0C  }
0x8: {  	v3 =	vunpack.c.0.s8.s32 v3;
	v4 =	vunpack.c.0.s8.s32 v4;
	v7 =	vunpack.c.0.s8.s32 v7  }
0x9: {  	v8 =	vunpack.c.0.s8.s32 v8;
	v9 =	vunpack.c.0.s8.s32 v9;
	v5 =	vunpack.c.0.s8.s32 v1  }
0xa: {  	v10 =	vunpack.c.0.s8.s32 v10;
	v11 =	vunpack.c.0.s8.s32 v11;
	v14 =	vunpack.c.0.s8.s32 v14  }
0xb: {  	v3 =	vsel vm0, v4, v3;
	v2 =	vsel vm0, v5, v2;
	v5 =	vimm.s32 $0x5F1E5D1C  }
0xc: {  	v4 =	vunpack.c.0.s8.s32 v6;
	v6 =	vimm.s32 $0x53125110;
	v5 =	vunpack.c.0.s8.s32 v5  }
0xd: {  	s1 =	srdreg.scid;
	v15 =	vunpack.c.0.s8.s32 v15;
	v16 =	vunpack.c.0.s8.s32 v16;
	v6 =	vunpack.c.0.s8.s32 v6  }
0xe: {  	s0 =	stileid.u32;
	s6 =	rddreg [dreg:$0x1];
	s3 =	simm.s32 $0x0;
	v17 =	vunpack.c.0.s8.s32 v17;
	v18 =	vunpack.c.0.s8.s32 v18;
	v4 =	vsel vm0, v5, v4  }
0xf: {  	s14 =	simm.s32 $0x2000;
	s15 =	simm.s32 $0xA000;
	s16 =	simm.s32 $0x3;
	v5 =	vsel vm0, v7, v6;
	v6 =	vimm.s32 $0x6B2A6928;
	v7 =	vimm.s32 $0x6F2E6D2C  }
0x10: {  	s17 =	simm.s32 $0x4000;
	s4 =	sand.u32 $0x1, s1;
	s2 =	sshll.u32 s0, $0x1;
	v59 =	vadd.s32 $0x1, v58;
	v6 =	vunpack.c.0.s8.s32 v6;
	v7 =	vunpack.c.0.s8.s32 v7  }
0x11: {  	s18 =	simm.s32 $0xC000;
	s19 =	simm.s32 $0x4;
	v60 =	vadd.s32 $0x2, v58;
	v61 =	vadd.s32 $0x3, v58;
	v62 =	vadd.s32 $0x4, v58;
	s2 =	sor.u32 s4, s2  }
0x12: {  	s20 =	simm.s32 $0x6000;
	s1 =	rddreg [dreg:$0x0];
	v63 =	vadd.s32 $0x5, v58;
	v55 =	vadd.s32 $0x6, v58;
	s7 =	smul.u32 $0x1E85, s2;
	v6 =	vsel vm0, v7, v6  }
0x13: {  	s21 =	simm.s32 $0xE000;
	s22 =	simm.s32 $0x0;
	[smem:$0x7FF] =	sst s3;
	v7 =	vsel vm0, v9, v8;
	v8 =	vimm.s32 $0x73327130;
	v9 =	vimm.s32 $0x77367534  }
0x14: {  	s6 =	sadd.s32 $0xE00, s6;
	s8 =	ssub.s32 $0x2, s4;
	s5 =	sadd.s32 $0x1E85, s7;
	v6 =	vcombine.low v7, v6;
	v7 =	vsel vm0, v11, v10;
	v8 =	vunpack.c.0.s8.s32 v8  }
0x15: {  	s2 =	rddreg [dreg:$0x2];
	s4 =	sshrl.u32 s7, $0x5;
	s5 =	sshrl.u32 s5, $0x5;
	v10 =	vimm.s32 $0xB4A0948;
	v9 =	vunpack.c.0.s8.s32 v9;
	v11 =	vimm.s32 $0xF4E0D4C  }
0x16: {  	v1 =	vmul.u32 $0x80, v58;
	_ =	strace $0x80000047;
	s9 =	sshrl.u32 s8, $0x1;
	s11 =	ssub.s32 s5, s4;
	v10 =	vunpack.c.0.s8.s32 v10;
	v11 =	vunpack.c.0.s8.s32 v11  }
0x17: {  	s10 =	ssub.s32 s8, s9;
	s7 =	sshll.u32 s7, $0x2;
	p0 =	slt.s32 s11, $0x1;
	v8 =	vsel vm0, v9, v8;
	v9 =	vunpack.c.0.s8.s32 v12;
	v12 =	vunpack.c.0.s8.s32 v13  }
0x18: {  	s10 =	smax.u32 s10, $0x1;
	s12 =	sadd.s32 $0x1, s4;
	p1 =	seq.s32 @!p0 s11, $0x1;
	v13 =	vimm.s32 $0x17561554;
	v7 =	vcombine.low v8, v7;
	v8 =	vsel vm0, v11, v10  }
0x19: {  	s7 =	sand.u32 $0xFFF80, s7;
	s13 =	sadd.s32 $0x2, s4;
	p5 =	por p1, p0;
	v10 =	vimm.s32 $0x1B5A1958;
	v11 =	vimm.s32 $0x1F5E1D5C;
	v9 =	vsel vm0, v12, v9  }
0x1a: {  	s30 =	sshll.u32 s12, $0x7;
	s7 =	sadd.s32 s1, s7;
	p3 =	slt.u32 @!p5 s11, $0x3;
	v10 =	vunpack.c.0.s8.s32 v10;
	v11 =	vunpack.c.0.s8.s32 v11;
	v12 =	vimm.s32 $0x13521150  }
0x1b: {  	s31 =	sshll.u32 s13, $0x7;
	p6 =	sle.u32 s5, s4;
	p2 =	por @!p0 p3, p1;
	v8 =	vcombine.low v9, v8;
	v9 =	vunpack.c.0.s8.s32 v12;
	v12 =	vunpack.c.0.s8.s32 v13  }
0x1c: {  	s8 =	sand.u32 $0x1FFFFF80, s30;
	s9 =	sand.u32 $0x1FFFFF80, s31;
	p2 =	por p2, p0;
	v13 =	vimm.s32 $0x2F6E2D6C;
	v10 =	vsel vm0, v11, v10;
	v11 =	vimm.s32 $0x2B6A2968  }
0x1d: {  	s8 =	sadd.s32 s1, s8;
	p4 =	seq.s32 @!p2 s11, $0x3;
	s11 =	simm.s32 @!p6 $0x0;
	v9 =	vsel vm0, v12, v9;
	v12 =	vunpack.c.0.s8.s32 v13;
	v13 =	vimm.s32 $0x23622160  }
.Ltmp0:
0x1e: {  	v2 =	vcombine.low v3, v2;
	s9 =	sadd.s32 s1, s9;
	s11 =	simm.s32 @p6 $0x1;
	v11 =	vunpack.c.0.s8.s32 v11;
	v13 =	vunpack.c.0.s8.s32 v13;
	(pc) =	sbr.rel .LBB2_1-.Ltmp0, $4  }
0x1f: {  	[tilespmem:$0x1FFC0] =	vst v59;
	v3 =	vor.u32 $0x800, v1;
	v4 =	vcombine.low v5, v4;
	v5 =	vor.u32 $0x1000, v1;
	p3 =	por @!p5 p4, p3;
	p4 =	sge.u32 s12, s5;
	s12 =	simm.s32 $0x8000  }
0x20: {  	[tilespmem:$0x1FFD0] =	vst v60;
	[smem:$0x7FC] =	sst s11;
	s11 =	simm.s32 @!p5 $0x0;
	p1 =	por @!p0 p3, p1;
	v9 =	vcombine.low v9, v10;
	v12 =	vsel vm0, v12, v11;
	v13 =	vsel vm0, v14, v13  }
0x21: {  	[tilespmem:$0x1FFE0] =	vst v61;
	s11 =	simm.s32 @p5 $0x1;
	p5 =	sge.u32 s13, s5;
	s13 =	simm.s32 $0x2;
	v14 =	vsel vm0, v16, v15;
	v15 =	vsel vm0, v18, v17;
	v12 =	vcombine.low v13, v12  }
0x22: {  	v19 =	vmovc v62;
	[tilespmem:$0x1FFF0] =	vst v55;
	p6 =	por p1, p0;
	[smem:$0x7FD] =	sst s11;
	s11 =	simm.s32 $0x1;
	v10 =	vor.u32 $0x1800, v1;
	v18 =	vadd.s32 $0x7, v58;
	v16 =	vmovc v63;
	v13 =	vcombine.low v15, v14  }
.LBB2_19:
0x23: {  	s23 =	simm.s32 @!p0 $0x5  }
0x24: {  	_ =	swait.ge @!p0 [sflag:s23], $0x2000  }
0x25: {  	s31 =	sld [smem:$0x7FD];
	_ =	sdelay $0x2  }
0x26: {  	[sflag:s23] =	ssyncset.done @!p0 $0x0;
	p1 =	seq.s32 s31, $0x1  }
0x27: {  	[sflag:s23] =	ssyncadd.s32 @!p0 $0xFFFFE000;
	s23 =	simm.s32 @!p1 $0x6  }
0x28: {  	_ =	swait.ge @!p1 [sflag:s23], $0x2000  }
0x29: {  	[sflag:s23] =	ssyncset.done @!p1 $0x0  }
0x2a: {  	s22 =	sadd.s32 $0x1, s22;
	[sflag:s23] =	ssyncadd.s32 @!p1 $0xFFFFE000;
	s23 =	simm.s32 @!p2 $0x7  }
0x2b: {  	p1 =	sne.s32 s22, s10;
	_ =	swait.ge @!p2 [sflag:s23], $0x2000  }
.Ltmp1:
0x2c: {  	[sflag:s23] =	ssyncset.done @!p2 $0x0;
	(pc) =	sbr.rel @!p1 .LBB2_20-.Ltmp1, $4  }
0x2d: {  	[sflag:s23] =	ssyncadd.s32 @!p2 $0xFFFFE000;
	s23 =	simm.s32 @!p6 $0x8  }
0x2e: {  	_ =	swait.ge @!p6 [sflag:s23], $0x2000  }
0x2f: {  	[sflag:s23] =	ssyncset.done @!p6 $0x0  }
0x30: {  	[sflag:s23] =	ssyncadd.s32 @!p6 $0xFFFFE000  }
.LBB2_1:
0x31: {  	s23 =	sld [smem:$0x7FC];
	_ =	sdelay $0x2  }
0x32: {  	p1 =	seq.s32 s23, $0x1  }
0x33: {  	s23 =	simm.s32 @!p1 $0x400;
	s24 =	simm.s32 @!p1 $0x7A1400;
	s25 =	simm.s32 @!p1 $0x0  }
0x34: {  	[tilespmem:s25], [sflag:$0x1] =	stream.strided.gather @!p1 [hbm4b:s7+s23], $0x2000, s24, s23, $0x38;
	[tilespmem:$0x10000] =	vst v63  }
0x35: {  	s23 =	simm.s32 @!p4 $0x400  }
.Ltmp2:
0x36: {  	s24 =	simm.s32 @!p4 $0x7A1400;
	s25 =	simm.s32 @!p4 $0x2000;
	(pc) =	sbr.rel .LBB2_2-.Ltmp2, $4  }
0x37: {  	[tilespmem:s25], [sflag:$0x2] =	stream.strided.gather @!p4 [hbm4b:s8+s23], $0x2000, s24, s23, $0x38;
	[tilespmem:$0x10000] =	vst v63  }
0x38: {  	s23 =	simm.s32 @!p5 $0x400;
	s24 =	simm.s32 @!p5 $0x7A1400;
	s25 =	simm.s32 @!p5 $0x4000  }
0x39: {  	[tilespmem:s25], [sflag:$0x3] =	stream.strided.gather @!p5 [hbm4b:s9+s23], $0x2000, s24, s23, $0x38;
	[tilespmem:$0x10000] =	vst v63  }
0x3a: {  	s23 =	simm.s32 $0x0  }
.LBB2_18:
0x3b: {  	s23 =	sadd.s32 $0x1, s23  }
0x3c: {  	p1 =	sne.s32 s23, $0x3E  }
.Ltmp3:
0x3d: {  	_ = 	snop;
	(pc) =	sbr.rel @!p1 .LBB2_19-.Ltmp3, $1  }
0x3e: {  	_ =	sdelay $0x3  }
.LBB2_2:
0x3f: {  	s24 =	sshll.u32 s23, $0x2  }
0x40: {  	s25 =	sadd.s32 s4, s24  }
0x41: {  	p1 =	sge.u32 s25, s5  }
.Ltmp4:
0x42: {  	_ = 	snop;
	(pc) =	sbr.rel @p1 .LBB2_6-.Ltmp4, $3  }
0x43: {  	_ =	sdelay $0x1  }
0x44: {  	s24 =	sadd.s32 $0x3, s25  }
0x45: {  	p3 =	sge.u32 s24, s5  }
0x46: {  	v21 =	vimm.s32 $0x0  }
0x47: {  	v20 =	vadd.s32 v58, v21;
	v23 =	vadd.s32 v55, v21  }
0x48: {  	s26 =	sshll.u32 @!p3 s24, $0x7;
	s28 =	simm.s32 @!p3 $0x400;
	v22 =	vadd.s32 v61, v21;
	v24 =	vadd.s32 v18, v21;
	v25 =	vadd.s32 v62, v21  }
0x49: {  	s29 =	simm.s32 @!p3 $0x7A1400;
	s30 =	simm.s32 @!p3 $0x6000;
	s26 =	sadd.s32 @!p3 s1, s26;
	v26 =	vadd.s32 v63, v21;
	v27 =	vadd.s32 v59, v21;
	v28 =	vadd.s32 v60, v21  }
0x4a: {  	v30 =	vand.u32 $0x7F, v20;
	v20 =	vshll.u32 v20, $0x6;
	[tilespmem:s30], [sflag:$0x4] =	stream.strided.gather @!p3 [hbm4b:s26+s28], $0x2000, s29, s28, $0x38;
	v31 =	vand.u32 $0x7F, v24;
	[tilespmem:$0x10000] =	vst v63  }
0x4b: {  	v32 =	vand.u32 $0x7F, v27;
	v29 =	vshll.u32 v28, $0x6;
	v34 =	vand.u32 $0x7F, v22;
	_ =	swait.ge [sflag:s11], $0x2000  }
0x4c: {  	p1 =	seq.s32 s23, $0x0;
	v38 =	vand.u32 $0x7F, v25;
	v25 =	vshll.u32 v25, $0x6;
	v33 =	vor.u32 v1, v31;
	[sflag:s11] =	ssyncset.done $0x0  }
0x4d: {  	s26 =	simm.s32 @!p1 $0x5;
	v45 =	vand.u32 $0x7F, v28;
	v43 =	vand.u32 $0x7F, v23;
	v39 =	vor.u32 v1, v38;
	[sflag:s11] =	ssyncadd.s32 $0xFFFFE000  }
0x4e: {  	v24 =	vshll.u32 v24, $0x6;
	v22 =	vshll.u32 v22, $0x6;
	v35 =	vor.u32 v1, v32;
	_ =	swait.ge @!p1 [sflag:s26], $0x2000  }
0x4f: {  	v23 =	vshll.u32 v23, $0x6;
	v36 =	vor.u32 v1, v34;
	v37 =	vor.u32 v1, v30;
	[sflag:s26] =	ssyncset.done @!p1 $0x0  }
0x50: {  	v28 =	vor.u32 v1, v45;
	v51 =	vand.u32 $0x1F80, v24;
	v42 =	vand.u32 $0x1F80, v22;
	[sflag:s26] =	ssyncadd.s32 @!p1 $0xFFFFE000  }
0x51: {  	v22 =	vshll.u32 v27, $0x6;
	v46 =	vand.u32 $0x1F80, v25;
	v57 =	vor.u32 v8, v51;
	v24 =	vld.idx.msk [tilespmem:v33+s3+$0x0], $0xffff  }
0x52: {  	v40 =	vor.u32 v3, v31;
	v22 =	vand.u32 $0x1F80, v22;
	v41 =	vor.u32 v2, v46;
	v39 =	vld.idx.msk [tilespmem:v39+s3+$0x0], $0xffff  }
0x53: {  	v20 =	vand.u32 $0x1F80, v20;
	v27 =	vshll.u32 v26, $0x6;
	v47 =	vor.u32 v8, v22;
	v35 =	vld.idx.msk [tilespmem:v35+s3+$0x0], $0xffff  }
0x54: {  	v48 =	vor.u32 v3, v38;
	v49 =	vor.u32 v3, v30;
	v44 =	vor.u32 v2, v20;
	v37 =	vld.idx.msk [tilespmem:v37+s3+$0x0], $0xffff  }
0x55: {  	v17 =	vmovc v55;
	v50 =	vor.u32 v1, v43;
	v53 =	vor.u32 v3, v34;
	v54 =	vand.u32 $0x1F80, v29  }
0x56: {  	v56 =	vor.u32 v3, v45;
	v52 =	vor.u32 v8, v42;
	v36 =	vld.idx.msk [tilespmem:v36+s3+$0x0], $0xffff;
	[tilespmem:v57+s12+$0x0] =	vst.idx.msk $0xffff, v24  }
0x57: {  	v29 =	vor.u32 v9, v51;
	v33 =	vor.u32 v2, v54;
	v28 =	vld.idx.msk [tilespmem:v28+s3+$0x0], $0xffff;
	[tilespmem:v41+s12+$0x0] =	vst.idx.msk $0xffff, v39  }
0x58: {  	v25 =	vand.u32 $0x7F, v26;
	v55 =	vand.u32 $0x1F80, v27;
	v27 =	vor.u32 v4, v46;
	[tilespmem:v47+s12+$0x0] =	vst.idx.msk $0xffff, v35;
	v26 =	vld.idx.msk [tilespmem:v40+s3+$0x0], $0xffff  }
0x59: {  	v39 =	vor.u32 v1, v25;
	v24 =	vand.u32 $0x1F80, v23;
	[tilespmem:v44+s12+$0x0] =	vst.idx.msk $0xffff, v37;
	v23 =	vld.idx.msk [tilespmem:v48+s3+$0x0], $0xffff  }
0x5a: {  	v37 =	vor.u32 v5, v31;
	v44 =	vor.u32 v8, v55;
	v35 =	vor.u32 v2, v24;
	v40 =	vld.idx.msk [tilespmem:v50+s3+$0x0], $0xffff  }
0x5b: {  	v47 =	vor.u32 v4, v20;
	[tilespmem:v52+s12+$0x0] =	vst.idx.msk $0xffff, v36;
	v41 =	vor.u32 v9, v42  }
0x5c: {  	v52 =	vor.u32 v3, v32;
	[tilespmem:v33+s12+$0x0] =	vst.idx.msk $0xffff, v28;
	v33 =	vor.u32 v5, v34;
	v57 =	vld.idx.msk [tilespmem:v53+s3+$0x0], $0xffff  }
0x5d: {  	v36 =	vor.u32 v9, v55;
	v53 =	vor.u32 v4, v24;
	v28 =	vld.idx.msk [tilespmem:v49+s3+$0x0], $0xffff;
	[tilespmem:v29+s12+$0x0] =	vst.idx.msk $0xffff, v26  }
0x5e: {  	v49 =	vor.u32 v12, v51;
	v39 =	vld.idx.msk [tilespmem:v39+s3+$0x0], $0xffff;
	v26 =	vor.u32 v5, v38;
	[tilespmem:v27+s12+$0x0] =	vst.idx.msk $0xffff, v23  }
0x5f: {  	v48 =	vor.u32 v6, v46;
	v27 =	vor.u32 v3, v43;
	[tilespmem:v35+s12+$0x0] =	vst.idx.msk $0xffff, v40  }
0x60: {  	v29 =	vor.u32 v5, v32;
	v23 =	vor.u32 v10, v32;
	v32 =	vor.u32 v4, v54;
	v35 =	vld.idx.msk [tilespmem:v56+s3+$0x0], $0xffff  }
0x61: {  	v51 =	vor.u32 v13, v51;
	[tilespmem:v41+s12+$0x0] =	vst.idx.msk $0xffff, v57;
	v56 =	vor.u32 v5, v45;
	v37 =	vld.idx.msk [tilespmem:v37+s3+$0x0], $0xffff  }
0x62: {  	v41 =	vor.u32 v9, v22;
	[tilespmem:v47+s12+$0x0] =	vst.idx.msk $0xffff, v28;
	v57 =	vor.u32 v10, v31;
	v47 =	vld.idx.msk [tilespmem:v33+s3+$0x0], $0xffff  }
0x63: {  	v40 =	vor.u32 v3, v25;
	v28 =	vor.u32 v13, v42;
	[tilespmem:v44+s12+$0x0] =	vst.idx.msk $0xffff, v39;
	v39 =	vld.idx.msk [tilespmem:v26+s3+$0x0], $0xffff  }
0x64: {  	v31 =	vor.u32 v10, v38;
	v33 =	vor.u32 v7, v20;
	v44 =	vor.u32 v12, v42;
	v50 =	vld.idx.msk [tilespmem:v27+s3+$0x0], $0xffff  }
0x65: {  	v21 =	vadd.s32 $0x8, v21;
	v42 =	vor.u32 v10, v34;
	[tilespmem:v32+s12+$0x0] =	vst.idx.msk $0xffff, v35;
	v32 =	vor.u32 v5, v30  }
0x66: {  	v34 =	vor.u32 v7, v46;
	v46 =	vor.u32 v12, v55;
	[tilespmem:v49+s12+$0x0] =	vst.idx.msk $0xffff, v37;
	v49 =	vld.idx.msk [tilespmem:v56+s3+$0x0], $0xffff  }
0x67: {  	v26 =	vor.u32 v13, v55;
	v27 =	vor.u32 v13, v22;
	v37 =	vor.u32 v10, v30;
	v35 =	vld.idx.msk [tilespmem:v57+s3+$0x0], $0xffff  }
0x68: {  	v30 =	vor.u32 v7, v24;
	[tilespmem:v48+s12+$0x0] =	vst.idx.msk $0xffff, v39;
	v39 =	vor.u32 v6, v54;
	v48 =	vld.idx.msk [tilespmem:v40+s3+$0x0], $0xffff  }
0x69: {  	v40 =	vld.idx.msk [tilespmem:v52+s3+$0x0], $0xffff;
	[tilespmem:v53+s12+$0x0] =	vst.idx.msk $0xffff, v50;
	v50 =	vor.u32 v5, v43;
	v43 =	vor.u32 v10, v43  }
0x6a: {  	s26 =	simm.s32 $0x0;
	v52 =	vor.u32 v5, v25;
	v38 =	vld.idx.msk [tilespmem:v32+s3+$0x0], $0xffff;
	v32 =	vor.u32 v10, v45;
	v45 =	vor.u32 v7, v54  }
.LBB2_4:
0x6b: {  	v22 =	vor.u32 v12, v22  }
0x6c: {  	v24 =	vor.u32 v6, v24;
	v20 =	vor.u32 v6, v20;
	[tilespmem:v44+s12+$0x0] =	vst.idx.msk $0xffff, v47  }
0x6d: {  	v25 =	vor.u32 v10, v25;
	v58 =	vadd.s32 v58, v21;
	v44 =	vld.idx.msk [tilespmem:v31+s3+$0x0], $0xffff;
	[tilespmem:v36+s12+$0x0] =	vst.idx.msk $0xffff, v48  }
0x6e: {  	v36 =	vld.idx.msk [tilespmem:v50+s3+$0x0], $0xffff;
	v48 =	vadd.s32 v17, v21;
	[tilespmem:v41+s12+$0x0] =	vst.idx.msk $0xffff, v40;
	v50 =	vadd.s32 v61, v21  }
0x6f: {  	v31 =	vand.u32 $0x7F, v58;
	[tilespmem:v51+s12+$0x0] =	vst.idx.msk $0xffff, v35;
	v40 =	vadd.s32 v62, v21;
	v51 =	vadd.s32 v63, v21  }
0x70: {  	v47 =	vshll.u32 v58, $0x6;
	[tilespmem:v39+s12+$0x0] =	vst.idx.msk $0xffff, v49;
	v49 =	vadd.s32 v59, v21;
	v53 =	vadd.s32 v60, v21  }
0x71: {  	v41 =	vld.idx.msk [tilespmem:v52+s3+$0x0], $0xffff;
	v52 =	vadd.s32 v18, v21;
	v54 =	vand.u32 $0x7F, v49;
	v55 =	vshll.u32 v53, $0x6  }
0x72: {  	v29 =	vld.idx.msk [tilespmem:v29+s3+$0x0], $0xffff;
	v35 =	vand.u32 $0x7F, v50;
	v59 =	vshll.u32 v40, $0x6;
	v60 =	vor.u32 v1, v31  }
0x73: {  	[tilespmem:v20+s12+$0x0] =	vst.idx.msk $0xffff, v38;
	v56 =	vld.idx.msk [tilespmem:v32+s3+$0x0], $0xffff;
	v32 =	vand.u32 $0x7F, v53;
	v38 =	vand.u32 $0x7F, v48;
	v40 =	vand.u32 $0x7F, v40  }
0x74: {  	v20 =	vand.u32 $0x1F80, v47;
	v15 =	vor.u32 v5, v31;
	v39 =	vand.u32 $0x7F, v52  }
0x75: {  	v42 =	vld.idx.msk [tilespmem:v42+s3+$0x0], $0xffff;
	v57 =	vor.u32 v1, v54;
	v58 =	vor.u32 v1, v35;
	v53 =	vor.u32 v1, v32  }
0x76: {  	v37 =	vld.idx.msk [tilespmem:v37+s3+$0x0], $0xffff;
	v55 =	vand.u32 $0x1F80, v55;
	[tilespmem:v24+s12+$0x0] =	vst.idx.msk $0xffff, v36;
	v24 =	vshll.u32 v50, $0x6;
	v50 =	vor.u32 v1, v39  }
0x77: {  	v11 =	vor.u32 v5, v40;
	v36 =	vld.idx.msk [tilespmem:v43+s3+$0x0], $0xffff;
	v43 =	vor.u32 v1, v40;
	[tilespmem:v46+s12+$0x0] =	vst.idx.msk $0xffff, v41  }
0x78: {  	v46 =	vand.u32 $0x1F80, v24;
	v24 =	vshll.u32 v51, $0x6;
	[tilespmem:v22+s12+$0x0] =	vst.idx.msk $0xffff, v29;
	v22 =	vshll.u32 v48, $0x6  }
0x79: {  	[tilespmem:v45+s12+$0x0] =	vst.idx.msk $0xffff, v56;
	v29 =	vld.idx.msk [tilespmem:v25+s3+$0x0], $0xffff;
	v62 =	vand.u32 $0x1F80, v24;
	v24 =	vand.u32 $0x1F80, v22;
	v22 =	vshll.u32 v52, $0x6  }
0x7a: {  	[tilespmem:v28+s12+$0x0] =	vst.idx.msk $0xffff, v42;
	v23 =	vld.idx.msk [tilespmem:v23+s3+$0x0], $0xffff;
	v25 =	vshll.u32 v49, $0x6;
	v49 =	vand.u32 $0x1F80, v59;
	v59 =	vor.u32 v1, v38  }
0x7b: {  	[tilespmem:v33+s12+$0x0] =	vst.idx.msk $0xffff, v37;
	v56 =	vand.u32 $0x1F80, v22;
	v22 =	vand.u32 $0x1F80, v25;
	v25 =	vand.u32 $0x7F, v51;
	v28 =	vld.idx.msk [tilespmem:v50+s3+$0x0], $0xffff  }
0x7c: {  	v52 =	vor.u32 v1, v25;
	[tilespmem:v30+s12+$0x0] =	vst.idx.msk $0xffff, v36;
	v30 =	vld.idx.msk [tilespmem:v43+s3+$0x0], $0xffff;
	v36 =	vor.u32 v8, v56  }
0x7d: {  	v14 =	vor.u32 v3, v38;
	v37 =	vor.u32 v2, v49;
	[tilespmem:v34+s12+$0x0] =	vst.idx.msk $0xffff, v44;
	v34 =	vld.idx.msk [tilespmem:v57+s3+$0x0], $0xffff  }
0x7e: {  	v61 =	vor.u32 v3, v39;
	v43 =	vor.u32 v8, v22;
	[tilespmem:v26+s12+$0x0] =	vst.idx.msk $0xffff, v29;
	v26 =	vld.idx.msk [tilespmem:v60+s3+$0x0], $0xffff  }
0x7f: {  	v41 =	vor.u32 v2, v20;
	v44 =	vor.u32 v3, v40;
	[tilespmem:v27+s12+$0x0] =	vst.idx.msk $0xffff, v23;
	v27 =	vld.idx.msk [tilespmem:v58+s3+$0x0], $0xffff  }
0x80: {  	v45 =	vor.u32 v3, v31;
	v47 =	vor.u32 v8, v46;
	v57 =	vor.u32 v3, v54;
	v59 =	vld.idx.msk [tilespmem:v59+s3+$0x0], $0xffff  }
0x81: {  	v33 =	vor.u32 v3, v35;
	v48 =	vor.u32 v2, v24;
	v52 =	vld.idx.msk [tilespmem:v52+s3+$0x0], $0xffff;
	[tilespmem:v36+s12+$0x0] =	vst.idx.msk $0xffff, v28  }
0x82: {  	v50 =	vor.u32 v2, v55;
	v29 =	vor.u32 v5, v54;
	[tilespmem:v37+s12+$0x0] =	vst.idx.msk $0xffff, v30;
	v30 =	vld.idx.msk [tilespmem:v53+s3+$0x0], $0xffff  }
0x83: {  	v23 =	vor.u32 v10, v54;
	[tilespmem:v43+s12+$0x0] =	vst.idx.msk $0xffff, v34;
	v34 =	vor.u32 v9, v56;
	v28 =	vld.idx.msk [tilespmem:v61+s3+$0x0], $0xffff  }
0x84: {  	v54 =	vor.u32 v5, v39;
	v43 =	vor.u32 v3, v32;
	v37 =	vor.u32 v10, v31;
	v53 =	vld.idx.msk [tilespmem:v44+s3+$0x0], $0xffff  }
0x85: {  	v31 =	vor.u32 v10, v40;
	[tilespmem:v47+s12+$0x0] =	vst.idx.msk $0xffff, v27;
	v47 =	vor.u32 v4, v49;
	v40 =	vld.idx.msk [tilespmem:v57+s3+$0x0], $0xffff  }
0x86: {  	v0 =	vor.u32 v5, v32;
	v58 =	vor.u32 v9, v46;
	[tilespmem:v41+s12+$0x0] =	vst.idx.msk $0xffff, v26;
	v33 =	vld.idx.msk [tilespmem:v33+s3+$0x0], $0xffff  }
0x87: {  	v42 =	vor.u32 v8, v62;
	v60 =	vor.u32 v5, v35;
	[tilespmem:v48+s12+$0x0] =	vst.idx.msk $0xffff, v59;
	v45 =	vld.idx.msk [tilespmem:v45+s3+$0x0], $0xffff  }
0x88: {  	v51 =	vor.u32 v4, v20;
	v44 =	vor.u32 v12, v46;
	v14 =	vld.idx.msk [tilespmem:v14+s3+$0x0], $0xffff;
	[tilespmem:v34+s12+$0x0] =	vst.idx.msk $0xffff, v28  }
0x89: {  	[tilespmem:v50+s12+$0x0] =	vst.idx.msk $0xffff, v30;
	v50 =	vor.u32 v3, v25;
	v28 =	vor.u32 v13, v46;
	v46 =	vld.idx.msk [tilespmem:v54+s3+$0x0], $0xffff  }
0x8a: {  	v63 =	vor.u32 v4, v24;
	[tilespmem:v47+s12+$0x0] =	vst.idx.msk $0xffff, v53;
	v53 =	vor.u32 v12, v56;
	v54 =	vld.idx.msk [tilespmem:v43+s3+$0x0], $0xffff  }
0x8b: {  	v36 =	vor.u32 v9, v62;
	v61 =	vor.u32 v4, v55;
	v11 =	vld.idx.msk [tilespmem:v11+s3+$0x0], $0xffff;
	[tilespmem:v58+s12+$0x0] =	vst.idx.msk $0xffff, v33  }
0x8c: {  	v32 =	vor.u32 v10, v32;
	v41 =	vor.u32 v9, v22;
	v59 =	vor.u32 v10, v39;
	v47 =	vld.idx.msk [tilespmem:v60+s3+$0x0], $0xffff  }
0x8d: {  	s26 =	sadd.s32 $0x8, s26;
	v26 =	vor.u32 v13, v62;
	v27 =	vor.u32 v13, v22;
	[tilespmem:v42+s12+$0x0] =	vst.idx.msk $0xffff, v52;
	v60 =	vld [tilespmem:$0x1FFD0]  }
0x8e: {  	p1 =	slt.u32 s26, $0x78;
	v39 =	vor.u32 v6, v55;
	v58 =	vor.u32 v6, v49;
	[tilespmem:v51+s12+$0x0] =	vst.idx.msk $0xffff, v45;
	v48 =	vld.idx.msk [tilespmem:v50+s3+$0x0], $0xffff  }
.Ltmp5:
0x8f: {  	v43 =	vor.u32 v10, v38;
	v50 =	vor.u32 v5, v38;
	v38 =	vld.idx.msk [tilespmem:v15+s3+$0x0], $0xffff;
	[tilespmem:v53+s12+$0x0] =	vst.idx.msk $0xffff, v46;
	(pc) =	sbr.rel @p1 .LBB2_4-.Ltmp5, $4  }
0x90: {  	v42 =	vor.u32 v10, v35;
	v52 =	vor.u32 v5, v25;
	[tilespmem:v61+s12+$0x0] =	vst.idx.msk $0xffff, v54;
	v61 =	vld [tilespmem:$0x1FFE0]  }
0x91: {  	v30 =	vor.u32 v7, v24;
	v34 =	vor.u32 v7, v49;
	v33 =	vor.u32 v7, v20;
	v35 =	vld.idx.msk [tilespmem:v59+s3+$0x0], $0xffff  }
0x92: {  	v21 =	vadd.s32 $0x8, v21;
	v51 =	vor.u32 v13, v56;
	v45 =	vor.u32 v7, v55;
	[tilespmem:v63+s12+$0x0] =	vst.idx.msk $0xffff, v14;
	v59 =	vld [tilespmem:$0x1FFC0]  }
0x93: {  	v63 =	vmovc v16;
	[tilespmem:v58+s12+$0x0] =	vst.idx.msk $0xffff, v11;
	v58 =	vlaneseq.u32;
	v46 =	vor.u32 v12, v62;
	v62 =	vmov v19;
	v49 =	vld.idx.msk [tilespmem:v0+s3+$0x0], $0xffff  }
0x94: {  	_ =	sdelay $0x3  }
0x95: {  	v0 =	vor.u32 v6, v20;
	[tilespmem:v44+s12+$0x0] =	vst.idx.msk $0xffff, v47  }
0x96: {  	v11 =	vor.u32 v6, v24;
	[tilespmem:v36+s12+$0x0] =	vst.idx.msk $0xffff, v48;
	v14 =	vld.idx.msk [tilespmem:v50+s3+$0x0], $0xffff  }
0x97: {  	[tilespmem:v41+s12+$0x0] =	vst.idx.msk $0xffff, v40;
	v15 =	vld.idx.msk [tilespmem:v52+s3+$0x0], $0xffff  }
0x98: {  	v20 =	vor.u32 v12, v22;
	v21 =	vld.idx.msk [tilespmem:v29+s3+$0x0], $0xffff;
	[tilespmem:v51+s12+$0x0] =	vst.idx.msk $0xffff, v35  }
0x99: {  	v55 =	vor.u32 v10, v25;
	v57 =	vld.idx.msk [tilespmem:v42+s3+$0x0], $0xffff;
	[tilespmem:v39+s12+$0x0] =	vst.idx.msk $0xffff, v49  }
0x9a: {  	[tilespmem:v0+s12+$0x0] =	vst.idx.msk $0xffff, v38;
	v0 =	vld.idx.msk [tilespmem:v32+s3+$0x0], $0xffff  }
0x9b: {  	[tilespmem:v11+s12+$0x0] =	vst.idx.msk $0xffff, v14;
	v14 =	vld.idx.msk [tilespmem:v31+s3+$0x0], $0xffff  }
0x9c: {  	v56 =	vld.idx.msk [tilespmem:v37+s3+$0x0], $0xffff;
	[tilespmem:v46+s12+$0x0] =	vst.idx.msk $0xffff, v15  }
0x9d: {  	v11 =	vld.idx.msk [tilespmem:v43+s3+$0x0], $0xffff;
	[tilespmem:v20+s12+$0x0] =	vst.idx.msk $0xffff, v21  }
0x9e: {  	[tilespmem:v28+s12+$0x0] =	vst.idx.msk $0xffff, v57;
	v15 =	vld.idx.msk [tilespmem:v55+s3+$0x0], $0xffff  }
0x9f: {  	[tilespmem:v45+s12+$0x0] =	vst.idx.msk $0xffff, v0;
	v0 =	vld.idx.msk [tilespmem:v23+s3+$0x0], $0xffff  }
0xa0: {  	[tilespmem:v34+s12+$0x0] =	vst.idx.msk $0xffff, v14  }
0xa1: {  	[tilespmem:v33+s12+$0x0] =	vst.idx.msk $0xffff, v56  }
0xa2: {  	[tilespmem:v30+s12+$0x0] =	vst.idx.msk $0xffff, v11  }
0xa3: {  	s26 =	sshll.u32 s25, $0xA;
	[tilespmem:v26+s12+$0x0] =	vst.idx.msk $0xffff, v15  }
0xa4: {  	s26 =	sadd.s32 s6, s26;
	[tilespmem:v27+s12+$0x0] =	vst.idx.msk $0xffff, v0  }
0xa5: {  	v55 =	vmov v17;
	[hbm4b:s26+s3] =	stream.linear.scatter [tilespmem:s12], [sflag:$0x5], $0x2000, $0x38;
	[tilespmem:$0x10000] =	vst v63  }
.LBB2_6:
0xa6: {  	s26 =	sadd.s32 $0x1, s25  }
0xa7: {  	p1 =	sge.u32 s26, s5  }
.Ltmp6:
0xa8: {  	_ = 	snop;
	(pc) =	sbr.rel @p1 .LBB2_10-.Ltmp6, $1  }
0xa9: {  	_ =	sdelay $0x3  }
0xaa: {  	v0 =	vimm.s32 $0x0  }
0xab: {  	s28 =	sadd.s32 $0x4, s25;
	v11 =	vadd.s32 v58, v0;
	v14 =	vadd.s32 v55, v0;
	v20 =	vadd.s32 v61, v0  }
0xac: {  	p1 =	sge.u32 s28, s5;
	v21 =	vadd.s32 v18, v0;
	v22 =	vadd.s32 v62, v0;
	v23 =	vadd.s32 v63, v0  }
0xad: {  	v24 =	vadd.s32 v59, v0;
	v25 =	vadd.s32 v60, v0;
	s28 =	sshll.u32 @!p1 s28, $0x7;
	v15 =	vand.u32 $0x7F, v11;
	s29 =	simm.s32 @!p1 $0x400  }
0xae: {  	s30 =	simm.s32 @!p1 $0x7A1400;
	s31 =	simm.s32 @!p1 $0x0;
	v11 =	vshll.u32 v11, $0x6;
	v26 =	vand.u32 $0x7F, v21;
	v27 =	vand.u32 $0x7F, v24;
	s28 =	sadd.s32 @!p1 s1, s28  }
0xaf: {  	v28 =	vshll.u32 v25, $0x6;
	v31 =	vand.u32 $0x7F, v20;
	v34 =	vand.u32 $0x7F, v22;
	[tilespmem:s31], [sflag:$0x1] =	stream.strided.gather @!p1 [hbm4b:s28+s29], $0x2000, s30, s29, $0x38;
	[tilespmem:$0x10000] =	vst v63  }
0xb0: {  	v22 =	vshll.u32 v22, $0x6;
	v45 =	vand.u32 $0x7F, v25;
	v38 =	vand.u32 $0x7F, v14;
	_ =	swait.ge [sflag:s13], $0x2000  }
0xb1: {  	v21 =	vshll.u32 v21, $0x6;
	v14 =	vshll.u32 v14, $0x6;
	v29 =	vor.u32 v1, v26;
	p1 =	seq.s32 s23, $0x0;
	[sflag:s13] =	ssyncset.done $0x0  }
0xb2: {  	v30 =	vor.u32 v1, v27;
	v32 =	vor.u32 v1, v31;
	v35 =	vor.u32 v1, v34;
	s28 =	simm.s32 @!p1 $0x6;
	[sflag:s13] =	ssyncadd.s32 $0xFFFFE000  }
0xb3: {  	v33 =	vor.u32 v1, v15;
	v36 =	vor.u32 v1, v45;
	v37 =	vor.u32 v3, v26;
	_ =	swait.ge @!p1 [sflag:s28], $0x2000  }
0xb4: {  	v51 =	vand.u32 $0x1F80, v21;
	v21 =	vshll.u32 v20, $0x6;
	v20 =	vand.u32 $0x1F80, v11;
	[sflag:s28] =	ssyncset.done @!p1 $0x0  }
0xb5: {  	v46 =	vand.u32 $0x1F80, v22;
	v41 =	vor.u32 v3, v34;
	v43 =	vor.u32 v1, v38;
	[sflag:s28] =	ssyncadd.s32 @!p1 $0xFFFFE000  }
0xb6: {  	v25 =	vor.u32 v8, v51;
	v39 =	vand.u32 $0x1F80, v21;
	v21 =	vshll.u32 v24, $0x6;
	v11 =	vld.idx.msk [tilespmem:v29+s14+$0x0], $0xffff  }
0xb7: {  	v42 =	vor.u32 v3, v15;
	v22 =	vand.u32 $0x1F80, v21;
	v21 =	vld.idx.msk [tilespmem:v35+s14+$0x0], $0xffff;
	v29 =	vor.u32 v2, v46  }
0xb8: {  	v47 =	vor.u32 v3, v31;
	v52 =	vor.u32 v3, v45;
	v40 =	vor.u32 v8, v22;
	v30 =	vld.idx.msk [tilespmem:v30+s14+$0x0], $0xffff  }
0xb9: {  	v49 =	vor.u32 v3, v27;
	v24 =	vshll.u32 v23, $0x6;
	v50 =	vor.u32 v2, v20;
	v33 =	vld.idx.msk [tilespmem:v33+s14+$0x0], $0xffff  }
0xba: {  	v44 =	vor.u32 v8, v39;
	v53 =	vand.u32 $0x1F80, v24;
	v24 =	vand.u32 $0x1F80, v14;
	v32 =	vld.idx.msk [tilespmem:v32+s14+$0x0], $0xffff  }
0xbb: {  	v57 =	vor.u32 v9, v39;
	v35 =	vld.idx.msk [tilespmem:v43+s14+$0x0], $0xffff;
	v43 =	vor.u32 v4, v20;
	[tilespmem:v25+s15+$0x0] =	vst.idx.msk $0xffff, v11  }
0xbc: {  	v11 =	vand.u32 $0x1F80, v28;
	v25 =	vand.u32 $0x7F, v23;
	[tilespmem:v29+s15+$0x0] =	vst.idx.msk $0xffff, v21;
	v29 =	vld.idx.msk [tilespmem:v36+s14+$0x0], $0xffff;
	v36 =	vor.u32 v2, v24  }
0xbd: {  	v28 =	vor.u32 v9, v51;
	[tilespmem:v40+s15+$0x0] =	vst.idx.msk $0xffff, v30;
	v30 =	vor.u32 v4, v46;
	v23 =	vld.idx.msk [tilespmem:v37+s14+$0x0], $0xffff  }
0xbe: {  	[tilespmem:v50+s15+$0x0] =	vst.idx.msk $0xffff, v33;
	v33 =	vor.u32 v5, v26;
	v21 =	vor.u32 v1, v25;
	v14 =	vld.idx.msk [tilespmem:v41+s14+$0x0], $0xffff  }
0xbf: {  	v40 =	vor.u32 v8, v53;
	[tilespmem:v44+s15+$0x0] =	vst.idx.msk $0xffff, v32;
	v56 =	vor.u32 v2, v11  }
0xc0: {  	v50 =	vor.u32 v4, v24;
	v44 =	vor.u32 v12, v39;
	v54 =	vld.idx.msk [tilespmem:v47+s14+$0x0], $0xffff;
	v47 =	vor.u32 v5, v31  }
0xc1: {  	v41 =	vor.u32 v9, v22;
	v37 =	vor.u32 v10, v15;
	[tilespmem:v36+s15+$0x0] =	vst.idx.msk $0xffff, v35  }
0xc2: {  	v15 =	vor.u32 v5, v15;
	[tilespmem:v28+s15+$0x0] =	vst.idx.msk $0xffff, v23;
	v28 =	vor.u32 v5, v34  }
0xc3: {  	v36 =	vor.u32 v9, v53;
	v21 =	vld.idx.msk [tilespmem:v21+s14+$0x0], $0xffff;
	[tilespmem:v30+s15+$0x0] =	vst.idx.msk $0xffff, v14;
	v14 =	vor.u32 v3, v38  }
0xc4: {  	v35 =	vor.u32 v3, v25;
	[tilespmem:v56+s15+$0x0] =	vst.idx.msk $0xffff, v29;
	v56 =	vld.idx.msk [tilespmem:v42+s14+$0x0], $0xffff;
	v29 =	vor.u32 v5, v27  }
0xc5: {  	v23 =	vor.u32 v10, v27;
	[tilespmem:v57+s15+$0x0] =	vst.idx.msk $0xffff, v54;
	v27 =	vor.u32 v4, v11;
	v32 =	vld.idx.msk [tilespmem:v52+s14+$0x0], $0xffff  }
0xc6: {  	v57 =	vor.u32 v6, v46;
	v54 =	vor.u32 v5, v45;
	v30 =	vld.idx.msk [tilespmem:v33+s14+$0x0], $0xffff;
	v33 =	vor.u32 v12, v51  }
0xc7: {  	v42 =	vor.u32 v10, v31;
	v31 =	vor.u32 v10, v34;
	v34 =	vor.u32 v7, v46;
	v48 =	vld.idx.msk [tilespmem:v28+s14+$0x0], $0xffff  }
0xc8: {  	[tilespmem:v40+s15+$0x0] =	vst.idx.msk $0xffff, v21;
	v21 =	vadd.s32 $0x8, v0;
	v0 =	vor.u32 v10, v26;
	v14 =	vld.idx.msk [tilespmem:v14+s14+$0x0], $0xffff  }
0xc9: {  	v46 =	vor.u32 v12, v53;
	v47 =	vld.idx.msk [tilespmem:v47+s14+$0x0], $0xffff;
	v52 =	vor.u32 v5, v25;
	[tilespmem:v43+s15+$0x0] =	vst.idx.msk $0xffff, v56  }
0xca: {  	v51 =	vor.u32 v13, v51;
	v26 =	vor.u32 v13, v53;
	v40 =	vld.idx.msk [tilespmem:v49+s14+$0x0], $0xffff;
	[tilespmem:v27+s15+$0x0] =	vst.idx.msk $0xffff, v32  }
0xcb: {  	v28 =	vor.u32 v13, v39;
	v39 =	vor.u32 v6, v11;
	[tilespmem:v33+s15+$0x0] =	vst.idx.msk $0xffff, v30;
	v49 =	vld.idx.msk [tilespmem:v54+s14+$0x0], $0xffff  }
0xcc: {  	v43 =	vor.u32 v10, v38;
	v27 =	vor.u32 v13, v22;
	[tilespmem:v57+s15+$0x0] =	vst.idx.msk $0xffff, v48;
	v48 =	vld.idx.msk [tilespmem:v35+s14+$0x0], $0xffff  }
0xcd: {  	v30 =	vor.u32 v7, v24;
	[tilespmem:v50+s15+$0x0] =	vst.idx.msk $0xffff, v14;
	v50 =	vor.u32 v5, v38;
	v35 =	vld.idx.msk [tilespmem:v0+s14+$0x0], $0xffff  }
0xce: {  	s28 =	simm.s32 $0x0;
	v33 =	vor.u32 v7, v20;
	v32 =	vor.u32 v10, v45;
	v45 =	vor.u32 v7, v11;
	v38 =	vld.idx.msk [tilespmem:v15+s14+$0x0], $0xffff  }
.LBB2_8:
0xcf: {  	v0 =	vor.u32 v12, v22  }
0xd0: {  	v14 =	vor.u32 v6, v24;
	v15 =	vor.u32 v6, v20;
	v22 =	vor.u32 v10, v25  }
0xd1: {  	v11 =	vld.idx.msk [tilespmem:v31+s14+$0x0], $0xffff;
	v24 =	vadd.s32 v58, v21;
	v58 =	vadd.s32 v62, v21;
	[tilespmem:v44+s15+$0x0] =	vst.idx.msk $0xffff, v47  }
0xd2: {  	v20 =	vld.idx.msk [tilespmem:v50+s14+$0x0], $0xffff;
	v31 =	vand.u32 $0x7F, v24;
	v24 =	vshll.u32 v24, $0x6;
	v54 =	vshll.u32 v58, $0x6;
	[tilespmem:v36+s15+$0x0] =	vst.idx.msk $0xffff, v48  }
0xd3: {  	v62 =	vor.u32 v1, v31;
	v54 =	vand.u32 $0x1F80, v54;
	v25 =	vadd.s32 v55, v21;
	[tilespmem:v41+s15+$0x0] =	vst.idx.msk $0xffff, v40  }
0xd4: {  	v57 =	vadd.s32 v61, v21;
	v44 =	vadd.s32 v18, v21;
	[tilespmem:v51+s15+$0x0] =	vst.idx.msk $0xffff, v35;
	v36 =	vld.idx.msk [tilespmem:v52+s14+$0x0], $0xffff  }
0xd5: {  	v47 =	vadd.s32 v63, v21;
	[tilespmem:v39+s15+$0x0] =	vst.idx.msk $0xffff, v49;
	v48 =	vadd.s32 v59, v21;
	v29 =	vld.idx.msk [tilespmem:v29+s14+$0x0], $0xffff  }
0xd6: {  	v59 =	vadd.s32 v60, v21;
	v40 =	vand.u32 $0x7F, v58;
	v39 =	vand.u32 $0x7F, v44;
	[tilespmem:v15+s15+$0x0] =	vst.idx.msk $0xffff, v38;
	v15 =	vld.idx.msk [tilespmem:v32+s14+$0x0], $0xffff  }
0xd7: {  	v35 =	vand.u32 $0x7F, v57;
	v42 =	vld.idx.msk [tilespmem:v42+s14+$0x0], $0xffff;
	[tilespmem:v14+s15+$0x0] =	vst.idx.msk $0xffff, v20;
	v41 =	vshll.u32 v57, $0x6;
	v57 =	vor.u32 v1, v39  }
0xd8: {  	v50 =	vand.u32 $0x7F, v48;
	v60 =	vshll.u32 v59, $0x6;
	v56 =	vor.u32 v1, v40;
	v43 =	vld.idx.msk [tilespmem:v43+s14+$0x0], $0xffff  }
0xd9: {  	v32 =	vand.u32 $0x7F, v59;
	v38 =	vand.u32 $0x7F, v25;
	v61 =	vor.u32 v1, v50;
	v37 =	vld.idx.msk [tilespmem:v37+s14+$0x0], $0xffff;
	[tilespmem:v46+s15+$0x0] =	vst.idx.msk $0xffff, v36  }
0xda: {  	v20 =	vand.u32 $0x1F80, v24;
	v24 =	vshll.u32 v47, $0x6;
	v53 =	vor.u32 v1, v35;
	[tilespmem:v0+s15+$0x0] =	vst.idx.msk $0xffff, v29;
	v0 =	vld.idx.msk [tilespmem:v22+s14+$0x0], $0xffff  }
0xdb: {  	v14 =	vor.u32 v1, v32;
	v58 =	vand.u32 $0x1F80, v24;
	[tilespmem:v45+s15+$0x0] =	vst.idx.msk $0xffff, v15;
	v22 =	vshll.u32 v25, $0x6;
	v23 =	vld.idx.msk [tilespmem:v23+s14+$0x0], $0xffff  }
0xdc: {  	[tilespmem:v28+s15+$0x0] =	vst.idx.msk $0xffff, v42;
	v25 =	vshll.u32 v48, $0x6;
	v28 =	vld.idx.msk [tilespmem:v57+s14+$0x0], $0xffff;
	v24 =	vand.u32 $0x1F80, v22;
	v22 =	vshll.u32 v44, $0x6  }
0xdd: {  	[tilespmem:v30+s15+$0x0] =	vst.idx.msk $0xffff, v43;
	v30 =	vld.idx.msk [tilespmem:v56+s14+$0x0], $0xffff;
	v56 =	vand.u32 $0x1F80, v60;
	v60 =	vor.u32 v2, v54;
	v57 =	vand.u32 $0x1F80, v22  }
0xde: {  	[tilespmem:v34+s15+$0x0] =	vst.idx.msk $0xffff, v11;
	v11 =	vld.idx.msk [tilespmem:v61+s14+$0x0], $0xffff;
	v61 =	vor.u32 v3, v40;
	v29 =	vor.u32 v8, v57  }
0xdf: {  	v49 =	vor.u32 v3, v39;
	v51 =	vor.u32 v3, v50;
	[tilespmem:v33+s15+$0x0] =	vst.idx.msk $0xffff, v37;
	v22 =	vand.u32 $0x1F80, v25  }
0xe0: {  	v46 =	vand.u32 $0x1F80, v41;
	v41 =	vor.u32 v2, v20;
	[tilespmem:v26+s15+$0x0] =	vst.idx.msk $0xffff, v0;
	v26 =	vor.u32 v8, v22  }
0xe1: {  	v25 =	vand.u32 $0x7F, v47;
	v0 =	vld.idx.msk [tilespmem:v62+s14+$0x0], $0xffff;
	[tilespmem:v27+s15+$0x0] =	vst.idx.msk $0xffff, v23;
	v62 =	vor.u32 v1, v38  }
0xe2: {  	v63 =	vor.u32 v8, v46;
	v47 =	vor.u32 v1, v25;
	v27 =	vld.idx.msk [tilespmem:v53+s14+$0x0], $0xffff;
	[tilespmem:v60+s15+$0x0] =	vst.idx.msk $0xffff, v30  }
0xe3: {  	v15 =	vor.u32 v3, v31;
	v33 =	vor.u32 v3, v35;
	v30 =	vld.idx.msk [tilespmem:v61+s14+$0x0], $0xffff;
	[tilespmem:v29+s15+$0x0] =	vst.idx.msk $0xffff, v28  }
0xe4: {  	v45 =	vor.u32 v4, v54;
	v34 =	vor.u32 v5, v39;
	v43 =	vor.u32 v2, v56;
	v28 =	vld.idx.msk [tilespmem:v49+s14+$0x0], $0xffff  }
0xe5: {  	v61 =	vor.u32 v5, v40;
	[tilespmem:v26+s15+$0x0] =	vst.idx.msk $0xffff, v11;
	v11 =	vld.idx.msk [tilespmem:v14+s14+$0x0], $0xffff;
	v14 =	vor.u32 v9, v57  }
0xe6: {  	v23 =	vor.u32 v10, v50;
	v29 =	vor.u32 v5, v50;
	[tilespmem:v41+s15+$0x0] =	vst.idx.msk $0xffff, v0;
	v50 =	vld.idx.msk [tilespmem:v62+s14+$0x0], $0xffff  }
0xe7: {  	v59 =	vor.u32 v2, v24;
	v0 =	vor.u32 v3, v32;
	[tilespmem:v63+s15+$0x0] =	vst.idx.msk $0xffff, v27;
	v62 =	vld.idx.msk [tilespmem:v47+s14+$0x0], $0xffff  }
0xe8: {  	v63 =	vor.u32 v3, v38;
	v33 =	vld.idx.msk [tilespmem:v33+s14+$0x0], $0xffff  }
0xe9: {  	v52 =	vor.u32 v9, v46;
	v15 =	vld.idx.msk [tilespmem:v15+s14+$0x0], $0xffff;
	[tilespmem:v45+s15+$0x0] =	vst.idx.msk $0xffff, v30  }
0xea: {  	v42 =	vor.u32 v8, v58;
	v53 =	vor.u32 v5, v35;
	v45 =	vld.idx.msk [tilespmem:v61+s14+$0x0], $0xffff;
	[tilespmem:v14+s15+$0x0] =	vst.idx.msk $0xffff, v28  }
0xeb: {  	v48 =	vor.u32 v4, v20;
	[tilespmem:v43+s15+$0x0] =	vst.idx.msk $0xffff, v11;
	v11 =	vor.u32 v3, v25;
	v14 =	vld.idx.msk [tilespmem:v34+s14+$0x0], $0xffff  }
0xec: {  	v36 =	vor.u32 v9, v58;
	[tilespmem:v59+s15+$0x0] =	vst.idx.msk $0xffff, v50;
	v59 =	vor.u32 v6, v54;
	v0 =	vld.idx.msk [tilespmem:v0+s14+$0x0], $0xffff  }
0xed: {  	v37 =	vor.u32 v10, v31;
	v44 =	vor.u32 v12, v46;
	v61 =	vld.idx.msk [tilespmem:v63+s14+$0x0], $0xffff;
	v63 =	vor.u32 v5, v31  }
0xee: {  	v55 =	vor.u32 v4, v24;
	[tilespmem:v52+s15+$0x0] =	vst.idx.msk $0xffff, v33;
	v31 =	vor.u32 v10, v40;
	v40 =	vld.idx.msk [tilespmem:v51+s14+$0x0], $0xffff  }
0xef: {  	v49 =	vor.u32 v4, v56;
	[tilespmem:v42+s15+$0x0] =	vst.idx.msk $0xffff, v62;
	v34 =	vor.u32 v12, v57;
	v47 =	vld.idx.msk [tilespmem:v53+s14+$0x0], $0xffff  }
0xf0: {  	v28 =	vor.u32 v13, v46;
	v46 =	vor.u32 v10, v39;
	[tilespmem:v48+s15+$0x0] =	vst.idx.msk $0xffff, v15;
	v48 =	vld.idx.msk [tilespmem:v11+s14+$0x0], $0xffff  }
0xf1: {  	s28 =	sadd.s32 $0x8, s28;
	v60 =	vor.u32 v5, v32;
	v41 =	vor.u32 v9, v22;
	[tilespmem:v59+s15+$0x0] =	vst.idx.msk $0xffff, v45;
	v59 =	vld [tilespmem:$0x1FFC0]  }
0xf2: {  	p1 =	slt.u32 s28, $0x78;
	v26 =	vor.u32 v13, v58;
	v50 =	vor.u32 v5, v38;
	v43 =	vor.u32 v10, v38;
	v38 =	vld.idx.msk [tilespmem:v63+s14+$0x0], $0xffff  }
.Ltmp7:
0xf3: {  	v27 =	vor.u32 v13, v22;
	v32 =	vor.u32 v10, v32;
	[tilespmem:v55+s15+$0x0] =	vst.idx.msk $0xffff, v61;
	v55 =	vld [tilespmem:$0x1FFF0];
	(pc) =	sbr.rel @p1 .LBB2_8-.Ltmp7, $4  }
0xf4: {  	v21 =	vadd.s32 $0x8, v21;
	v30 =	vor.u32 v7, v24;
	v39 =	vor.u32 v6, v56;
	[tilespmem:v34+s15+$0x0] =	vst.idx.msk $0xffff, v14;
	v61 =	vld [tilespmem:$0x1FFE0]  }
0xf5: {  	v42 =	vor.u32 v10, v35;
	v33 =	vor.u32 v7, v20;
	[tilespmem:v49+s15+$0x0] =	vst.idx.msk $0xffff, v0;
	v35 =	vld.idx.msk [tilespmem:v46+s14+$0x0], $0xffff  }
0xf6: {  	v52 =	vor.u32 v5, v25;
	v51 =	vor.u32 v13, v57;
	v45 =	vor.u32 v7, v56;
	v49 =	vld.idx.msk [tilespmem:v60+s14+$0x0], $0xffff  }
0xf7: {  	v62 =	vmovc v19;
	v34 =	vor.u32 v7, v54;
	v63 =	vmovc v16;
	v60 =	vld [tilespmem:$0x1FFD0];
	v46 =	vor.u32 v12, v58;
	v58 =	vlaneseq.u32  }
0xf8: {  	_ =	sdelay $0x3  }
0xf9: {  	v0 =	vor.u32 v6, v20;
	[tilespmem:v44+s15+$0x0] =	vst.idx.msk $0xffff, v47  }
0xfa: {  	v11 =	vor.u32 v6, v24;
	[tilespmem:v36+s15+$0x0] =	vst.idx.msk $0xffff, v48;
	v14 =	vld.idx.msk [tilespmem:v50+s14+$0x0], $0xffff  }
0xfb: {  	[tilespmem:v41+s15+$0x0] =	vst.idx.msk $0xffff, v40;
	v15 =	vld.idx.msk [tilespmem:v52+s14+$0x0], $0xffff  }
0xfc: {  	v20 =	vor.u32 v12, v22;
	v21 =	vld.idx.msk [tilespmem:v29+s14+$0x0], $0xffff;
	[tilespmem:v51+s15+$0x0] =	vst.idx.msk $0xffff, v35  }
0xfd: {  	v54 =	vor.u32 v10, v25;
	v57 =	vld.idx.msk [tilespmem:v42+s14+$0x0], $0xffff;
	[tilespmem:v39+s15+$0x0] =	vst.idx.msk $0xffff, v49  }
0xfe: {  	[tilespmem:v0+s15+$0x0] =	vst.idx.msk $0xffff, v38;
	v0 =	vld.idx.msk [tilespmem:v32+s14+$0x0], $0xffff  }
0xff: {  	[tilespmem:v11+s15+$0x0] =	vst.idx.msk $0xffff, v14;
	v14 =	vld.idx.msk [tilespmem:v31+s14+$0x0], $0xffff  }
0x100: {  	v56 =	vld.idx.msk [tilespmem:v37+s14+$0x0], $0xffff;
	[tilespmem:v46+s15+$0x0] =	vst.idx.msk $0xffff, v15  }
0x101: {  	v11 =	vld.idx.msk [tilespmem:v43+s14+$0x0], $0xffff;
	[tilespmem:v20+s15+$0x0] =	vst.idx.msk $0xffff, v21  }
0x102: {  	[tilespmem:v28+s15+$0x0] =	vst.idx.msk $0xffff, v57;
	v15 =	vld.idx.msk [tilespmem:v54+s14+$0x0], $0xffff  }
0x103: {  	[tilespmem:v45+s15+$0x0] =	vst.idx.msk $0xffff, v0;
	v0 =	vld.idx.msk [tilespmem:v23+s14+$0x0], $0xffff  }
0x104: {  	[tilespmem:v34+s15+$0x0] =	vst.idx.msk $0xffff, v14  }
0x105: {  	[tilespmem:v33+s15+$0x0] =	vst.idx.msk $0xffff, v56  }
0x106: {  	[tilespmem:v30+s15+$0x0] =	vst.idx.msk $0xffff, v11  }
0x107: {  	s26 =	sshll.u32 s26, $0xA;
	[tilespmem:v26+s15+$0x0] =	vst.idx.msk $0xffff, v15  }
0x108: {  	s26 =	sadd.s32 s6, s26;
	[tilespmem:v27+s15+$0x0] =	vst.idx.msk $0xffff, v0  }
0x109: {  	[hbm4b:s26+s3] =	stream.linear.scatter [tilespmem:s15], [sflag:$0x6], $0x2000, $0x38;
	[tilespmem:$0x10000] =	vst v63  }
.LBB2_10:
0x10a: {  	s26 =	sadd.s32 $0x2, s25  }
0x10b: {  	p1 =	sge.u32 s26, s5  }
.Ltmp8:
0x10c: {  	_ = 	snop;
	(pc) =	sbr.rel @p1 .LBB2_14-.Ltmp8, $1  }
0x10d: {  	_ =	sdelay $0x3  }
0x10e: {  	v0 =	vimm.s32 $0x0  }
0x10f: {  	s28 =	sadd.s32 $0x5, s25;
	v11 =	vadd.s32 v58, v0;
	v14 =	vadd.s32 v55, v0;
	v20 =	vadd.s32 v61, v0  }
0x110: {  	p1 =	sge.u32 s28, s5;
	v21 =	vadd.s32 v18, v0;
	v22 =	vadd.s32 v62, v0;
	v23 =	vadd.s32 v63, v0  }
0x111: {  	v24 =	vadd.s32 v59, v0;
	v25 =	vadd.s32 v60, v0;
	s28 =	sshll.u32 @!p1 s28, $0x7;
	v15 =	vand.u32 $0x7F, v11;
	s29 =	simm.s32 @!p1 $0x400  }
0x112: {  	s30 =	simm.s32 @!p1 $0x7A1400;
	s31 =	simm.s32 @!p1 $0x2000;
	v11 =	vshll.u32 v11, $0x6;
	v26 =	vand.u32 $0x7F, v21;
	v27 =	vand.u32 $0x7F, v24;
	s28 =	sadd.s32 @!p1 s1, s28  }
0x113: {  	v28 =	vshll.u32 v25, $0x6;
	v31 =	vand.u32 $0x7F, v20;
	v34 =	vand.u32 $0x7F, v22;
	[tilespmem:s31], [sflag:$0x2] =	stream.strided.gather @!p1 [hbm4b:s28+s29], $0x2000, s30, s29, $0x38;
	[tilespmem:$0x10000] =	vst v63  }
0x114: {  	v22 =	vshll.u32 v22, $0x6;
	v45 =	vand.u32 $0x7F, v25;
	v38 =	vand.u32 $0x7F, v14;
	_ =	swait.ge [sflag:s16], $0x2000  }
0x115: {  	v21 =	vshll.u32 v21, $0x6;
	v14 =	vshll.u32 v14, $0x6;
	v29 =	vor.u32 v1, v26;
	p1 =	seq.s32 s23, $0x0;
	[sflag:s16] =	ssyncset.done $0x0  }
0x116: {  	v30 =	vor.u32 v1, v27;
	v32 =	vor.u32 v1, v31;
	v35 =	vor.u32 v1, v34;
	s28 =	simm.s32 @!p1 $0x7;
	[sflag:s16] =	ssyncadd.s32 $0xFFFFE000  }
0x117: {  	v33 =	vor.u32 v1, v15;
	v36 =	vor.u32 v1, v45;
	v37 =	vor.u32 v3, v26;
	_ =	swait.ge @!p1 [sflag:s28], $0x2000  }
0x118: {  	v51 =	vand.u32 $0x1F80, v21;
	v21 =	vshll.u32 v20, $0x6;
	v20 =	vand.u32 $0x1F80, v11;
	[sflag:s28] =	ssyncset.done @!p1 $0x0  }
0x119: {  	v46 =	vand.u32 $0x1F80, v22;
	v41 =	vor.u32 v3, v34;
	v43 =	vor.u32 v1, v38;
	[sflag:s28] =	ssyncadd.s32 @!p1 $0xFFFFE000  }
0x11a: {  	v25 =	vor.u32 v8, v51;
	v39 =	vand.u32 $0x1F80, v21;
	v21 =	vshll.u32 v24, $0x6;
	v11 =	vld.idx.msk [tilespmem:v29+s17+$0x0], $0xffff  }
0x11b: {  	v42 =	vor.u32 v3, v15;
	v22 =	vand.u32 $0x1F80, v21;
	v21 =	vld.idx.msk [tilespmem:v35+s17+$0x0], $0xffff;
	v29 =	vor.u32 v2, v46  }
0x11c: {  	v47 =	vor.u32 v3, v31;
	v52 =	vor.u32 v3, v45;
	v40 =	vor.u32 v8, v22;
	v30 =	vld.idx.msk [tilespmem:v30+s17+$0x0], $0xffff  }
0x11d: {  	v49 =	vor.u32 v3, v27;
	v24 =	vshll.u32 v23, $0x6;
	v50 =	vor.u32 v2, v20;
	v33 =	vld.idx.msk [tilespmem:v33+s17+$0x0], $0xffff  }
0x11e: {  	v44 =	vor.u32 v8, v39;
	v53 =	vand.u32 $0x1F80, v24;
	v24 =	vand.u32 $0x1F80, v14;
	v32 =	vld.idx.msk [tilespmem:v32+s17+$0x0], $0xffff  }
0x11f: {  	v57 =	vor.u32 v9, v39;
	v35 =	vld.idx.msk [tilespmem:v43+s17+$0x0], $0xffff;
	v43 =	vor.u32 v4, v20;
	[tilespmem:v25+s18+$0x0] =	vst.idx.msk $0xffff, v11  }
0x120: {  	v11 =	vand.u32 $0x1F80, v28;
	v25 =	vand.u32 $0x7F, v23;
	[tilespmem:v29+s18+$0x0] =	vst.idx.msk $0xffff, v21;
	v29 =	vld.idx.msk [tilespmem:v36+s17+$0x0], $0xffff;
	v36 =	vor.u32 v2, v24  }
0x121: {  	v28 =	vor.u32 v9, v51;
	[tilespmem:v40+s18+$0x0] =	vst.idx.msk $0xffff, v30;
	v30 =	vor.u32 v4, v46;
	v23 =	vld.idx.msk [tilespmem:v37+s17+$0x0], $0xffff  }
0x122: {  	[tilespmem:v50+s18+$0x0] =	vst.idx.msk $0xffff, v33;
	v33 =	vor.u32 v5, v26;
	v21 =	vor.u32 v1, v25;
	v14 =	vld.idx.msk [tilespmem:v41+s17+$0x0], $0xffff  }
0x123: {  	v40 =	vor.u32 v8, v53;
	[tilespmem:v44+s18+$0x0] =	vst.idx.msk $0xffff, v32;
	v56 =	vor.u32 v2, v11  }
0x124: {  	v50 =	vor.u32 v4, v24;
	v44 =	vor.u32 v12, v39;
	v54 =	vld.idx.msk [tilespmem:v47+s17+$0x0], $0xffff;
	v47 =	vor.u32 v5, v31  }
0x125: {  	v41 =	vor.u32 v9, v22;
	v37 =	vor.u32 v10, v15;
	[tilespmem:v36+s18+$0x0] =	vst.idx.msk $0xffff, v35  }
0x126: {  	v15 =	vor.u32 v5, v15;
	[tilespmem:v28+s18+$0x0] =	vst.idx.msk $0xffff, v23;
	v28 =	vor.u32 v5, v34  }
0x127: {  	v36 =	vor.u32 v9, v53;
	v21 =	vld.idx.msk [tilespmem:v21+s17+$0x0], $0xffff;
	[tilespmem:v30+s18+$0x0] =	vst.idx.msk $0xffff, v14;
	v14 =	vor.u32 v3, v38  }
0x128: {  	v35 =	vor.u32 v3, v25;
	[tilespmem:v56+s18+$0x0] =	vst.idx.msk $0xffff, v29;
	v56 =	vld.idx.msk [tilespmem:v42+s17+$0x0], $0xffff;
	v29 =	vor.u32 v5, v27  }
0x129: {  	v23 =	vor.u32 v10, v27;
	[tilespmem:v57+s18+$0x0] =	vst.idx.msk $0xffff, v54;
	v27 =	vor.u32 v4, v11;
	v32 =	vld.idx.msk [tilespmem:v52+s17+$0x0], $0xffff  }
0x12a: {  	v57 =	vor.u32 v6, v46;
	v54 =	vor.u32 v5, v45;
	v30 =	vld.idx.msk [tilespmem:v33+s17+$0x0], $0xffff;
	v33 =	vor.u32 v12, v51  }
0x12b: {  	v42 =	vor.u32 v10, v31;
	v31 =	vor.u32 v10, v34;
	v34 =	vor.u32 v7, v46;
	v48 =	vld.idx.msk [tilespmem:v28+s17+$0x0], $0xffff  }
0x12c: {  	[tilespmem:v40+s18+$0x0] =	vst.idx.msk $0xffff, v21;
	v21 =	vadd.s32 $0x8, v0;
	v0 =	vor.u32 v10, v26;
	v14 =	vld.idx.msk [tilespmem:v14+s17+$0x0], $0xffff  }
0x12d: {  	v46 =	vor.u32 v12, v53;
	v47 =	vld.idx.msk [tilespmem:v47+s17+$0x0], $0xffff;
	v52 =	vor.u32 v5, v25;
	[tilespmem:v43+s18+$0x0] =	vst.idx.msk $0xffff, v56  }
0x12e: {  	v51 =	vor.u32 v13, v51;
	v26 =	vor.u32 v13, v53;
	v40 =	vld.idx.msk [tilespmem:v49+s17+$0x0], $0xffff;
	[tilespmem:v27+s18+$0x0] =	vst.idx.msk $0xffff, v32  }
0x12f: {  	v28 =	vor.u32 v13, v39;
	v39 =	vor.u32 v6, v11;
	[tilespmem:v33+s18+$0x0] =	vst.idx.msk $0xffff, v30;
	v49 =	vld.idx.msk [tilespmem:v54+s17+$0x0], $0xffff  }
0x130: {  	v43 =	vor.u32 v10, v38;
	v27 =	vor.u32 v13, v22;
	[tilespmem:v57+s18+$0x0] =	vst.idx.msk $0xffff, v48;
	v48 =	vld.idx.msk [tilespmem:v35+s17+$0x0], $0xffff  }
0x131: {  	v30 =	vor.u32 v7, v24;
	[tilespmem:v50+s18+$0x0] =	vst.idx.msk $0xffff, v14;
	v50 =	vor.u32 v5, v38;
	v35 =	vld.idx.msk [tilespmem:v0+s17+$0x0], $0xffff  }
0x132: {  	s28 =	simm.s32 $0x0;
	v33 =	vor.u32 v7, v20;
	v32 =	vor.u32 v10, v45;
	v45 =	vor.u32 v7, v11;
	v38 =	vld.idx.msk [tilespmem:v15+s17+$0x0], $0xffff  }
.LBB2_12:
0x133: {  	v0 =	vor.u32 v12, v22  }
0x134: {  	v14 =	vor.u32 v6, v24;
	v15 =	vor.u32 v6, v20;
	v22 =	vor.u32 v10, v25  }
0x135: {  	v11 =	vld.idx.msk [tilespmem:v31+s17+$0x0], $0xffff;
	v24 =	vadd.s32 v58, v21;
	v58 =	vadd.s32 v62, v21;
	[tilespmem:v44+s18+$0x0] =	vst.idx.msk $0xffff, v47  }
0x136: {  	v20 =	vld.idx.msk [tilespmem:v50+s17+$0x0], $0xffff;
	v31 =	vand.u32 $0x7F, v24;
	v24 =	vshll.u32 v24, $0x6;
	v54 =	vshll.u32 v58, $0x6;
	[tilespmem:v36+s18+$0x0] =	vst.idx.msk $0xffff, v48  }
0x137: {  	v62 =	vor.u32 v1, v31;
	v54 =	vand.u32 $0x1F80, v54;
	v25 =	vadd.s32 v55, v21;
	[tilespmem:v41+s18+$0x0] =	vst.idx.msk $0xffff, v40  }
0x138: {  	v57 =	vadd.s32 v61, v21;
	v44 =	vadd.s32 v18, v21;
	[tilespmem:v51+s18+$0x0] =	vst.idx.msk $0xffff, v35;
	v36 =	vld.idx.msk [tilespmem:v52+s17+$0x0], $0xffff  }
0x139: {  	v47 =	vadd.s32 v63, v21;
	[tilespmem:v39+s18+$0x0] =	vst.idx.msk $0xffff, v49;
	v48 =	vadd.s32 v59, v21;
	v29 =	vld.idx.msk [tilespmem:v29+s17+$0x0], $0xffff  }
0x13a: {  	v59 =	vadd.s32 v60, v21;
	v40 =	vand.u32 $0x7F, v58;
	v39 =	vand.u32 $0x7F, v44;
	[tilespmem:v15+s18+$0x0] =	vst.idx.msk $0xffff, v38;
	v15 =	vld.idx.msk [tilespmem:v32+s17+$0x0], $0xffff  }
0x13b: {  	v35 =	vand.u32 $0x7F, v57;
	v42 =	vld.idx.msk [tilespmem:v42+s17+$0x0], $0xffff;
	[tilespmem:v14+s18+$0x0] =	vst.idx.msk $0xffff, v20;
	v41 =	vshll.u32 v57, $0x6;
	v57 =	vor.u32 v1, v39  }
0x13c: {  	v50 =	vand.u32 $0x7F, v48;
	v60 =	vshll.u32 v59, $0x6;
	v56 =	vor.u32 v1, v40;
	v43 =	vld.idx.msk [tilespmem:v43+s17+$0x0], $0xffff  }
0x13d: {  	v32 =	vand.u32 $0x7F, v59;
	v38 =	vand.u32 $0x7F, v25;
	v61 =	vor.u32 v1, v50;
	v37 =	vld.idx.msk [tilespmem:v37+s17+$0x0], $0xffff;
	[tilespmem:v46+s18+$0x0] =	vst.idx.msk $0xffff, v36  }
0x13e: {  	v20 =	vand.u32 $0x1F80, v24;
	v24 =	vshll.u32 v47, $0x6;
	v53 =	vor.u32 v1, v35;
	[tilespmem:v0+s18+$0x0] =	vst.idx.msk $0xffff, v29;
	v0 =	vld.idx.msk [tilespmem:v22+s17+$0x0], $0xffff  }
0x13f: {  	v14 =	vor.u32 v1, v32;
	v58 =	vand.u32 $0x1F80, v24;
	[tilespmem:v45+s18+$0x0] =	vst.idx.msk $0xffff, v15;
	v22 =	vshll.u32 v25, $0x6;
	v23 =	vld.idx.msk [tilespmem:v23+s17+$0x0], $0xffff  }
0x140: {  	[tilespmem:v28+s18+$0x0] =	vst.idx.msk $0xffff, v42;
	v25 =	vshll.u32 v48, $0x6;
	v28 =	vld.idx.msk [tilespmem:v57+s17+$0x0], $0xffff;
	v24 =	vand.u32 $0x1F80, v22;
	v22 =	vshll.u32 v44, $0x6  }
0x141: {  	[tilespmem:v30+s18+$0x0] =	vst.idx.msk $0xffff, v43;
	v30 =	vld.idx.msk [tilespmem:v56+s17+$0x0], $0xffff;
	v56 =	vand.u32 $0x1F80, v60;
	v60 =	vor.u32 v2, v54;
	v57 =	vand.u32 $0x1F80, v22  }
0x142: {  	[tilespmem:v34+s18+$0x0] =	vst.idx.msk $0xffff, v11;
	v11 =	vld.idx.msk [tilespmem:v61+s17+$0x0], $0xffff;
	v61 =	vor.u32 v3, v40;
	v29 =	vor.u32 v8, v57  }
0x143: {  	v49 =	vor.u32 v3, v39;
	v51 =	vor.u32 v3, v50;
	[tilespmem:v33+s18+$0x0] =	vst.idx.msk $0xffff, v37;
	v22 =	vand.u32 $0x1F80, v25  }
0x144: {  	v46 =	vand.u32 $0x1F80, v41;
	v41 =	vor.u32 v2, v20;
	[tilespmem:v26+s18+$0x0] =	vst.idx.msk $0xffff, v0;
	v26 =	vor.u32 v8, v22  }
0x145: {  	v25 =	vand.u32 $0x7F, v47;
	v0 =	vld.idx.msk [tilespmem:v62+s17+$0x0], $0xffff;
	[tilespmem:v27+s18+$0x0] =	vst.idx.msk $0xffff, v23;
	v62 =	vor.u32 v1, v38  }
0x146: {  	v63 =	vor.u32 v8, v46;
	v47 =	vor.u32 v1, v25;
	v27 =	vld.idx.msk [tilespmem:v53+s17+$0x0], $0xffff;
	[tilespmem:v60+s18+$0x0] =	vst.idx.msk $0xffff, v30  }
0x147: {  	v15 =	vor.u32 v3, v31;
	v33 =	vor.u32 v3, v35;
	v30 =	vld.idx.msk [tilespmem:v61+s17+$0x0], $0xffff;
	[tilespmem:v29+s18+$0x0] =	vst.idx.msk $0xffff, v28  }
0x148: {  	v45 =	vor.u32 v4, v54;
	v34 =	vor.u32 v5, v39;
	v43 =	vor.u32 v2, v56;
	v28 =	vld.idx.msk [tilespmem:v49+s17+$0x0], $0xffff  }
0x149: {  	v61 =	vor.u32 v5, v40;
	[tilespmem:v26+s18+$0x0] =	vst.idx.msk $0xffff, v11;
	v11 =	vld.idx.msk [tilespmem:v14+s17+$0x0], $0xffff;
	v14 =	vor.u32 v9, v57  }
0x14a: {  	v23 =	vor.u32 v10, v50;
	v29 =	vor.u32 v5, v50;
	[tilespmem:v41+s18+$0x0] =	vst.idx.msk $0xffff, v0;
	v50 =	vld.idx.msk [tilespmem:v62+s17+$0x0], $0xffff  }
0x14b: {  	v59 =	vor.u32 v2, v24;
	v0 =	vor.u32 v3, v32;
	[tilespmem:v63+s18+$0x0] =	vst.idx.msk $0xffff, v27;
	v62 =	vld.idx.msk [tilespmem:v47+s17+$0x0], $0xffff  }
0x14c: {  	v63 =	vor.u32 v3, v38;
	v33 =	vld.idx.msk [tilespmem:v33+s17+$0x0], $0xffff  }
0x14d: {  	v52 =	vor.u32 v9, v46;
	v15 =	vld.idx.msk [tilespmem:v15+s17+$0x0], $0xffff;
	[tilespmem:v45+s18+$0x0] =	vst.idx.msk $0xffff, v30  }
0x14e: {  	v42 =	vor.u32 v8, v58;
	v53 =	vor.u32 v5, v35;
	v45 =	vld.idx.msk [tilespmem:v61+s17+$0x0], $0xffff;
	[tilespmem:v14+s18+$0x0] =	vst.idx.msk $0xffff, v28  }
0x14f: {  	v48 =	vor.u32 v4, v20;
	[tilespmem:v43+s18+$0x0] =	vst.idx.msk $0xffff, v11;
	v11 =	vor.u32 v3, v25;
	v14 =	vld.idx.msk [tilespmem:v34+s17+$0x0], $0xffff  }
0x150: {  	v36 =	vor.u32 v9, v58;
	[tilespmem:v59+s18+$0x0] =	vst.idx.msk $0xffff, v50;
	v59 =	vor.u32 v6, v54;
	v0 =	vld.idx.msk [tilespmem:v0+s17+$0x0], $0xffff  }
0x151: {  	v37 =	vor.u32 v10, v31;
	v44 =	vor.u32 v12, v46;
	v61 =	vld.idx.msk [tilespmem:v63+s17+$0x0], $0xffff;
	v63 =	vor.u32 v5, v31  }
0x152: {  	v55 =	vor.u32 v4, v24;
	[tilespmem:v52+s18+$0x0] =	vst.idx.msk $0xffff, v33;
	v31 =	vor.u32 v10, v40;
	v40 =	vld.idx.msk [tilespmem:v51+s17+$0x0], $0xffff  }
0x153: {  	v49 =	vor.u32 v4, v56;
	[tilespmem:v42+s18+$0x0] =	vst.idx.msk $0xffff, v62;
	v34 =	vor.u32 v12, v57;
	v47 =	vld.idx.msk [tilespmem:v53+s17+$0x0], $0xffff  }
0x154: {  	v28 =	vor.u32 v13, v46;
	v46 =	vor.u32 v10, v39;
	[tilespmem:v48+s18+$0x0] =	vst.idx.msk $0xffff, v15;
	v48 =	vld.idx.msk [tilespmem:v11+s17+$0x0], $0xffff  }
0x155: {  	s28 =	sadd.s32 $0x8, s28;
	v60 =	vor.u32 v5, v32;
	v41 =	vor.u32 v9, v22;
	[tilespmem:v59+s18+$0x0] =	vst.idx.msk $0xffff, v45;
	v59 =	vld [tilespmem:$0x1FFC0]  }
0x156: {  	p1 =	slt.u32 s28, $0x78;
	v26 =	vor.u32 v13, v58;
	v50 =	vor.u32 v5, v38;
	v43 =	vor.u32 v10, v38;
	v38 =	vld.idx.msk [tilespmem:v63+s17+$0x0], $0xffff  }
.Ltmp9:
0x157: {  	v27 =	vor.u32 v13, v22;
	v32 =	vor.u32 v10, v32;
	[tilespmem:v55+s18+$0x0] =	vst.idx.msk $0xffff, v61;
	v55 =	vld [tilespmem:$0x1FFF0];
	(pc) =	sbr.rel @p1 .LBB2_12-.Ltmp9, $4  }
0x158: {  	v21 =	vadd.s32 $0x8, v21;
	v30 =	vor.u32 v7, v24;
	v39 =	vor.u32 v6, v56;
	[tilespmem:v34+s18+$0x0] =	vst.idx.msk $0xffff, v14;
	v61 =	vld [tilespmem:$0x1FFE0]  }
0x159: {  	v42 =	vor.u32 v10, v35;
	v33 =	vor.u32 v7, v20;
	[tilespmem:v49+s18+$0x0] =	vst.idx.msk $0xffff, v0;
	v35 =	vld.idx.msk [tilespmem:v46+s17+$0x0], $0xffff  }
0x15a: {  	v52 =	vor.u32 v5, v25;
	v51 =	vor.u32 v13, v57;
	v45 =	vor.u32 v7, v56;
	v49 =	vld.idx.msk [tilespmem:v60+s17+$0x0], $0xffff  }
0x15b: {  	v62 =	vmovc v19;
	v34 =	vor.u32 v7, v54;
	v63 =	vmovc v16;
	v60 =	vld [tilespmem:$0x1FFD0];
	v46 =	vor.u32 v12, v58;
	v58 =	vlaneseq.u32  }
0x15c: {  	_ =	sdelay $0x3  }
0x15d: {  	v0 =	vor.u32 v6, v20;
	[tilespmem:v44+s18+$0x0] =	vst.idx.msk $0xffff, v47  }
0x15e: {  	v11 =	vor.u32 v6, v24;
	[tilespmem:v36+s18+$0x0] =	vst.idx.msk $0xffff, v48;
	v14 =	vld.idx.msk [tilespmem:v50+s17+$0x0], $0xffff  }
0x15f: {  	[tilespmem:v41+s18+$0x0] =	vst.idx.msk $0xffff, v40;
	v15 =	vld.idx.msk [tilespmem:v52+s17+$0x0], $0xffff  }
0x160: {  	v20 =	vor.u32 v12, v22;
	v21 =	vld.idx.msk [tilespmem:v29+s17+$0x0], $0xffff;
	[tilespmem:v51+s18+$0x0] =	vst.idx.msk $0xffff, v35  }
0x161: {  	v54 =	vor.u32 v10, v25;
	v57 =	vld.idx.msk [tilespmem:v42+s17+$0x0], $0xffff;
	[tilespmem:v39+s18+$0x0] =	vst.idx.msk $0xffff, v49  }
0x162: {  	[tilespmem:v0+s18+$0x0] =	vst.idx.msk $0xffff, v38;
	v0 =	vld.idx.msk [tilespmem:v32+s17+$0x0], $0xffff  }
0x163: {  	[tilespmem:v11+s18+$0x0] =	vst.idx.msk $0xffff, v14;
	v14 =	vld.idx.msk [tilespmem:v31+s17+$0x0], $0xffff  }
0x164: {  	v56 =	vld.idx.msk [tilespmem:v37+s17+$0x0], $0xffff;
	[tilespmem:v46+s18+$0x0] =	vst.idx.msk $0xffff, v15  }
0x165: {  	v11 =	vld.idx.msk [tilespmem:v43+s17+$0x0], $0xffff;
	[tilespmem:v20+s18+$0x0] =	vst.idx.msk $0xffff, v21  }
0x166: {  	[tilespmem:v28+s18+$0x0] =	vst.idx.msk $0xffff, v57;
	v15 =	vld.idx.msk [tilespmem:v54+s17+$0x0], $0xffff  }
0x167: {  	[tilespmem:v45+s18+$0x0] =	vst.idx.msk $0xffff, v0;
	v0 =	vld.idx.msk [tilespmem:v23+s17+$0x0], $0xffff  }
0x168: {  	[tilespmem:v34+s18+$0x0] =	vst.idx.msk $0xffff, v14  }
0x169: {  	[tilespmem:v33+s18+$0x0] =	vst.idx.msk $0xffff, v56  }
0x16a: {  	[tilespmem:v30+s18+$0x0] =	vst.idx.msk $0xffff, v11  }
0x16b: {  	s26 =	sshll.u32 s26, $0xA;
	[tilespmem:v26+s18+$0x0] =	vst.idx.msk $0xffff, v15  }
0x16c: {  	s26 =	sadd.s32 s6, s26;
	[tilespmem:v27+s18+$0x0] =	vst.idx.msk $0xffff, v0  }
0x16d: {  	[hbm4b:s26+s3] =	stream.linear.scatter [tilespmem:s18], [sflag:$0x7], $0x2000, $0x38;
	[tilespmem:$0x10000] =	vst v63  }
.LBB2_14:
.Ltmp10:
0x16e: {  	(pc) =	sbr.rel @p3 .LBB2_18-.Ltmp10, $1  }
0x16f: {  	_ =	sdelay $0x3  }
0x170: {  	v0 =	vimm.s32 $0x0  }
0x171: {  	s25 =	sadd.s32 $0x6, s25;
	v11 =	vadd.s32 v58, v0;
	v14 =	vadd.s32 v55, v0;
	v20 =	vadd.s32 v61, v0  }
0x172: {  	p1 =	sge.u32 s25, s5;
	v21 =	vadd.s32 v18, v0;
	v22 =	vadd.s32 v62, v0;
	v23 =	vadd.s32 v63, v0  }
0x173: {  	v24 =	vadd.s32 v59, v0;
	v25 =	vadd.s32 v60, v0;
	s25 =	sshll.u32 @!p1 s25, $0x7;
	v15 =	vand.u32 $0x7F, v11;
	s26 =	simm.s32 @!p1 $0x400  }
0x174: {  	s28 =	simm.s32 @!p1 $0x7A1400;
	s29 =	simm.s32 @!p1 $0x4000;
	v11 =	vshll.u32 v11, $0x6;
	v26 =	vand.u32 $0x7F, v21;
	v27 =	vand.u32 $0x7F, v24;
	s25 =	sadd.s32 @!p1 s1, s25  }
0x175: {  	v28 =	vshll.u32 v25, $0x6;
	v31 =	vand.u32 $0x7F, v20;
	v34 =	vand.u32 $0x7F, v22;
	[tilespmem:s29], [sflag:$0x3] =	stream.strided.gather @!p1 [hbm4b:s25+s26], $0x2000, s28, s26, $0x38;
	[tilespmem:$0x10000] =	vst v63  }
0x176: {  	v22 =	vshll.u32 v22, $0x6;
	v45 =	vand.u32 $0x7F, v25;
	v38 =	vand.u32 $0x7F, v14;
	_ =	swait.ge [sflag:s19], $0x2000  }
0x177: {  	v21 =	vshll.u32 v21, $0x6;
	v14 =	vshll.u32 v14, $0x6;
	v29 =	vor.u32 v1, v26;
	p1 =	seq.s32 s23, $0x0;
	[sflag:s19] =	ssyncset.done $0x0  }
0x178: {  	v30 =	vor.u32 v1, v27;
	v32 =	vor.u32 v1, v31;
	v35 =	vor.u32 v1, v34;
	s25 =	simm.s32 @!p1 $0x8;
	[sflag:s19] =	ssyncadd.s32 $0xFFFFE000  }
0x179: {  	v33 =	vor.u32 v1, v15;
	v36 =	vor.u32 v1, v45;
	v37 =	vor.u32 v3, v26;
	_ =	swait.ge @!p1 [sflag:s25], $0x2000  }
0x17a: {  	v51 =	vand.u32 $0x1F80, v21;
	v21 =	vshll.u32 v20, $0x6;
	v20 =	vand.u32 $0x1F80, v11;
	[sflag:s25] =	ssyncset.done @!p1 $0x0  }
0x17b: {  	v46 =	vand.u32 $0x1F80, v22;
	v41 =	vor.u32 v3, v34;
	v43 =	vor.u32 v1, v38;
	[sflag:s25] =	ssyncadd.s32 @!p1 $0xFFFFE000  }
0x17c: {  	v25 =	vor.u32 v8, v51;
	v39 =	vand.u32 $0x1F80, v21;
	v21 =	vshll.u32 v24, $0x6;
	v11 =	vld.idx.msk [tilespmem:v29+s20+$0x0], $0xffff  }
0x17d: {  	v42 =	vor.u32 v3, v15;
	v22 =	vand.u32 $0x1F80, v21;
	v21 =	vld.idx.msk [tilespmem:v35+s20+$0x0], $0xffff;
	v29 =	vor.u32 v2, v46  }
0x17e: {  	v47 =	vor.u32 v3, v31;
	v52 =	vor.u32 v3, v45;
	v40 =	vor.u32 v8, v22;
	v30 =	vld.idx.msk [tilespmem:v30+s20+$0x0], $0xffff  }
0x17f: {  	v49 =	vor.u32 v3, v27;
	v24 =	vshll.u32 v23, $0x6;
	v50 =	vor.u32 v2, v20;
	v33 =	vld.idx.msk [tilespmem:v33+s20+$0x0], $0xffff  }
0x180: {  	v44 =	vor.u32 v8, v39;
	v53 =	vand.u32 $0x1F80, v24;
	v24 =	vand.u32 $0x1F80, v14;
	v32 =	vld.idx.msk [tilespmem:v32+s20+$0x0], $0xffff  }
0x181: {  	v57 =	vor.u32 v9, v39;
	v35 =	vld.idx.msk [tilespmem:v43+s20+$0x0], $0xffff;
	v43 =	vor.u32 v4, v20;
	[tilespmem:v25+s21+$0x0] =	vst.idx.msk $0xffff, v11  }
0x182: {  	v11 =	vand.u32 $0x1F80, v28;
	v25 =	vand.u32 $0x7F, v23;
	[tilespmem:v29+s21+$0x0] =	vst.idx.msk $0xffff, v21;
	v29 =	vld.idx.msk [tilespmem:v36+s20+$0x0], $0xffff;
	v36 =	vor.u32 v2, v24  }
0x183: {  	v28 =	vor.u32 v9, v51;
	[tilespmem:v40+s21+$0x0] =	vst.idx.msk $0xffff, v30;
	v30 =	vor.u32 v4, v46;
	v23 =	vld.idx.msk [tilespmem:v37+s20+$0x0], $0xffff  }
0x184: {  	[tilespmem:v50+s21+$0x0] =	vst.idx.msk $0xffff, v33;
	v33 =	vor.u32 v5, v26;
	v21 =	vor.u32 v1, v25;
	v14 =	vld.idx.msk [tilespmem:v41+s20+$0x0], $0xffff  }
0x185: {  	v40 =	vor.u32 v8, v53;
	[tilespmem:v44+s21+$0x0] =	vst.idx.msk $0xffff, v32;
	v56 =	vor.u32 v2, v11  }
0x186: {  	v50 =	vor.u32 v4, v24;
	v44 =	vor.u32 v12, v39;
	v54 =	vld.idx.msk [tilespmem:v47+s20+$0x0], $0xffff;
	v47 =	vor.u32 v5, v31  }
0x187: {  	v41 =	vor.u32 v9, v22;
	v37 =	vor.u32 v10, v15;
	[tilespmem:v36+s21+$0x0] =	vst.idx.msk $0xffff, v35  }
0x188: {  	v15 =	vor.u32 v5, v15;
	[tilespmem:v28+s21+$0x0] =	vst.idx.msk $0xffff, v23;
	v28 =	vor.u32 v5, v34  }
0x189: {  	v36 =	vor.u32 v9, v53;
	v21 =	vld.idx.msk [tilespmem:v21+s20+$0x0], $0xffff;
	[tilespmem:v30+s21+$0x0] =	vst.idx.msk $0xffff, v14;
	v14 =	vor.u32 v3, v38  }
0x18a: {  	v35 =	vor.u32 v3, v25;
	[tilespmem:v56+s21+$0x0] =	vst.idx.msk $0xffff, v29;
	v56 =	vld.idx.msk [tilespmem:v42+s20+$0x0], $0xffff;
	v29 =	vor.u32 v5, v27  }
0x18b: {  	v23 =	vor.u32 v10, v27;
	[tilespmem:v57+s21+$0x0] =	vst.idx.msk $0xffff, v54;
	v27 =	vor.u32 v4, v11;
	v32 =	vld.idx.msk [tilespmem:v52+s20+$0x0], $0xffff  }
0x18c: {  	v57 =	vor.u32 v6, v46;
	v54 =	vor.u32 v5, v45;
	v30 =	vld.idx.msk [tilespmem:v33+s20+$0x0], $0xffff;
	v33 =	vor.u32 v12, v51  }
0x18d: {  	v42 =	vor.u32 v10, v31;
	v31 =	vor.u32 v10, v34;
	v34 =	vor.u32 v7, v46;
	v48 =	vld.idx.msk [tilespmem:v28+s20+$0x0], $0xffff  }
0x18e: {  	[tilespmem:v40+s21+$0x0] =	vst.idx.msk $0xffff, v21;
	v21 =	vadd.s32 $0x8, v0;
	v0 =	vor.u32 v10, v26;
	v14 =	vld.idx.msk [tilespmem:v14+s20+$0x0], $0xffff  }
0x18f: {  	v46 =	vor.u32 v12, v53;
	v47 =	vld.idx.msk [tilespmem:v47+s20+$0x0], $0xffff;
	v52 =	vor.u32 v5, v25;
	[tilespmem:v43+s21+$0x0] =	vst.idx.msk $0xffff, v56  }
0x190: {  	v51 =	vor.u32 v13, v51;
	v26 =	vor.u32 v13, v53;
	v40 =	vld.idx.msk [tilespmem:v49+s20+$0x0], $0xffff;
	[tilespmem:v27+s21+$0x0] =	vst.idx.msk $0xffff, v32  }
0x191: {  	v28 =	vor.u32 v13, v39;
	v39 =	vor.u32 v6, v11;
	[tilespmem:v33+s21+$0x0] =	vst.idx.msk $0xffff, v30;
	v49 =	vld.idx.msk [tilespmem:v54+s20+$0x0], $0xffff  }
0x192: {  	v43 =	vor.u32 v10, v38;
	v27 =	vor.u32 v13, v22;
	[tilespmem:v57+s21+$0x0] =	vst.idx.msk $0xffff, v48;
	v48 =	vld.idx.msk [tilespmem:v35+s20+$0x0], $0xffff  }
0x193: {  	v30 =	vor.u32 v7, v24;
	[tilespmem:v50+s21+$0x0] =	vst.idx.msk $0xffff, v14;
	v50 =	vor.u32 v5, v38;
	v35 =	vld.idx.msk [tilespmem:v0+s20+$0x0], $0xffff  }
0x194: {  	s25 =	simm.s32 $0x0;
	v33 =	vor.u32 v7, v20;
	v32 =	vor.u32 v10, v45;
	v45 =	vor.u32 v7, v11;
	v38 =	vld.idx.msk [tilespmem:v15+s20+$0x0], $0xffff  }
.LBB2_16:
0x195: {  	v0 =	vor.u32 v12, v22  }
0x196: {  	v14 =	vor.u32 v6, v24;
	v15 =	vor.u32 v6, v20;
	v22 =	vor.u32 v10, v25  }
0x197: {  	v11 =	vld.idx.msk [tilespmem:v31+s20+$0x0], $0xffff;
	v24 =	vadd.s32 v58, v21;
	v58 =	vadd.s32 v62, v21;
	[tilespmem:v44+s21+$0x0] =	vst.idx.msk $0xffff, v47  }
0x198: {  	v20 =	vld.idx.msk [tilespmem:v50+s20+$0x0], $0xffff;
	v31 =	vand.u32 $0x7F, v24;
	v24 =	vshll.u32 v24, $0x6;
	v54 =	vshll.u32 v58, $0x6;
	[tilespmem:v36+s21+$0x0] =	vst.idx.msk $0xffff, v48  }
0x199: {  	v62 =	vor.u32 v1, v31;
	v54 =	vand.u32 $0x1F80, v54;
	v25 =	vadd.s32 v55, v21;
	[tilespmem:v41+s21+$0x0] =	vst.idx.msk $0xffff, v40  }
0x19a: {  	v57 =	vadd.s32 v61, v21;
	v44 =	vadd.s32 v18, v21;
	[tilespmem:v51+s21+$0x0] =	vst.idx.msk $0xffff, v35;
	v36 =	vld.idx.msk [tilespmem:v52+s20+$0x0], $0xffff  }
0x19b: {  	v47 =	vadd.s32 v63, v21;
	[tilespmem:v39+s21+$0x0] =	vst.idx.msk $0xffff, v49;
	v48 =	vadd.s32 v59, v21;
	v29 =	vld.idx.msk [tilespmem:v29+s20+$0x0], $0xffff  }
0x19c: {  	v59 =	vadd.s32 v60, v21;
	v40 =	vand.u32 $0x7F, v58;
	v39 =	vand.u32 $0x7F, v44;
	[tilespmem:v15+s21+$0x0] =	vst.idx.msk $0xffff, v38;
	v15 =	vld.idx.msk [tilespmem:v32+s20+$0x0], $0xffff  }
0x19d: {  	v35 =	vand.u32 $0x7F, v57;
	v42 =	vld.idx.msk [tilespmem:v42+s20+$0x0], $0xffff;
	[tilespmem:v14+s21+$0x0] =	vst.idx.msk $0xffff, v20;
	v41 =	vshll.u32 v57, $0x6;
	v57 =	vor.u32 v1, v39  }
0x19e: {  	v50 =	vand.u32 $0x7F, v48;
	v60 =	vshll.u32 v59, $0x6;
	v56 =	vor.u32 v1, v40;
	v43 =	vld.idx.msk [tilespmem:v43+s20+$0x0], $0xffff  }
0x19f: {  	v32 =	vand.u32 $0x7F, v59;
	v38 =	vand.u32 $0x7F, v25;
	v61 =	vor.u32 v1, v50;
	v37 =	vld.idx.msk [tilespmem:v37+s20+$0x0], $0xffff;
	[tilespmem:v46+s21+$0x0] =	vst.idx.msk $0xffff, v36  }
0x1a0: {  	v20 =	vand.u32 $0x1F80, v24;
	v24 =	vshll.u32 v47, $0x6;
	v53 =	vor.u32 v1, v35;
	[tilespmem:v0+s21+$0x0] =	vst.idx.msk $0xffff, v29;
	v0 =	vld.idx.msk [tilespmem:v22+s20+$0x0], $0xffff  }
0x1a1: {  	v14 =	vor.u32 v1, v32;
	v58 =	vand.u32 $0x1F80, v24;
	[tilespmem:v45+s21+$0x0] =	vst.idx.msk $0xffff, v15;
	v22 =	vshll.u32 v25, $0x6;
	v23 =	vld.idx.msk [tilespmem:v23+s20+$0x0], $0xffff  }
0x1a2: {  	[tilespmem:v28+s21+$0x0] =	vst.idx.msk $0xffff, v42;
	v25 =	vshll.u32 v48, $0x6;
	v28 =	vld.idx.msk [tilespmem:v57+s20+$0x0], $0xffff;
	v24 =	vand.u32 $0x1F80, v22;
	v22 =	vshll.u32 v44, $0x6  }
0x1a3: {  	[tilespmem:v30+s21+$0x0] =	vst.idx.msk $0xffff, v43;
	v30 =	vld.idx.msk [tilespmem:v56+s20+$0x0], $0xffff;
	v56 =	vand.u32 $0x1F80, v60;
	v60 =	vor.u32 v2, v54;
	v57 =	vand.u32 $0x1F80, v22  }
0x1a4: {  	[tilespmem:v34+s21+$0x0] =	vst.idx.msk $0xffff, v11;
	v11 =	vld.idx.msk [tilespmem:v61+s20+$0x0], $0xffff;
	v61 =	vor.u32 v3, v40;
	v29 =	vor.u32 v8, v57  }
0x1a5: {  	v49 =	vor.u32 v3, v39;
	v51 =	vor.u32 v3, v50;
	[tilespmem:v33+s21+$0x0] =	vst.idx.msk $0xffff, v37;
	v22 =	vand.u32 $0x1F80, v25  }
0x1a6: {  	v46 =	vand.u32 $0x1F80, v41;
	v41 =	vor.u32 v2, v20;
	[tilespmem:v26+s21+$0x0] =	vst.idx.msk $0xffff, v0;
	v26 =	vor.u32 v8, v22  }
0x1a7: {  	v25 =	vand.u32 $0x7F, v47;
	v0 =	vld.idx.msk [tilespmem:v62+s20+$0x0], $0xffff;
	[tilespmem:v27+s21+$0x0] =	vst.idx.msk $0xffff, v23;
	v62 =	vor.u32 v1, v38  }
0x1a8: {  	v63 =	vor.u32 v8, v46;
	v47 =	vor.u32 v1, v25;
	v27 =	vld.idx.msk [tilespmem:v53+s20+$0x0], $0xffff;
	[tilespmem:v60+s21+$0x0] =	vst.idx.msk $0xffff, v30  }
0x1a9: {  	v15 =	vor.u32 v3, v31;
	v33 =	vor.u32 v3, v35;
	v30 =	vld.idx.msk [tilespmem:v61+s20+$0x0], $0xffff;
	[tilespmem:v29+s21+$0x0] =	vst.idx.msk $0xffff, v28  }
0x1aa: {  	v45 =	vor.u32 v4, v54;
	v34 =	vor.u32 v5, v39;
	v43 =	vor.u32 v2, v56;
	v28 =	vld.idx.msk [tilespmem:v49+s20+$0x0], $0xffff  }
0x1ab: {  	v61 =	vor.u32 v5, v40;
	[tilespmem:v26+s21+$0x0] =	vst.idx.msk $0xffff, v11;
	v11 =	vld.idx.msk [tilespmem:v14+s20+$0x0], $0xffff;
	v14 =	vor.u32 v9, v57  }
0x1ac: {  	v23 =	vor.u32 v10, v50;
	v29 =	vor.u32 v5, v50;
	[tilespmem:v41+s21+$0x0] =	vst.idx.msk $0xffff, v0;
	v50 =	vld.idx.msk [tilespmem:v62+s20+$0x0], $0xffff  }
0x1ad: {  	v59 =	vor.u32 v2, v24;
	v0 =	vor.u32 v3, v32;
	[tilespmem:v63+s21+$0x0] =	vst.idx.msk $0xffff, v27;
	v62 =	vld.idx.msk [tilespmem:v47+s20+$0x0], $0xffff  }
0x1ae: {  	v63 =	vor.u32 v3, v38;
	v33 =	vld.idx.msk [tilespmem:v33+s20+$0x0], $0xffff  }
0x1af: {  	v52 =	vor.u32 v9, v46;
	v15 =	vld.idx.msk [tilespmem:v15+s20+$0x0], $0xffff;
	[tilespmem:v45+s21+$0x0] =	vst.idx.msk $0xffff, v30  }
0x1b0: {  	v42 =	vor.u32 v8, v58;
	v53 =	vor.u32 v5, v35;
	v45 =	vld.idx.msk [tilespmem:v61+s20+$0x0], $0xffff;
	[tilespmem:v14+s21+$0x0] =	vst.idx.msk $0xffff, v28  }
0x1b1: {  	v48 =	vor.u32 v4, v20;
	[tilespmem:v43+s21+$0x0] =	vst.idx.msk $0xffff, v11;
	v11 =	vor.u32 v3, v25;
	v14 =	vld.idx.msk [tilespmem:v34+s20+$0x0], $0xffff  }
0x1b2: {  	v36 =	vor.u32 v9, v58;
	[tilespmem:v59+s21+$0x0] =	vst.idx.msk $0xffff, v50;
	v59 =	vor.u32 v6, v54;
	v0 =	vld.idx.msk [tilespmem:v0+s20+$0x0], $0xffff  }
0x1b3: {  	v37 =	vor.u32 v10, v31;
	v44 =	vor.u32 v12, v46;
	v61 =	vld.idx.msk [tilespmem:v63+s20+$0x0], $0xffff;
	v63 =	vor.u32 v5, v31  }
0x1b4: {  	v55 =	vor.u32 v4, v24;
	[tilespmem:v52+s21+$0x0] =	vst.idx.msk $0xffff, v33;
	v31 =	vor.u32 v10, v40;
	v40 =	vld.idx.msk [tilespmem:v51+s20+$0x0], $0xffff  }
0x1b5: {  	v49 =	vor.u32 v4, v56;
	[tilespmem:v42+s21+$0x0] =	vst.idx.msk $0xffff, v62;
	v34 =	vor.u32 v12, v57;
	v47 =	vld.idx.msk [tilespmem:v53+s20+$0x0], $0xffff  }
0x1b6: {  	v28 =	vor.u32 v13, v46;
	v46 =	vor.u32 v10, v39;
	[tilespmem:v48+s21+$0x0] =	vst.idx.msk $0xffff, v15;
	v48 =	vld.idx.msk [tilespmem:v11+s20+$0x0], $0xffff  }
0x1b7: {  	s25 =	sadd.s32 $0x8, s25;
	v60 =	vor.u32 v5, v32;
	v41 =	vor.u32 v9, v22;
	[tilespmem:v59+s21+$0x0] =	vst.idx.msk $0xffff, v45;
	v59 =	vld [tilespmem:$0x1FFC0]  }
0x1b8: {  	p1 =	slt.u32 s25, $0x78;
	v26 =	vor.u32 v13, v58;
	v50 =	vor.u32 v5, v38;
	v43 =	vor.u32 v10, v38;
	v38 =	vld.idx.msk [tilespmem:v63+s20+$0x0], $0xffff  }
.Ltmp11:
0x1b9: {  	v27 =	vor.u32 v13, v22;
	v32 =	vor.u32 v10, v32;
	[tilespmem:v55+s21+$0x0] =	vst.idx.msk $0xffff, v61;
	v55 =	vld [tilespmem:$0x1FFF0];
	(pc) =	sbr.rel @p1 .LBB2_16-.Ltmp11, $4  }
0x1ba: {  	v21 =	vadd.s32 $0x8, v21;
	v30 =	vor.u32 v7, v24;
	v39 =	vor.u32 v6, v56;
	[tilespmem:v34+s21+$0x0] =	vst.idx.msk $0xffff, v14;
	v61 =	vld [tilespmem:$0x1FFE0]  }
0x1bb: {  	v42 =	vor.u32 v10, v35;
	v33 =	vor.u32 v7, v20;
	[tilespmem:v49+s21+$0x0] =	vst.idx.msk $0xffff, v0;
	v35 =	vld.idx.msk [tilespmem:v46+s20+$0x0], $0xffff  }
0x1bc: {  	v52 =	vor.u32 v5, v25;
	v51 =	vor.u32 v13, v57;
	v45 =	vor.u32 v7, v56;
	v49 =	vld.idx.msk [tilespmem:v60+s20+$0x0], $0xffff  }
0x1bd: {  	v62 =	vmovc v19;
	v34 =	vor.u32 v7, v54;
	v63 =	vmovc v16;
	v60 =	vld [tilespmem:$0x1FFD0];
	v46 =	vor.u32 v12, v58;
	v58 =	vlaneseq.u32  }
0x1be: {  	_ =	sdelay $0x3  }
0x1bf: {  	v0 =	vor.u32 v6, v20;
	[tilespmem:v44+s21+$0x0] =	vst.idx.msk $0xffff, v47  }
0x1c0: {  	v11 =	vor.u32 v6, v24;
	[tilespmem:v36+s21+$0x0] =	vst.idx.msk $0xffff, v48;
	v14 =	vld.idx.msk [tilespmem:v50+s20+$0x0], $0xffff  }
0x1c1: {  	[tilespmem:v41+s21+$0x0] =	vst.idx.msk $0xffff, v40;
	v15 =	vld.idx.msk [tilespmem:v52+s20+$0x0], $0xffff  }
0x1c2: {  	v20 =	vor.u32 v12, v22;
	v21 =	vld.idx.msk [tilespmem:v29+s20+$0x0], $0xffff;
	[tilespmem:v51+s21+$0x0] =	vst.idx.msk $0xffff, v35  }
0x1c3: {  	v54 =	vor.u32 v10, v25;
	v57 =	vld.idx.msk [tilespmem:v42+s20+$0x0], $0xffff;
	[tilespmem:v39+s21+$0x0] =	vst.idx.msk $0xffff, v49  }
0x1c4: {  	[tilespmem:v0+s21+$0x0] =	vst.idx.msk $0xffff, v38;
	v0 =	vld.idx.msk [tilespmem:v32+s20+$0x0], $0xffff  }
0x1c5: {  	[tilespmem:v11+s21+$0x0] =	vst.idx.msk $0xffff, v14;
	v14 =	vld.idx.msk [tilespmem:v31+s20+$0x0], $0xffff  }
0x1c6: {  	v56 =	vld.idx.msk [tilespmem:v37+s20+$0x0], $0xffff;
	[tilespmem:v46+s21+$0x0] =	vst.idx.msk $0xffff, v15  }
0x1c7: {  	v11 =	vld.idx.msk [tilespmem:v43+s20+$0x0], $0xffff;
	[tilespmem:v20+s21+$0x0] =	vst.idx.msk $0xffff, v21  }
0x1c8: {  	[tilespmem:v28+s21+$0x0] =	vst.idx.msk $0xffff, v57;
	v15 =	vld.idx.msk [tilespmem:v54+s20+$0x0], $0xffff  }
0x1c9: {  	[tilespmem:v45+s21+$0x0] =	vst.idx.msk $0xffff, v0;
	v0 =	vld.idx.msk [tilespmem:v23+s20+$0x0], $0xffff  }
0x1ca: {  	[tilespmem:v34+s21+$0x0] =	vst.idx.msk $0xffff, v14  }
.Ltmp12:
0x1cb: {  	[tilespmem:v33+s21+$0x0] =	vst.idx.msk $0xffff, v56;
	(pc) =	sbr.rel .LBB2_18-.Ltmp12, $4  }
0x1cc: {  	[tilespmem:v30+s21+$0x0] =	vst.idx.msk $0xffff, v11  }
0x1cd: {  	s24 =	sshll.u32 s24, $0xA;
	[tilespmem:v26+s21+$0x0] =	vst.idx.msk $0xffff, v15  }
0x1ce: {  	s24 =	sadd.s32 s6, s24;
	[tilespmem:v27+s21+$0x0] =	vst.idx.msk $0xffff, v0  }
0x1cf: {  	[hbm4b:s24+s3] =	stream.linear.scatter [tilespmem:s21], [sflag:$0x8], $0x2000, $0x38;
	[tilespmem:$0x10000] =	vst v63  }
.LBB2_20:
0x1d0: {  	_ =	sfence.sel $0x180000  }
0x1d1: {  	[bflag:$0x0] =	sbarrier.arrive $0xFFFF  }
0x1d2: {  	p0 =	sne.s32 s0, $0x0;
	_ =	strace $0x90000047  }
0x1d3: {  	s0 =	sadd.s32 @!p0 $0x100000, s2;
	[bflag:$0x2] =	sbarrier.arrive $0xFFFF  }
0x1d4: {  	[sflag:s0] =	ssyncadd.tile.s32 @!p0 $0x1;
	_ =	shalt  }
.Lfunc_end2:
_tile_overlayer_lowered:
.L_overlay_start_2:
0x1d5: {  	(tag) =	ssettag $0x2  }
0x1d6: {  	s0 =	rddreg [dreg:$0x0];
	s2 =	stileid.u32  }
0x1d7: {  	s1 =	rddreg [dreg:$0x1];
	p0 =	sne.s32 s2, $0x0  }
0x1d8: {  	s3 =	rddreg [dreg:$0x2];
	[bflag:$0x3] =	sbarrier.arrive $0xFFFF;
	s2 =	simm.s32 @!p0 $0x1C09  }
0x1d9: {  	[timem:s3], [sflag:s2] =	dma.local @!p0 [hbm:s0], s1  }
0x1da: {  	s0 =	simm.s32 @!p0 $0x9  }
0x1db: {  	_ =	swait.ge @!p0 [sflag:s0], s1  }
0x1dc: {  	s1 =	ssub.s32 @!p0 $0x0, s1;
	[sflag:s0] =	ssyncset.done @!p0 $0x0  }
0x1dd: {  	[sflag:s0] =	ssyncadd.s32 @!p0 s1  }
0x1de: {  	[bflag:$0x3] =	sbarrier.arrive $0xFFFF  }
0x1df: {  	_ =	shalt  }

// kernel: kernel.8.cloned.1.call-start
scs
__scs_entry_jumppad:
0x0: {  	(pc) =	sbr.rel $0x88, $3  }
0x1: {  	(tag) =	ssettag $0x0;
	lr =	simm.s32 $0x1  }
0x2: {  	[smem:$0x3F9D] =	sst lr;
	_ =	strace $0xD0000000  }
0x3: {  	_ = 	snop  }
0x4: {  	_ = 	snop  }
0x5: {  	_ = 	snop  }
0x6: {  	_ = 	snop  }
0x7: {  	_ = 	snop  }
__scs_overlays_trampoline_lowered:
0x8: {  	[smem:$0x3FAC] =	sst s0  }
0x9: {  	[smem:$0x3FAD] =	sst s1  }
0xa: {  	[smem:$0x3FAE] =	sst s2  }
0xb: {  	[smem:$0x3FAF] =	sst s3  }
0xc: {  	[smem:$0x3FB0] =	sst s4  }
0xd: {  	[smem:$0x3FB1] =	sst s5  }
0xe: {  	[smem:$0x3FB2] =	sst s6  }
0xf: {  	[smem:$0x3FB3] =	sst s7  }
0x10: {  	[smem:$0x3FB4] =	sst s8  }
0x11: {  	[smem:$0x3FB5] =	sst s9;
	s0 =	simm.s32 @!p0 $0x0  }
0x12: {  	s1 =	sld [smem:$0x3F9B];
	s0 =	simm.s32 @p0 $0x1  }
0x13: {  	[smem:$0x3FB6] =	sst s0;
	s0 =	simm.s32 @!p1 $0x0  }
0x14: {  	s2 =	sld [smem:$0x3F9A];
	s0 =	simm.s32 @p1 $0x1  }
0x15: {  	[smem:$0x3FB7] =	sst s0;
	s0 =	simm.s32 @!p2 $0x0  }
0x16: {  	s3 =	sld [smem:$0x3FDB];
	s0 =	simm.s32 @p2 $0x1  }
0x17: {  	s4 =	simm.s32 $0x1BF5;
	[smem:$0x3FB9] =	sst s0  }
0x18: {  	s0 =	sld [smem:$0x3F9C];
	_ =	swait.ge [sflag:s4], $0x0  }
0x19: {  	s7 =	sld [smem:$0x3F9D]  }
0x1a: {  	s8 =	sadd.s32 $0xFFFFE003, lr  }
0x1b: {  	s9 =	sadd.s32 $0xFFFFFEF7, lr;
	s5 =	simm.s32 $0xFFFFFFFF;
	p2 =	slt.u32 s8, $0xFFFFF086  }
0x1c: {  	p1 =	slt.u32 s9, $0xF7A;
	s5 =	simm.s32 @!p2 $0x0  }
0x1d: {  	s5 =	simm.s32 @p1 $0x1;
	p0 =	seq.s32 s7, s2  }
0x1e: {  	s7 =	smul.u32 @!p0 $0xF7A, s2;
	p2 =	seq.s32 @!p0 s5, $0x0  }
0x1f: {  	s9 =	smul.u32 $0xF7A, s1;
	s8 =	simm.s32 @!p0 $0x1BF5;
	p2 =	por !p2, p0  }
0x20: {  	[sflag:s8] =	ssyncset.s32 @!p0 $0xFFFFF086;
	s6 =	sadd.s32 @!p0 s3, s7;
	s7 =	simm.s32 @!p0 $0x108  }
0x21: {  	s3 =	sadd.s32 s3, s9;
	s6 =	sadd.s32 @!p0 $0x88, s6;
	s7 =	simm.s32 @p2 $0x1082  }
0x22: {  	[simem:s7], [sflag:s8] =	dma.local @!p0 [hbm:s6], $0xF7A  }
0x23: {  	s9 =	sor.u32 $0xD0000000, s2;
	s6 =	simm.s32 $0x108;
	_ =	swait.ge @!p0 [sflag:s8], $0x0  }
0x24: {  	s3 =	sadd.s32 $0x88, s3;
	s6 =	simm.s32 @!p1 $0x1082;
	[sflag:s4] =	ssyncset.s32 $0xFFFFF086  }
0x25: {  	[simem:s6], [sflag:s4] =	dma.local [hbm:s3], $0xF7A  }
0x26: {  	[smem:$0x3F9D] =	sst s1;
	(tag) =	ssettag s2;
	_ =	strace s9  }
0x27: {  	s1 =	sld [smem:$0x3FAD]  }
0x28: {  	s2 =	sld [smem:$0x3FAE]  }
0x29: {  	s4 =	sld [smem:$0x3FB0]  }
0x2a: {  	p0 =	seq.s32 s5, $0x0;
	s5 =	sld [smem:$0x3FB1]  }
0x2b: {  	s6 =	sld [smem:$0x3FB2]  }
0x2c: {  	s7 =	sld [smem:$0x3FB3]  }
0x2d: {  	s3 =	simm.s32 $0x108;
	s8 =	sld [smem:$0x3FB4]  }
0x2e: {  	s3 =	simm.s32 @!p0 $0x1082;
	s9 =	sld [smem:$0x3FB5]  }
0x2f: {  	lr =	sadd.s32 s0, s3;
	s0 =	sld [smem:$0x3FAC]  }
0x30: {  	s3 =	sld [smem:$0x3FAF]  }
0x31: {  	[smem:$0x3FB8] =	sst s10  }
0x32: {  	s10 =	sld [smem:$0x3FB6];
	_ =	sdelay $0x3  }
0x33: {  	p0 =	seq.s32 s10, $0x1;
	s10 =	sld [smem:$0x3FB8];
	_ =	sdelay $0x3  }
0x34: {  	[smem:$0x3FB8] =	sst s10  }
0x35: {  	s10 =	sld [smem:$0x3FB7];
	_ =	sdelay $0x3  }
0x36: {  	p1 =	seq.s32 s10, $0x1;
	s10 =	sld [smem:$0x3FB8];
	_ =	sdelay $0x3  }
0x37: {  	[smem:$0x3FB8] =	sst s10  }
0x38: {  	s10 =	sld [smem:$0x3FB9]  }
0x39: {  	_ = 	snop;
	(pc) =	sbr.ind lr, $3  }
0x3a: {  	_ = 	snop  }
0x3b: {  	_ = 	snop  }
0x3c: {  	p2 =	seq.s32 s10, $0x1;
	s10 =	sld [smem:$0x3FB8]  }
0x3d: {  	_ =	shalt  }
0x3e: {  	_ =	shalt  }
0x3f: {  	_ =	shalt  }
0x40: {  	_ =	shalt  }
0x41: {  	_ =	shalt  }
0x42: {  	_ =	shalt  }
0x43: {  	_ =	shalt  }
0x44: {  	_ =	shalt  }
0x45: {  	_ =	shalt  }
0x46: {  	_ =	shalt  }
0x47: {  	_ =	shalt  }
0x48: {  	_ =	shalt  }
0x49: {  	_ =	shalt  }
0x4a: {  	_ =	shalt  }
0x4b: {  	_ =	shalt  }
0x4c: {  	_ =	shalt  }
0x4d: {  	_ =	shalt  }
0x4e: {  	_ =	shalt  }
0x4f: {  	_ =	shalt  }
0x50: {  	_ =	shalt  }
0x51: {  	_ =	shalt  }
0x52: {  	_ =	shalt  }
0x53: {  	_ =	shalt  }
0x54: {  	_ =	shalt  }
0x55: {  	_ =	shalt  }
0x56: {  	_ =	shalt  }
0x57: {  	_ =	shalt  }
0x58: {  	_ =	shalt  }
0x59: {  	_ =	shalt  }
0x5a: {  	_ =	shalt  }
0x5b: {  	_ =	shalt  }
0x5c: {  	_ =	shalt  }
0x5d: {  	_ =	shalt  }
0x5e: {  	_ =	shalt  }
0x5f: {  	_ =	shalt  }
0x60: {  	_ =	shalt  }
0x61: {  	_ =	shalt  }
0x62: {  	_ =	shalt  }
0x63: {  	_ =	shalt  }
0x64: {  	_ =	shalt  }
0x65: {  	_ =	shalt  }
0x66: {  	_ =	shalt  }
0x67: {  	_ =	shalt  }
0x68: {  	_ =	shalt  }
0x69: {  	_ =	shalt  }
0x6a: {  	_ =	shalt  }
0x6b: {  	_ =	shalt  }
0x6c: {  	_ =	shalt  }
0x6d: {  	_ =	shalt  }
0x6e: {  	_ =	shalt  }
0x6f: {  	_ =	shalt  }
0x70: {  	_ =	shalt  }
0x71: {  	_ =	shalt  }
0x72: {  	_ =	shalt  }
0x73: {  	_ =	shalt  }
0x74: {  	_ =	shalt  }
0x75: {  	_ =	shalt  }
0x76: {  	_ =	shalt  }
0x77: {  	_ =	shalt  }
0x78: {  	_ =	shalt  }
0x79: {  	_ =	shalt  }
0x7a: {  	_ =	shalt  }
0x7b: {  	_ =	shalt  }
0x7c: {  	_ =	shalt  }
0x7d: {  	_ =	shalt  }
0x7e: {  	_ =	shalt  }
0x7f: {  	_ =	shalt  }
0x80: {  	_ =	shalt  }
0x81: {  	_ =	shalt  }
0x82: {  	_ =	shalt  }
0x83: {  	_ =	shalt  }
0x84: {  	_ =	shalt  }
0x85: {  	_ =	shalt  }
0x86: {  	_ =	shalt  }
0x87: {  	_ =	shalt  }
.Lfunc_end0:
.L_simem_size_0:
called_computation.1_lowered:
.L_overlay_start_0:
0x88: {  	s2 =	sld [smem:$0x3FD9]  }
0x89: {  	s3 =	sld [smem:$0x3FFE];
	_ =	sdelay $0x1  }
0x8a: {  	s1 =	srdreg.scid  }
0x8b: {  	s0 =	sand.u32 $0x1, s1  }
0x8c: {  	s16 =	sshll.u32 s0, $0xA;
	s2 =	sadd.s32 s3, s2  }
0x8d: {  	s2 =	sadd.s32 s2, s16  }
0x8e: {  	[smem:$0x3FC4] =	sst s2  }
0x8f: {  	_ = 	snop  }
0x90: {  	(tm) =	ssettm $0x1  }
0x91: {  	s17 =	sld [smem:$0x3FFB];
	_ =	sdelay $0x3  }
0x92: {  	_ =	strace s17  }
0x93: {  	s2 =	sld [smem:$0x3FFC];
	_ =	sdelay $0x3  }
0x94: {  	_ =	strace s2  }
0x95: {  	s2 =	sld [smem:$0x3FFD];
	_ =	sdelay $0x3  }
0x96: {  	_ =	strace s2  }
0x97: {  	_ =	strace $0x8FFFFFFF  }
0x98: {  	s18 =	sld [smem:$0x3FDB];
	_ =	sdelay $0x1  }
0x99: {  	s19 =	simm.s32 $_scs_section_size  }
0x9a: {  	s4 =	simm.s32 $_size__tile_overlayer_lowered;
	s5 =	simm.s32 $_tile_overlayer_lowered  }
0x9b: {  	s22 =	simm.s32 $0x1BFF;
	s21 =	sshll.u32 s5, $0x1;
	s2 =	sadd.s32 s19, s18  }
0x9c: {  	s6 =	simm.s32 $0x0;
	s20 =	sshll.u32 s4, $0x1;
	s4 =	sadd.s32 s21, s2  }
0x9d: {  	[timem:s6], [sflag:s22] =	dma.local [hbm:s4], s20  }
0x9e: {  	_ =	swait.ge [sflag:s22], s20  }
0x9f: {  	s3 =	ssub.s32 $0x0, s20;
	[sflag:s22] =	ssyncset.done $0x0  }
0xa0: {  	[sflag:s22] =	ssyncadd.s32 s3;
	_ =	sdelay $0x1  }
0xa1: {  	s23 =	simm.s32 $0x1B8B  }
0xa2: {  	_ =	swait.ge [sflag:s23], $0x1  }
0xa3: {  	[sflag:s23] =	ssyncset.done $0x0  }
0xa4: {  	s25 =	simm.s32 $0x1B8E;
	s24 =	sld [smem:$0x3FFE];
	[sflag:s23] =	ssyncadd.s32 $0xFFFFFFFF  }
0xa5: {  	s26 =	simm.s32 $execute0_lowered;
	[smem:$0x3FD2] =	sst s25  }
0xa6: {  	s4 =	sshll.u32 s26, $0x1;
	_ =	strace $0x80000049;
	[dreg:$0x1] =	wrdreg $0xFFFFFFFF  }
0xa7: {  	s28 =	simm.s32 $_size_execute0_lowered;
	s2 =	sadd.s32 s2, s4;
	[dreg:$0x0] =	wrdreg $0x0  }
0xa8: {  	s4 =	sshll.u32 s28, $0x1;
	[dreg:$0x2] =	wrdreg s2  }
0xa9: {  	[dreg:$0x3] =	wrdreg s4  }
0xaa: {  	[dreg:$0x4] =	wrdreg $0xC0  }
0xab: {  	_ =	task [dreg:s6], $0x5FFFF  }
0xac: {  	[dreg:$0x1] =	wrdreg $0xFFFFFFFF  }
0xad: {  	[dreg:$0x0] =	wrdreg $0x60  }
0xae: {  	[dreg:$0x2] =	wrdreg s24  }
0xaf: {  	[dreg:$0x3] =	wrdreg $0x9  }
0xb0: {  	_ =	task.clear_ibuf [dreg:s6], $0x4FFFF;
	_ =	strace $0x90000049  }
0xb1: {  	s29 =	simm.s32 $0x9;
	_ =	strace $0x8000004B  }
0xb2: {  	_ =	swait.ge [sflag:s29], $0x1  }
0xb3: {  	[sflag:s29] =	ssyncadd.s32 $0xFFFFFFFF  }
0xb4: {  	_ =	strace $0x9000004B  }
0xb5: {  	_ =	sfence  }
0xb6: {  	s30 =	sld [smem:$0x0];
	_ =	sdelay $0x2  }
0xb7: {  	s31 =	sshll.u32 s1, $0xD;
	s1 =	sshrl.u32 s1, $0x2  }
0xb8: {  	s3 =	sand.u32 $0x4000, s31;
	s1 =	sadd.s32 s1, s30  }
0xb9: {  	s0 =	sor.u32 s3, s0;
	s1 =	sshll.u32 s1, $0x11  }
0xba: {  	s0 =	sor.u32 s1, s0  }
0xbb: {  	s0 =	sadd.s32 $0x8F2B, s0  }
0xbc: {  	[sflag:s0] =	ssyncadd.remote.s32 $0x1  }
0xbd: {  	_ =	sfence.sel $0xFFFF  }
0xbe: {  	[dreg:$0x0] =	wrdreg $0xFFFFFFFF;
	(pc) =	sbr.abs _section_cstart, $3  }
0xbf: {  	[dreg:$0x1] =	wrdreg $0xFFFFFFFF  }
0xc0: {  	_ =	task.clear_ibuf [dreg:s6], $0x2FFFF;
	_ =	strace $0x9FFFFFFF  }
0xc1: {  	(tm) =	ssettm $0x7FFFFFFF  }
tec
execute0_lowered:
.L_overlay_start_1:
0x0: {  	(tag) =	ssettag $0x1  }
0x1: {  	s0 =	srdreg.scid;
	s10 =	stileid.u32  }
0x2: {  	s1 =	rddreg [dreg:$0x0];
	s2 =	simm.s32 $0x0;
	s11 =	simm.s32 $0x5  }
0x3: {  	s12 =	simm.s32 $0x80;
	s13 =	simm.s32 $0x400;
	s19 =	simm.s32 $0x200  }
0x4: {  	s20 =	simm.s32 $0x8400;
	s21 =	simm.s32 $0x280;
	s22 =	simm.s32 $0xA400  }
0x5: {  	s28 =	simm.s32 $0x1;
	s29 =	simm.s32 $0x3;
	s30 =	simm.s32 $0x4  }
0x6: {  	s31 =	simm.s32 $0x0;
	s0 =	sand.u32 $0x1, s0;
	s6 =	smul.u32 $0x320000, s10  }
0x7: {  	s3 =	sshll.u32 s10, $0x1;
	[smem:$0x7FF] =	sst s2;
	s10 =	smul.u32 $0xC800, s10  }
0x8: {  	s4 =	sadd.s32 $0x7A2200, s1;
	s3 =	sor.u32 s0, s3;
	s8 =	smul.u32 $0x190000, s0  }
0x9: {  	_ =	strace $0x8000004A;
	s7 =	ssub.s32 $0x2, s0;
	s0 =	smul.u32 $0x6400, s0  }
0xa: {  	s5 =	smul.u32 $0x6400, s3;
	s3 =	sadd.s32 $0xE00, s1;
	s9 =	sshrl.u32 s7, $0x1  }
0xb: {  	s1 =	sadd.s32 $0x7BB200, s1;
	s8 =	sadd.s32 s8, s6;
	s23 =	ssub.s32 s7, s9  }
0xc: {  	s0 =	sadd.s32 s0, s10;
	s5 =	sshrl.u32 s5, $0x3;
	s24 =	sor.u32 $0x8000, s8  }
.Ltmp0:
0xd: {  	s6 =	smax.u32 s23, $0x1;
	s8 =	sshrl.u32 s8, $0x3;
	(pc) =	sbr.rel .LBB2_1-.Ltmp0, $4  }
0xe: {  	s25 =	sor.u32 $0x200, s0;
	s0 =	sadd.s32 $0x400, s0;
	s23 =	simm.s32 $0x300  }
0xf: {  	s5 =	sadd.s32 s4, s5;
	s7 =	sshrl.u32 s24, $0x3;
	s8 =	sadd.s32 s8, s1  }
0x10: {  	s26 =	sshrl.u32 s25, $0x3;
	s24 =	simm.s32 $0xC400;
	s25 =	simm.s32 $0x380  }
0x11: {  	s7 =	sadd.s32 s7, s1;
	s1 =	sadd.s32 s26, s4;
	s26 =	simm.s32 $0xE400  }
.LBB2_6:
0x12: {  	s31 =	sadd.s32 $0x1, s31  }
0x13: {  	_ =	swait.ge [sflag:s29], $0x8000;
	p0 =	sne.s32 s31, s6  }
.Ltmp1:
0x14: {  	[sflag:s29] =	ssyncset.done $0x0;
	(pc) =	sbr.rel @!p0 .LBB2_7-.Ltmp1, $4  }
0x15: {  	[sflag:s29] =	ssyncadd.s32 $0xFFFF8000  }
0x16: {  	_ =	swait.ge [sflag:s30], $0x8000  }
0x17: {  	[sflag:s30] =	ssyncset.done $0x0  }
0x18: {  	[sflag:s30] =	ssyncadd.s32 $0xFFFF8000  }
.LBB2_1:
0x19: {  	[tilespmem:s2], [sflag:$0x5] =	stream.linear.gather [hbm4b:s5+s2], $0x200, $0x38;
	[tilespmem:$0x10400] =	vst v63  }
0x1a: {  	_ =	swait.ge [sflag:s11], $0x200  }
0x1b: {  	[sflag:s11] =	ssyncset.done $0x0  }
0x1c: {  	[sflag:s11] =	ssyncadd.s32 $0xFFFFFE00  }
0x1d: {  	[tilespmem:s13], [sflag:$0x1] =	stream.indirect.gather [hbm4b:s3+s12], $0x40, s2, s12, $0xb8;
	[tilespmem:$0x10400] =	vst v63  }
0x1e: {  	s9 =	simm.s32 $0x2400  }
0x1f: {  	[tilespmem:s9], [sflag:$0x1] =	stream.indirect.gather [hbm4b:s3+s12], $0x40, s12, s12, $0xb8;
	[tilespmem:$0x10400] =	vst v63  }
.Ltmp2:
0x20: {  	s16 =	simm.s32 $0x100;
	s10 =	simm.s32 $0x4400;
	(pc) =	sbr.rel .LBB2_2-.Ltmp2, $4  }
0x21: {  	s17 =	simm.s32 $0x180;
	s18 =	simm.s32 $0x6400;
	s14 =	simm.s32 $0x0  }
0x22: {  	[tilespmem:s10], [sflag:$0x1] =	stream.indirect.gather [hbm4b:s3+s12], $0x40, s16, s12, $0xb8;
	[tilespmem:$0x10400] =	vst v63  }
0x23: {  	s15 =	simm.s32 $0x0;
	s9 =	smov.u32 s0;
	s10 =	smov.u32 s1  }
0x24: {  	[tilespmem:s18], [sflag:$0x1] =	stream.indirect.gather [hbm4b:s3+s12], $0x40, s17, s12, $0xb8;
	[tilespmem:$0x10400] =	vst v63  }
.LBB2_5:
0x25: {  	[tilespmem:s19], [sflag:$0x5] =	stream.linear.gather [hbm4b:s10+s2], $0x200, $0x38;
	[tilespmem:$0x10400] =	vst v63  }
0x26: {  	_ =	swait.ge [sflag:s11], $0x200  }
0x27: {  	[sflag:s11] =	ssyncset.done $0x0  }
0x28: {  	[sflag:s11] =	ssyncadd.s32 $0xFFFFFE00  }
0x29: {  	[tilespmem:s20], [sflag:$0x2] =	stream.indirect.gather [hbm4b:s3+s12], $0x40, s19, s12, $0xb8;
	[tilespmem:$0x10400] =	vst v63  }
0x2a: {  	_ = 	snop  }
0x2b: {  	[tilespmem:s22], [sflag:$0x2] =	stream.indirect.gather [hbm4b:s3+s12], $0x40, s21, s12, $0xb8;
	[tilespmem:$0x10400] =	vst v63  }
0x2c: {  	_ = 	snop  }
0x2d: {  	[tilespmem:s24], [sflag:$0x2] =	stream.indirect.gather [hbm4b:s3+s12], $0x40, s23, s12, $0xb8;
	[tilespmem:$0x10400] =	vst v63  }
0x2e: {  	_ = 	snop  }
0x2f: {  	[tilespmem:s26], [sflag:$0x2] =	stream.indirect.gather [hbm4b:s3+s12], $0x40, s25, s12, $0xb8;
	[tilespmem:$0x10400] =	vst v63  }
0x30: {  	_ =	swait.ge [sflag:s28], $0x2000  }
0x31: {  	[sflag:s28] =	ssyncset.done $0x0  }
0x32: {  	[sflag:s28] =	ssyncadd.s32 $0xFFFFE000  }
0x33: {  	_ =	swait.ge [sflag:s28], $0x2000  }
0x34: {  	[sflag:s28] =	ssyncset.done $0x0  }
0x35: {  	[sflag:s28] =	ssyncadd.s32 $0xFFFFE000  }
0x36: {  	_ =	swait.ge [sflag:s28], $0x2000  }
0x37: {  	[sflag:s28] =	ssyncset.done $0x0  }
0x38: {  	[sflag:s28] =	ssyncadd.s32 $0xFFFFE000  }
0x39: {  	p0 =	seq.s32 s14, $0x32000;
	_ =	swait.ge [sflag:s28], $0x2000  }
0x3a: {  	p1 =	sgt.u32 @!p0 s15, $0x17;
	[sflag:s28] =	ssyncset.done $0x0  }
0x3b: {  	s16 =	sadd.s32 s14, s8;
	p1 =	por p1, p0;
	[sflag:s28] =	ssyncadd.s32 $0xFFFFE000  }
0x3c: {  	[hbm4b:s16+s2] =	stream.linear.scatter [tilespmem:s13], [sflag:$0x3], $0x8000, $0x38;
	[tilespmem:$0x10400] =	vst v63  }
0x3d: {  	s16 =	simm.s32 @!p1 $0x3  }
0x3e: {  	_ =	swait.ge @!p1 [sflag:s16], $0x8000  }
0x3f: {  	s17 =	sshrl.u32 @!p1 s9, $0x3;
	[sflag:s16] =	ssyncset.done @!p1 $0x0  }
0x40: {  	[sflag:s16] =	ssyncadd.s32 @!p1 $0xFFFF8000;
	s16 =	sadd.s32 @!p1 s4, s17;
	s17 =	simm.s32 @!p1 $0x0  }
0x41: {  	[tilespmem:s17], [sflag:$0x5] =	stream.linear.gather @!p1 [hbm4b:s16+s17], $0x200, $0x38;
	[tilespmem:$0x10400] =	vst v63  }
0x42: {  	s16 =	simm.s32 @!p1 $0x5  }
0x43: {  	_ =	swait.ge @!p1 [sflag:s16], $0x200  }
0x44: {  	[sflag:s16] =	ssyncset.done @!p1 $0x0  }
0x45: {  	s18 =	simm.s32 @!p1 $0x400;
	[sflag:s16] =	ssyncadd.s32 @!p1 $0xFFFFFE00;
	s16 =	simm.s32 @!p1 $0x80  }
0x46: {  	[tilespmem:s18], [sflag:$0x1] =	stream.indirect.gather @!p1 [hbm4b:s3+s16], $0x40, s17, s16, $0xb8;
	[tilespmem:$0x10400] =	vst v63  }
0x47: {  	s17 =	simm.s32 @!p1 $0x2400  }
0x48: {  	[tilespmem:s17], [sflag:$0x1] =	stream.indirect.gather @!p1 [hbm4b:s3+s16], $0x40, s16, s16, $0xb8;
	[tilespmem:$0x10400] =	vst v63  }
0x49: {  	s18 =	simm.s32 @!p1 $0x4400;
	s17 =	simm.s32 @!p1 $0x100  }
0x4a: {  	[tilespmem:s18], [sflag:$0x1] =	stream.indirect.gather @!p1 [hbm4b:s3+s16], $0x40, s17, s16, $0xb8;
	[tilespmem:$0x10400] =	vst v63  }
0x4b: {  	s17 =	simm.s32 @!p1 $0x180;
	s18 =	simm.s32 @!p1 $0x6400  }
0x4c: {  	[tilespmem:s18], [sflag:$0x1] =	stream.indirect.gather @!p1 [hbm4b:s3+s16], $0x40, s17, s16, $0xb8;
	[tilespmem:$0x10400] =	vst v63  }
0x4d: {  	s16 =	simm.s32 @!p0 $0x2  }
0x4e: {  	_ =	swait.ge @!p0 [sflag:s16], $0x2000  }
0x4f: {  	[sflag:s16] =	ssyncset.done @!p0 $0x0  }
0x50: {  	[sflag:s16] =	ssyncadd.s32 @!p0 $0xFFFFE000  }
0x51: {  	_ =	swait.ge @!p0 [sflag:s16], $0x2000  }
0x52: {  	[sflag:s16] =	ssyncset.done @!p0 $0x0  }
0x53: {  	[sflag:s16] =	ssyncadd.s32 @!p0 $0xFFFFE000  }
0x54: {  	_ =	swait.ge @!p0 [sflag:s16], $0x2000  }
0x55: {  	[sflag:s16] =	ssyncset.done @!p0 $0x0  }
0x56: {  	[sflag:s16] =	ssyncadd.s32 @!p0 $0xFFFFE000  }
0x57: {  	_ =	swait.ge @!p0 [sflag:s16], $0x2000  }
0x58: {  	[sflag:s16] =	ssyncset.done @!p0 $0x0  }
0x59: {  	[sflag:s16] =	ssyncadd.s32 @!p0 $0xFFFFE000;
	s16 =	sadd.s32 @!p0 s14, s7;
	s14 =	sadd.s32 @!p0 $0x2000, s14  }
0x5a: {  	p1 =	sne.s32 @!p0 s14, $0x34000  }
0x5b: {  	p1 =	por p0, !p1  }
.Ltmp3:
0x5c: {  	_ = 	snop;
	(pc) =	sbr.rel @p1 .LBB2_6-.Ltmp3, $4  }
0x5d: {  	_ = 	snop  }
0x5e: {  	s15 =	sadd.s32 @!p0 $0x1, s15;
	s10 =	sadd.s32 @!p0 $0x80, s10  }
0x5f: {  	s9 =	sadd.s32 @!p0 $0x400, s9;
	s17 =	simm.s32 @!p0 $0x0;
	s18 =	simm.s32 @!p0 $0x8400  }
0x60: {  	[hbm4b:s16+s17] =	stream.linear.scatter @!p0 [tilespmem:s18], [sflag:$0x4], $0x8000, $0x38;
	[tilespmem:$0x10400] =	vst v63  }
.LBB2_2:
0x61: {  	p0 =	seq.s32 s15, $0x0  }
.Ltmp4:
0x62: {  	_ = 	snop;
	(pc) =	sbr.rel @p0 .LBB2_5-.Ltmp4, $1  }
0x63: {  	_ =	sdelay $0x3  }
0x64: {  	p0 =	seq.s32 s15, $0x19  }
.Ltmp5:
0x65: {  	_ = 	snop;
	(pc) =	sbr.rel @p0 .LBB2_6-.Ltmp5, $1  }
0x66: {  	_ =	sdelay $0x3  }
.Ltmp6:
0x67: {  	(pc) =	sbr.rel .LBB2_5-.Ltmp6, $4  }
0x68: {  	_ = 	snop  }
0x69: {  	_ =	swait.ge [sflag:s30], $0x8000  }
0x6a: {  	[sflag:s30] =	ssyncset.done $0x0  }
0x6b: {  	[sflag:s30] =	ssyncadd.s32 $0xFFFF8000  }
.LBB2_7:
0x6c: {  	_ =	sfence.sel $0x180000  }
0x6d: {  	[bflag:$0x0] =	sbarrier.arrive $0xFFFF  }
0x6e: {  	_ =	strace $0x9000004A  }
0x6f: {  	s0 =	stileid.u32;
	[bflag:$0x2] =	sbarrier.arrive $0xFFFF  }
0x70: {  	p0 =	sne.s32 s0, $0x0;
	s0 =	rddreg [dreg:$0x1]  }
0x71: {  	s0 =	sadd.s32 @!p0 $0x100000, s0  }
0x72: {  	[sflag:s0] =	ssyncadd.tile.s32 @!p0 $0x1;
	_ =	shalt  }
.Lfunc_end2:
_tile_overlayer_lowered:
.L_overlay_start_2:
0x73: {  	(tag) =	ssettag $0x2  }
0x74: {  	s0 =	rddreg [dreg:$0x0];
	s2 =	stileid.u32  }
0x75: {  	s1 =	rddreg [dreg:$0x1];
	p0 =	sne.s32 s2, $0x0  }
0x76: {  	s3 =	rddreg [dreg:$0x2];
	[bflag:$0x3] =	sbarrier.arrive $0xFFFF;
	s2 =	simm.s32 @!p0 $0x1C05  }
0x77: {  	[timem:s3], [sflag:s2] =	dma.local @!p0 [hbm:s0], s1  }
0x78: {  	s0 =	simm.s32 @!p0 $0x5  }
0x79: {  	_ =	swait.ge @!p0 [sflag:s0], s1  }
0x7a: {  	s1 =	ssub.s32 @!p0 $0x0, s1;
	[sflag:s0] =	ssyncset.done @!p0 $0x0  }
0x7b: {  	[sflag:s0] =	ssyncadd.s32 @!p0 s1  }
0x7c: {  	[bflag:$0x3] =	sbarrier.arrive $0xFFFF  }
0x7d: {  	_ =	shalt  }

</sc_bundles>
